<compile_context>
chip_gen: v7x
topology: tpu7x:2x2x1
jax: 0.10.2.dev20260603
libtpu: 0.0.44.dev20260713+nightly
codegen_flags: <defaults>
</compile_context>

<pallas_src>
import functools
import math

import jax
import jax.numpy as jnp
from jax import lax
from jax.experimental import pallas as pl
from jax.experimental.pallas import tpu as pltpu
from jax.experimental.pallas import tpu_sc as plsc

_NC = 2
_NS = 16
_NW = _NC * _NS




def _make_gather3(E, R, H, C):
  per_w = E // _NW
  n_chunks = per_w // C
  mesh = plsc.VectorSubcoreMesh(core_axis_name="c", subcore_axis_name="s")
  f32 = jnp.float32

  @functools.partial(
      pl.kernel, mesh=mesh,
      out_type=[
          jax.ShapeDtypeStruct((E, H), f32),
          jax.ShapeDtypeStruct((E, H), f32),
          jax.ShapeDtypeStruct((E, H), f32),
      ],
      scratch_types=[
          pltpu.VMEM((C,), jnp.int32),
          pltpu.VMEM((C,), jnp.int32),
          pltpu.VMEM((C, H), f32),
          pltpu.VMEM((C, H), f32),
          pltpu.VMEM((C, H), f32),
          pltpu.SemaphoreType.DMA,
      ],
  )
  def gather3(ktab_hbm, q_hbm, vtab_hbm, sr_hbm, dst_hbm,
              kout, qout, vout, sr_v, dst_v, krows, qrows, vrows, sem):
    wid = lax.axis_index("s") * _NC + lax.axis_index("c")
    base_w = wid * per_w

    def body(i, _):
      base = base_w + i * C
      pltpu.sync_copy(sr_hbm.at[pl.ds(base, C)], sr_v)
      pltpu.sync_copy(dst_hbm.at[pl.ds(base, C)], dst_v)
      ck = pltpu.async_copy(ktab_hbm.at[sr_v], krows, sem)
      cq = pltpu.async_copy(q_hbm.at[dst_v], qrows, sem)
      cv = pltpu.async_copy(vtab_hbm.at[sr_v], vrows, sem)
      ck.wait()
      cq.wait()
      cv.wait()
      pltpu.sync_copy(krows, kout.at[pl.ds(base, C)])
      pltpu.sync_copy(qrows, qout.at[pl.ds(base, C)])
      pltpu.sync_copy(vrows, vout.at[pl.ds(base, C)])
      return _

    lax.fori_loop(0, n_chunks, body, None)

  return gather3




def _tables_body(h_ref, rel_ref, wq_ref, wk_ref, wv_ref, q_ref, kt_ref, vt_ref):
  hb = h_ref[...]
  q_ref[...] = jnp.dot(hb, wq_ref[...],
                       preferred_element_type=jnp.float32) * (1.0 / math.sqrt(32.0))
  hs = hb[:, None, :] + rel_ref[...][None, :, :]
  hs = jnp.where(hs >= 0, hs, 0.25 * hs)
  hs2 = hs.reshape(-1, hs.shape[-1])
  kt_ref[...] = jnp.dot(hs2, wk_ref[...],
                        preferred_element_type=jnp.float32).reshape(hs.shape)
  vt_ref[...] = jnp.dot(hs2, wv_ref[...],
                        preferred_element_type=jnp.float32).reshape(hs.shape)


def _make_tables(h, relvectors, Wq, Wk, Wv, block_n=400):
  N, H = h.shape
  NR = relvectors.shape[0]
  grid = N // block_n
  q, kt, vt = pl.pallas_call(
      _tables_body,
      grid=(grid,),
      in_specs=[
          pl.BlockSpec((block_n, H), lambda i: (i, 0)),
          pl.BlockSpec((NR, H), lambda i: (0, 0)),
          pl.BlockSpec((H, H), lambda i: (0, 0)),
          pl.BlockSpec((H, H), lambda i: (0, 0)),
          pl.BlockSpec((H, H), lambda i: (0, 0)),
      ],
      out_specs=[
          pl.BlockSpec((block_n, H), lambda i: (i, 0)),
          pl.BlockSpec((block_n, NR, H), lambda i: (i, 0, 0)),
          pl.BlockSpec((block_n, NR, H), lambda i: (i, 0, 0)),
      ],
      out_shape=[
          jax.ShapeDtypeStruct((N, H), jnp.float32),
          jax.ShapeDtypeStruct((N, NR, H), jnp.float32),
          jax.ShapeDtypeStruct((N, NR, H), jnp.float32),
      ],
  )(h, relvectors, Wq, Wk, Wv)
  return q, kt, vt




def _ew_scale_body(k_ref, q_ref, v_ref, ew_ref, sc_ref):
  kq = k_ref[...] * q_ref[...]
  B = kq.shape[0]
  w = jnp.sum(kq.reshape(B, 4, 32), axis=-1)
  ew = jnp.exp(w)
  ew_ref[...] = ew
  ewb = jnp.broadcast_to(ew[:, :, None], (B, 4, 32)).reshape(B, 128)
  sc_ref[...] = v_ref[...] * ewb


def _ew_scale(krows, qrows, vrows, block_e=2000):
  E, H = krows.shape
  grid = E // block_e
  ew4, scaled = pl.pallas_call(
      _ew_scale_body,
      grid=(grid,),
      in_specs=[
          pl.BlockSpec((block_e, H), lambda i: (i, 0)),
          pl.BlockSpec((block_e, H), lambda i: (i, 0)),
          pl.BlockSpec((block_e, H), lambda i: (i, 0)),
      ],
      out_specs=[
          pl.BlockSpec((block_e, 4), lambda i: (i, 0)),
          pl.BlockSpec((block_e, H), lambda i: (i, 0)),
      ],
      out_shape=[
          jax.ShapeDtypeStruct((E, 4), jnp.float32),
          jax.ShapeDtypeStruct((E, H), jnp.float32),
      ],
  )(krows, qrows, vrows)
  return ew4, scaled




def _sr_body(src_ref, rid_ref, sr_ref, *, nr):
  sr_ref[...] = src_ref[...] * nr + rid_ref[...]


def _make_sr(src, rid, nr):
  E = src.shape[0]
  src2 = src.reshape(E // 128, 128)
  rid2 = rid.reshape(E // 128, 128)
  sr = pl.pallas_call(
      functools.partial(_sr_body, nr=nr),
      out_shape=jax.ShapeDtypeStruct((E // 128, 128), jnp.int32),
  )(src2, rid2)
  return sr.reshape(E)




def _ln(x, g, b, eps=1e-5):
  mu = jnp.mean(x, axis=-1, keepdims=True)
  var = jnp.mean((x - mu) ** 2, axis=-1, keepdims=True)
  return (x - mu) * jax.lax.rsqrt(var + eps) * g + b


def _final_body(red_ref, den_ref, h_ref, wa_ref, ba_ref, ga_ref, bba_ref,
                w1_ref, b1_ref, w2_ref, b2_ref, gf_ref, bf_ref, out_ref):
  den = den_ref[...]
  B = den.shape[0]
  nh = 4
  dh = 32
  denb = jnp.broadcast_to(den[:, :, None], (B, nh, dh)).reshape(B, nh * dh)
  red = red_ref[...] / (denb + 1e-20)
  summ = jnp.dot(red, wa_ref[...], preferred_element_type=jnp.float32) \
      + ba_ref[...]
  hh = _ln(summ + h_ref[...], ga_ref[...], bba_ref[...])
  x = jnp.dot(hh, w1_ref[...], preferred_element_type=jnp.float32) + b1_ref[...]
  x = jnp.where(x > 0, x, jnp.exp(jnp.minimum(x, 0.0)) - 1.0)
  x = jnp.dot(x, w2_ref[...], preferred_element_type=jnp.float32) + b2_ref[...]
  out_ref[...] = _ln(hh + x, gf_ref[...], bf_ref[...])


def _final_phase(red, den, h, Wa, ba, g_att, b_att, W1, b1, W2, b2,
                 g_fin, b_fin, block_n=400):
  N, H = h.shape
  Z = W1.shape[1]
  grid = N // block_n
  row = lambda v: v.reshape(1, -1)
  out = pl.pallas_call(
      _final_body,
      grid=(grid,),
      in_specs=[
          pl.BlockSpec((block_n, H), lambda i: (i, 0)),
          pl.BlockSpec((block_n, 4), lambda i: (i, 0)),
          pl.BlockSpec((block_n, H), lambda i: (i, 0)),
          pl.BlockSpec((H, H), lambda i: (0, 0)),
          pl.BlockSpec((1, H), lambda i: (0, 0)),
          pl.BlockSpec((1, H), lambda i: (0, 0)),
          pl.BlockSpec((1, H), lambda i: (0, 0)),
          pl.BlockSpec((H, Z), lambda i: (0, 0)),
          pl.BlockSpec((1, Z), lambda i: (0, 0)),
          pl.BlockSpec((Z, H), lambda i: (0, 0)),
          pl.BlockSpec((1, H), lambda i: (0, 0)),
          pl.BlockSpec((1, H), lambda i: (0, 0)),
          pl.BlockSpec((1, H), lambda i: (0, 0)),
      ],
      out_specs=pl.BlockSpec((block_n, H), lambda i: (i, 0)),
      out_shape=jax.ShapeDtypeStruct((N, H), jnp.float32),
  )(red, den, h, Wa, row(ba), row(g_att), row(b_att), W1, row(b1),
    W2, row(b2), row(g_fin), row(b_fin))
  return out




def kernel(h, edge_index, edge_id, relvectors, Wq, Wk, Wv, Wa, ba, g_att,
           b_att, W1, b1, W2, b2, g_fin, b_fin):
  N, H = h.shape
  NR = relvectors.shape[0]
  src = edge_index[0]
  dst = edge_index[1]

  q, ktab, vtab = _make_tables(h, relvectors, Wq, Wk, Wv)
  sr = _make_sr(src, edge_id, NR)
  gather3 = _make_gather3(src.shape[0], N * NR, H, C=80)
  krows, qrows, vrows = gather3(ktab.reshape(-1, H), q, vtab.reshape(-1, H),
                                sr, dst)
  ew4, scaled = _ew_scale(krows, qrows, vrows)
  red = jax.ops.segment_sum(scaled, dst, num_segments=N)
  den = jax.ops.segment_sum(ew4, dst, num_segments=N)
  return _final_phase(red, den, h, Wa, ba, g_att, b_att, W1, b1, W2, b2,
                      g_fin, b_fin)

# --- scband reference (transcript-rebuilt; emitter-appended) ---
"""Pipeline reference for scband-rel-tmcell-25391846654697 (READ-ONLY COPY).

The authoritative reference and input builder live on the scoring server;
editing this copy changes nothing except your own understanding.
"""

import jax, jax.numpy as jnp
import numpy as np
import math

N = 10000
E = 320000
H = 128
NH = 4
DH = H // NH
Z = 2 * H
NR = 16


def _layernorm(x, g, b, eps=1e-5):
    mu = jnp.mean(x, axis=-1, keepdims=True)
    var = jnp.mean((x - mu) ** 2, axis=-1, keepdims=True)
    return (x - mu) / jnp.sqrt(var + eps) * g + b


def setup_inputs(seed: int = 0) -> dict:
    key = jax.random.key(seed)
    ks = jax.random.split(key, 20)
    h = jax.random.normal(ks[0], (N, H), dtype=jnp.float32)
    edge_index = jax.random.randint(ks[1], (2, E), 0, N, dtype=jnp.int32)
    edge_id = jax.random.randint(ks[2], (E,), 0, NR, dtype=jnp.int32)
    s = 1.0 / math.sqrt(H)
    relvectors = jax.random.uniform(ks[3], (NR, H), jnp.float32, -s, s)
    Wq = jax.random.uniform(ks[4], (H, H), jnp.float32, -s, s)
    Wk = jax.random.uniform(ks[5], (H, H), jnp.float32, -s, s)
    Wv = jax.random.uniform(ks[6], (H, H), jnp.float32, -s, s)
    Wa = jax.random.uniform(ks[7], (H, H), jnp.float32, -s, s)
    ba = jnp.zeros((H,), jnp.float32)
    g_att = jnp.ones((H,), jnp.float32)
    b_att = jnp.zeros((H,), jnp.float32)
    W1 = jax.random.uniform(ks[8], (H, Z), jnp.float32, -s, s)
    b1 = jnp.zeros((Z,), jnp.float32)
    sz = 1.0 / math.sqrt(Z)
    W2 = jax.random.uniform(ks[9], (Z, H), jnp.float32, -sz, sz)
    b2 = jnp.zeros((H,), jnp.float32)
    g_fin = jnp.ones((H,), jnp.float32)
    b_fin = jnp.zeros((H,), jnp.float32)
    return {"h": h, "edge_index": edge_index, "edge_id": edge_id,
            "relvectors": relvectors, "Wq": Wq, "Wk": Wk, "Wv": Wv,
            "Wa": Wa, "ba": ba, "g_att": g_att, "b_att": b_att,
            "W1": W1, "b1": b1, "W2": W2, "b2": b2,
            "g_fin": g_fin, "b_fin": b_fin}


def reference(h, edge_index, edge_id, relvectors, Wq, Wk, Wv, Wa, ba,
              g_att, b_att, W1, b1, W2, b2, g_fin, b_fin):
    src = edge_index[0]
    dst = edge_index[1]
    # message_func: hs = leaky_relu(h[src] + relvectors[edge_id], 0.25)
    hs = h[src] + relvectors[edge_id]
    hs = jnp.where(hs >= 0, hs, 0.25 * hs)
    # reduce_func: per-dst multi-head attention over incoming messages
    q = (h @ Wq).reshape(N, NH, DH)
    k = (hs @ Wk).reshape(E, NH, DH)
    v = (hs @ Wv).reshape(E, NH, DH)
    w = jnp.einsum('ehd,ehd->eh', q[dst], k) / math.sqrt(DH)
    m = jax.ops.segment_max(w, dst, num_segments=N)
    m = jnp.where(jnp.isfinite(m), m, 0.0)
    ew = jnp.exp(w - m[dst])
    den = jax.ops.segment_sum(ew, dst, num_segments=N)
    alpha = ew / (den[dst] + 1e-20)
    red = jax.ops.segment_sum(alpha[..., None] * v, dst, num_segments=N)
    red = red.reshape(N, H)
    # apply_node_func
    summ = red @ Wa + ba
    hh = _layernorm(summ + h, g_att, b_att)
    x = hh @ W1 + b1
    x = jax.nn.celu(x)
    x = x @ W2 + b2
    out = _layernorm(hh + x, g_fin, b_fin)
    return out

if __name__ == "__main__":
    import jax
    _d = setup_inputs()
    print(jax.jit(kernel)(*tuple(_d.values())))

</pallas_src>

<mosaic_0001>
#map = affine_map<(d0, d1) -> (0, 0)>
#map1 = affine_map<(d0, d1) -> (0)>
module attributes {stable_mosaic.version = 14 : i64} {
  func.func @gather3(%arg0: i32, %arg1: i32, %arg2: memref<160000x128xf32, #tpu.memory_space<hbm>>, %arg3: memref<10000x128xf32, #tpu.memory_space<hbm>>, %arg4: memref<160000x128xf32, #tpu.memory_space<hbm>>, %arg5: memref<320000xi32, #tpu.memory_space<hbm>>, %arg6: memref<320000xi32, #tpu.memory_space<hbm>>, %arg7: memref<320000x128xf32, #tpu.memory_space<hbm>>, %arg8: memref<320000x128xf32, #tpu.memory_space<hbm>>, %arg9: memref<320000x128xf32, #tpu.memory_space<hbm>>, %arg10: memref<80xi32, #tpu.memory_space<vmem>>, %arg11: memref<80xi32, #tpu.memory_space<vmem>>, %arg12: memref<80x128xf32, #tpu.memory_space<vmem>>, %arg13: memref<80x128xf32, #tpu.memory_space<vmem>>, %arg14: memref<80x128xf32, #tpu.memory_space<vmem>>, %arg15: memref<!tpu.dma_semaphore, #tpu.memory_space<semaphore_mem>>) attributes {dimension_semantics = [#tpu.dimension_semantics<core_parallel>, #tpu.dimension_semantics<subcore_parallel>], iteration_bounds = array<i64: 2, 16>, scalar_prefetch = 0 : i64, scratch_operands = 6 : i64, tpu.core_type = #tpu.core_type<sc_vector_subcore>, window_params = [{transform_indices = #map}, {transform_indices = #map}, {transform_indices = #map}, {transform_indices = #map1}, {transform_indices = #map1}, {transform_indices = #map}, {transform_indices = #map}, {transform_indices = #map}]} {
    %mul3A = arith.constant 2 : i32
    %mul3A_0 = arith.muli %arg1, %mul3A : i32
    %add3A = arith.addi %mul3A_0, %arg0 : i32
    %mul3A_1 = arith.constant 10000 : i32
    %mul3A_2 = arith.muli %add3A, %mul3A_1 : i32
    %scan3A = arith.constant 0 : i32
    %scan3A_3 = arith.constant 125 : i32
    %scan3A_4 = arith.addi %scan3A, %scan3A_3 : i32
    %scan3A_5 = arith.constant 1 : i32
    scf.for %scan3A_7 = %scan3A to %scan3A_4 step %scan3A_5  : i32 {
      %mul3A_8 = arith.constant 80 : i32
      %mul3A_9 = arith.muli %scan3A_7, %mul3A_8 : i32
      %add3A_10 = arith.addi %mul3A_2, %mul3A_9 : i32
      "tpu.region"() ({
        %run_scoped3A = tpu.sem_alloc : memref<!tpu.dma_semaphore, #tpu.memory_space<semaphore_mem>>
        %dma_start3A_27 = tpu.memref_slice %arg5[%add3A_10] : memref<320000xi32, #tpu.memory_space<hbm>> -> memref<80xi32, #tpu.memory_space<hbm>>
        %dma_start3A_28 = tpu.memref_slice %arg5[%add3A_10] : memref<320000xi32, #tpu.memory_space<hbm>> -> memref<80xi32, #tpu.memory_space<hbm>>
        tpu.enqueue_dma source(%dma_start3A_28 : memref<80xi32, #tpu.memory_space<hbm>>) target(%arg10 : memref<80xi32, #tpu.memory_space<vmem>>) target_semaphore(%run_scoped3A : memref<!tpu.dma_semaphore, #tpu.memory_space<semaphore_mem>>)
        %dma_wait3A_29 = tpu.memref_slice %arg5[%add3A_10] : memref<320000xi32, #tpu.memory_space<hbm>> -> memref<80xi32, #tpu.memory_space<hbm>>
        %dma_wait3A_30 = tpu.memref_slice %arg5[%add3A_10] : memref<320000xi32, #tpu.memory_space<hbm>> -> memref<80xi32, #tpu.memory_space<hbm>>
        tpu.wait_dma2 semaphore(%run_scoped3A : memref<!tpu.dma_semaphore, #tpu.memory_space<semaphore_mem>>) src(%dma_wait3A_30 : memref<80xi32, #tpu.memory_space<hbm>>) dst(%arg10 : memref<80xi32, #tpu.memory_space<vmem>>)
        tpu.yield
      }) : () -> ()
      "tpu.region"() ({
        %run_scoped3A = tpu.sem_alloc : memref<!tpu.dma_semaphore, #tpu.memory_space<semaphore_mem>>
        %dma_start3A_27 = tpu.memref_slice %arg6[%add3A_10] : memref<320000xi32, #tpu.memory_space<hbm>> -> memref<80xi32, #tpu.memory_space<hbm>>
        %dma_start3A_28 = tpu.memref_slice %arg6[%add3A_10] : memref<320000xi32, #tpu.memory_space<hbm>> -> memref<80xi32, #tpu.memory_space<hbm>>
        tpu.enqueue_dma source(%dma_start3A_28 : memref<80xi32, #tpu.memory_space<hbm>>) target(%arg11 : memref<80xi32, #tpu.memory_space<vmem>>) target_semaphore(%run_scoped3A : memref<!tpu.dma_semaphore, #tpu.memory_space<semaphore_mem>>)
        %dma_wait3A_29 = tpu.memref_slice %arg6[%add3A_10] : memref<320000xi32, #tpu.memory_space<hbm>> -> memref<80xi32, #tpu.memory_space<hbm>>
        %dma_wait3A_30 = tpu.memref_slice %arg6[%add3A_10] : memref<320000xi32, #tpu.memory_space<hbm>> -> memref<80xi32, #tpu.memory_space<hbm>>
        tpu.wait_dma2 semaphore(%run_scoped3A : memref<!tpu.dma_semaphore, #tpu.memory_space<semaphore_mem>>) src(%dma_wait3A_30 : memref<80xi32, #tpu.memory_space<hbm>>) dst(%arg11 : memref<80xi32, #tpu.memory_space<vmem>>)
        tpu.yield
      }) : () -> ()
      %dma_start3A = arith.constant 0 : i32
      %dma_start3A_11 = arith.constant 0 : i32
      %dma_start3A_12 = tpu.memref_slice %arg2[%dma_start3A, %dma_start3A_11] : memref<160000x128xf32, #tpu.memory_space<hbm>> -> memref<160000x128xf32, #tpu.memory_space<hbm>>
      tpu.enqueue_indirect_dma source(%dma_start3A_12 : memref<160000x128xf32, #tpu.memory_space<hbm>>) target(%arg12 : memref<80x128xf32, #tpu.memory_space<vmem>>) offsets(%arg10 : memref<80xi32, #tpu.memory_space<vmem>>) semaphore(%arg15 : memref<!tpu.dma_semaphore, #tpu.memory_space<semaphore_mem>>)
      %dma_start3A_13 = arith.constant 0 : i32
      %dma_start3A_14 = arith.constant 0 : i32
      %dma_start3A_15 = tpu.memref_slice %arg3[%dma_start3A_13, %dma_start3A_14] : memref<10000x128xf32, #tpu.memory_space<hbm>> -> memref<10000x128xf32, #tpu.memory_space<hbm>>
      tpu.enqueue_indirect_dma source(%dma_start3A_15 : memref<10000x128xf32, #tpu.memory_space<hbm>>) target(%arg13 : memref<80x128xf32, #tpu.memory_space<vmem>>) offsets(%arg11 : memref<80xi32, #tpu.memory_space<vmem>>) semaphore(%arg15 : memref<!tpu.dma_semaphore, #tpu.memory_space<semaphore_mem>>)
      %dma_start3A_16 = arith.constant 0 : i32
      %dma_start3A_17 = arith.constant 0 : i32
      %dma_start3A_18 = tpu.memref_slice %arg4[%dma_start3A_16, %dma_start3A_17] : memref<160000x128xf32, #tpu.memory_space<hbm>> -> memref<160000x128xf32, #tpu.memory_space<hbm>>
      tpu.enqueue_indirect_dma source(%dma_start3A_18 : memref<160000x128xf32, #tpu.memory_space<hbm>>) target(%arg14 : memref<80x128xf32, #tpu.memory_space<vmem>>) offsets(%arg10 : memref<80xi32, #tpu.memory_space<vmem>>) semaphore(%arg15 : memref<!tpu.dma_semaphore, #tpu.memory_space<semaphore_mem>>)
      %dma_wait3A = arith.constant 0 : i32
      %dma_wait3A_19 = arith.constant 0 : i32
      %dma_wait3A_20 = tpu.memref_slice %arg2[%dma_wait3A, %dma_wait3A_19] : memref<160000x128xf32, #tpu.memory_space<hbm>> -> memref<160000x128xf32, #tpu.memory_space<hbm>>
      tpu.wait_indirect_dma semaphore(%arg15 : memref<!tpu.dma_semaphore, #tpu.memory_space<semaphore_mem>>) src(%dma_wait3A_20 : memref<160000x128xf32, #tpu.memory_space<hbm>>) dst(%arg12 : memref<80x128xf32, #tpu.memory_space<vmem>>)
      %dma_wait3A_21 = arith.constant 0 : i32
      %dma_wait3A_22 = arith.constant 0 : i32
      %dma_wait3A_23 = tpu.memref_slice %arg3[%dma_wait3A_21, %dma_wait3A_22] : memref<10000x128xf32, #tpu.memory_space<hbm>> -> memref<10000x128xf32, #tpu.memory_space<hbm>>
      tpu.wait_indirect_dma semaphore(%arg15 : memref<!tpu.dma_semaphore, #tpu.memory_space<semaphore_mem>>) src(%dma_wait3A_23 : memref<10000x128xf32, #tpu.memory_space<hbm>>) dst(%arg13 : memref<80x128xf32, #tpu.memory_space<vmem>>)
      %dma_wait3A_24 = arith.constant 0 : i32
      %dma_wait3A_25 = arith.constant 0 : i32
      %dma_wait3A_26 = tpu.memref_slice %arg4[%dma_wait3A_24, %dma_wait3A_25] : memref<160000x128xf32, #tpu.memory_space<hbm>> -> memref<160000x128xf32, #tpu.memory_space<hbm>>
      tpu.wait_indirect_dma semaphore(%arg15 : memref<!tpu.dma_semaphore, #tpu.memory_space<semaphore_mem>>) src(%dma_wait3A_26 : memref<160000x128xf32, #tpu.memory_space<hbm>>) dst(%arg14 : memref<80x128xf32, #tpu.memory_space<vmem>>)
      "tpu.region"() ({
        %run_scoped3A = tpu.sem_alloc : memref<!tpu.dma_semaphore, #tpu.memory_space<semaphore_mem>>
        %dma_start3A_27 = arith.constant 0 : i32
        %dma_start3A_28 = tpu.memref_slice %arg7[%add3A_10, %dma_start3A_27] : memref<320000x128xf32, #tpu.memory_space<hbm>> -> memref<80x128xf32, #tpu.memory_space<hbm>>
        %dma_start3A_29 = arith.constant 0 : i32
        %dma_start3A_30 = tpu.memref_slice %arg7[%add3A_10, %dma_start3A_29] : memref<320000x128xf32, #tpu.memory_space<hbm>> -> memref<80x128xf32, #tpu.memory_space<hbm>>
        tpu.enqueue_dma source(%arg12 : memref<80x128xf32, #tpu.memory_space<vmem>>) target(%dma_start3A_30 : memref<80x128xf32, #tpu.memory_space<hbm>>) target_semaphore(%run_scoped3A : memref<!tpu.dma_semaphore, #tpu.memory_space<semaphore_mem>>)
        %dma_wait3A_31 = arith.constant 0 : i32
        %dma_wait3A_32 = tpu.memref_slice %arg7[%add3A_10, %dma_wait3A_31] : memref<320000x128xf32, #tpu.memory_space<hbm>> -> memref<80x128xf32, #tpu.memory_space<hbm>>
        %dma_wait3A_33 = arith.constant 0 : i32
        %dma_wait3A_34 = tpu.memref_slice %arg7[%add3A_10, %dma_wait3A_33] : memref<320000x128xf32, #tpu.memory_space<hbm>> -> memref<80x128xf32, #tpu.memory_space<hbm>>
        tpu.wait_dma2 semaphore(%run_scoped3A : memref<!tpu.dma_semaphore, #tpu.memory_space<semaphore_mem>>) src(%arg12 : memref<80x128xf32, #tpu.memory_space<vmem>>) dst(%dma_wait3A_34 : memref<80x128xf32, #tpu.memory_space<hbm>>)
        tpu.yield
      }) : () -> ()
      "tpu.region"() ({
        %run_scoped3A = tpu.sem_alloc : memref<!tpu.dma_semaphore, #tpu.memory_space<semaphore_mem>>
        %dma_start3A_27 = arith.constant 0 : i32
        %dma_start3A_28 = tpu.memref_slice %arg8[%add3A_10, %dma_start3A_27] : memref<320000x128xf32, #tpu.memory_space<hbm>> -> memref<80x128xf32, #tpu.memory_space<hbm>>
        %dma_start3A_29 = arith.constant 0 : i32
        %dma_start3A_30 = tpu.memref_slice %arg8[%add3A_10, %dma_start3A_29] : memref<320000x128xf32, #tpu.memory_space<hbm>> -> memref<80x128xf32, #tpu.memory_space<hbm>>
        tpu.enqueue_dma source(%arg13 : memref<80x128xf32, #tpu.memory_space<vmem>>) target(%dma_start3A_30 : memref<80x128xf32, #tpu.memory_space<hbm>>) target_semaphore(%run_scoped3A : memref<!tpu.dma_semaphore, #tpu.memory_space<semaphore_mem>>)
        %dma_wait3A_31 = arith.constant 0 : i32
        %dma_wait3A_32 = tpu.memref_slice %arg8[%add3A_10, %dma_wait3A_31] : memref<320000x128xf32, #tpu.memory_space<hbm>> -> memref<80x128xf32, #tpu.memory_space<hbm>>
        %dma_wait3A_33 = arith.constant 0 : i32
        %dma_wait3A_34 = tpu.memref_slice %arg8[%add3A_10, %dma_wait3A_33] : memref<320000x128xf32, #tpu.memory_space<hbm>> -> memref<80x128xf32, #tpu.memory_space<hbm>>
        tpu.wait_dma2 semaphore(%run_scoped3A : memref<!tpu.dma_semaphore, #tpu.memory_space<semaphore_mem>>) src(%arg13 : memref<80x128xf32, #tpu.memory_space<vmem>>) dst(%dma_wait3A_34 : memref<80x128xf32, #tpu.memory_space<hbm>>)
        tpu.yield
      }) : () -> ()
      "tpu.region"() ({
        %run_scoped3A = tpu.sem_alloc : memref<!tpu.dma_semaphore, #tpu.memory_space<semaphore_mem>>
        %dma_start3A_27 = arith.constant 0 : i32
        %dma_start3A_28 = tpu.memref_slice %arg9[%add3A_10, %dma_start3A_27] : memref<320000x128xf32, #tpu.memory_space<hbm>> -> memref<80x128xf32, #tpu.memory_space<hbm>>
        %dma_start3A_29 = arith.constant 0 : i32
        %dma_start3A_30 = tpu.memref_slice %arg9[%add3A_10, %dma_start3A_29] : memref<320000x128xf32, #tpu.memory_space<hbm>> -> memref<80x128xf32, #tpu.memory_space<hbm>>
        tpu.enqueue_dma source(%arg14 : memref<80x128xf32, #tpu.memory_space<vmem>>) target(%dma_start3A_30 : memref<80x128xf32, #tpu.memory_space<hbm>>) target_semaphore(%run_scoped3A : memref<!tpu.dma_semaphore, #tpu.memory_space<semaphore_mem>>)
        %dma_wait3A_31 = arith.constant 0 : i32
        %dma_wait3A_32 = tpu.memref_slice %arg9[%add3A_10, %dma_wait3A_31] : memref<320000x128xf32, #tpu.memory_space<hbm>> -> memref<80x128xf32, #tpu.memory_space<hbm>>
        %dma_wait3A_33 = arith.constant 0 : i32
        %dma_wait3A_34 = tpu.memref_slice %arg9[%add3A_10, %dma_wait3A_33] : memref<320000x128xf32, #tpu.memory_space<hbm>> -> memref<80x128xf32, #tpu.memory_space<hbm>>
        tpu.wait_dma2 semaphore(%run_scoped3A : memref<!tpu.dma_semaphore, #tpu.memory_space<semaphore_mem>>) src(%arg14 : memref<80x128xf32, #tpu.memory_space<vmem>>) dst(%dma_wait3A_34 : memref<80x128xf32, #tpu.memory_space<hbm>>)
        tpu.yield
      }) : () -> ()
    }
    %scan3A_6 = arith.constant 125 : i32
    return
  }
}

module attributes {stable_mosaic.version = 14 : i64} {
  func.func @_sr_body(%arg0: memref<2500x128xi32, #tpu.memory_space<vmem>>, %arg1: memref<2500x128xi32, #tpu.memory_space<vmem>>, %arg2: memref<2500x128xi32, #tpu.memory_space<vmem>>) attributes {dimension_semantics = [], scalar_prefetch = 0 : i64, scratch_operands = 0 : i64, tpu.core_type = #tpu.core_type<tc>} {
    %get3A = arith.constant 0 : index
    %get3A_0 = arith.constant 0 : index
    %get3A_1 = vector.load %arg0[%get3A, %get3A_0] : memref<2500x128xi32, #tpu.memory_space<vmem>>, vector<2500x128xi32>
    %mul3A = arith.constant 16 : i32
    %mul3A_2 = vector.broadcast %mul3A : i32 to vector<2500x128xi32>
    %mul3A_3 = arith.muli %get3A_1, %mul3A_2 : vector<2500x128xi32>
    %get3A_4 = arith.constant 0 : index
    %get3A_5 = arith.constant 0 : index
    %get3A_6 = vector.load %arg1[%get3A_4, %get3A_5] : memref<2500x128xi32, #tpu.memory_space<vmem>>, vector<2500x128xi32>
    %add3A = arith.addi %mul3A_3, %get3A_6 : vector<2500x128xi32>
    %swap3A = arith.constant 0 : index
    %swap3A_7 = arith.constant 0 : index
    %swap3A_8 = vector.load %arg2[%swap3A, %swap3A_7] : memref<2500x128xi32, #tpu.memory_space<vmem>>, vector<2500x128xi32>
    tpu.vector_store %arg2[%swap3A, %swap3A_7], %add3A {strides = array<i32>} : memref<2500x128xi32, #tpu.memory_space<vmem>>, vector<2500x128xi32>,
    return
  }
}

module attributes {stable_mosaic.version = 14 : i64} {
  func.func @_tables_body(%arg0: i32, %arg1: memref<400x128xf32, #tpu.memory_space<vmem>>, %arg2: memref<16x128xf32, #tpu.memory_space<vmem>>, %arg3: memref<128x128xf32, #tpu.memory_space<vmem>>, %arg4: memref<128x128xf32, #tpu.memory_space<vmem>>, %arg5: memref<128x128xf32, #tpu.memory_space<vmem>>, %arg6: memref<400x128xf32, #tpu.memory_space<vmem>>, %arg7: memref<400x16x128xf32, #tpu.memory_space<vmem>>, %arg8: memref<400x16x128xf32, #tpu.memory_space<vmem>>) attributes {dimension_semantics = [#tpu.dimension_semantics<arbitrary>], iteration_bounds = array<i64: 25>, scalar_prefetch = 0 : i64, scratch_operands = 0 : i64, tpu.core_type = #tpu.core_type<tc>, window_params = [{transform_indices = @transform_0, window_bounds = array<i64: 400, 128>}, {pipeline_mode = #tpu.pipeline_mode<synchronous>, transform_indices = @transform_1, window_bounds = array<i64: 16, 128>}, {pipeline_mode = #tpu.pipeline_mode<synchronous>, transform_indices = @transform_2, window_bounds = array<i64: 128, 128>}, {pipeline_mode = #tpu.pipeline_mode<synchronous>, transform_indices = @transform_3, window_bounds = array<i64: 128, 128>}, {pipeline_mode = #tpu.pipeline_mode<synchronous>, transform_indices = @transform_4, window_bounds = array<i64: 128, 128>}, {transform_indices = @transform_5, window_bounds = array<i64: 400, 128>}, {transform_indices = @transform_6, window_bounds = array<i64: 400, 16, 128>}, {transform_indices = @transform_7, window_bounds = array<i64: 400, 16, 128>}]} {
    %get3A = arith.constant 0 : index
    %get3A_0 = arith.constant 0 : index
    %get3A_1 = vector.load %arg1[%get3A, %get3A_0] : memref<400x128xf32, #tpu.memory_space<vmem>>, vector<400x128xf32>
    %get3A_2 = arith.constant 0 : index
    %get3A_3 = arith.constant 0 : index
    %get3A_4 = vector.load %arg3[%get3A_2, %get3A_3] : memref<128x128xf32, #tpu.memory_space<vmem>>, vector<128x128xf32>
    %dot_general3A = arith.constant dense<0.000000e+00> : vector<400x128xf32>
    %dot_general3A_5 = tpu.matmul %get3A_1, %get3A_4, %dot_general3A {dimension_numbers = #tpu.dot_dimension_numbers<[1], [0], [0], [1], [0, 0, 1, 1], [], []>, transpose_lhs_hint = false} : vector<400x128xf32>, vector<128x128xf32>, vector<400x128xf32> -> vector<400x128xf32>
    %mul3A = arith.constant 0.176776692 : f32
    %mul3A_6 = vector.broadcast %mul3A : f32 to vector<400x128xf32>
    %mul3A_7 = arith.mulf %dot_general3A_5, %mul3A_6 : vector<400x128xf32>
    %swap3A = arith.constant 0 : index
    %swap3A_8 = arith.constant 0 : index
    %swap3A_9 = vector.load %arg6[%swap3A, %swap3A_8] : memref<400x128xf32, #tpu.memory_space<vmem>>, vector<400x128xf32>
    tpu.vector_store %arg6[%swap3A, %swap3A_8], %mul3A_7 {strides = array<i32>} : memref<400x128xf32, #tpu.memory_space<vmem>>, vector<400x128xf32>,
    %broadcast_in_dim3A = vector.shape_cast %get3A_1 : vector<400x128xf32> to vector<400x1x128xf32>
    %get3A_10 = arith.constant 0 : index
    %get3A_11 = arith.constant 0 : index
    %get3A_12 = vector.load %arg2[%get3A_10, %get3A_11] : memref<16x128xf32, #tpu.memory_space<vmem>>, vector<16x128xf32>
    %broadcast_in_dim3A_13 = vector.shape_cast %get3A_12 : vector<16x128xf32> to vector<1x16x128xf32>
    %add3A = vector.broadcast %broadcast_in_dim3A : vector<400x1x128xf32> to vector<400x16x128xf32>
    %add3A_14 = vector.broadcast %broadcast_in_dim3A_13 : vector<1x16x128xf32> to vector<400x16x128xf32>
    %add3A_15 = arith.addf %add3A, %add3A_14 : vector<400x16x128xf32>
    %ge3A = arith.constant 0.000000e+00 : f32
    %ge3A_16 = vector.broadcast %ge3A : f32 to vector<400x16x128xf32>
    %ge3A_17 = arith.cmpf oge, %add3A_15, %ge3A_16 : vector<400x16x128xf32>
    %mul3A_18 = arith.constant 2.500000e-01 : f32
    %mul3A_19 = vector.broadcast %mul3A_18 : f32 to vector<400x16x128xf32>
    %mul3A_20 = arith.mulf %mul3A_19, %add3A_15 : vector<400x16x128xf32>
    %select_n3A = arith.select %ge3A_17, %add3A_15, %mul3A_20 : vector<400x16x128xi1>, vector<400x16x128xf32>
    %reshape3A = vector.shape_cast %select_n3A : vector<400x16x128xf32> to vector<6400x128xf32>
    %get3A_21 = arith.constant 0 : index
    %get3A_22 = arith.constant 0 : index
    %get3A_23 = vector.load %arg4[%get3A_21, %get3A_22] : memref<128x128xf32, #tpu.memory_space<vmem>>, vector<128x128xf32>
    %dot_general3A_24 = arith.constant dense<0.000000e+00> : vector<6400x128xf32>
    %dot_general3A_25 = tpu.matmul %reshape3A, %get3A_23, %dot_general3A_24 {dimension_numbers = #tpu.dot_dimension_numbers<[1], [0], [0], [1], [0, 0, 1, 1], [], []>, transpose_lhs_hint = false} : vector<6400x128xf32>, vector<128x128xf32>, vector<6400x128xf32> -> vector<6400x128xf32>
    %reshape3A_26 = vector.shape_cast %dot_general3A_25 : vector<6400x128xf32> to vector<400x16x128xf32>
    %swap3A_27 = arith.constant 0 : index
    %swap3A_28 = arith.constant 0 : index
    %swap3A_29 = arith.constant 0 : index
    %swap3A_30 = vector.load %arg7[%swap3A_27, %swap3A_28, %swap3A_29] : memref<400x16x128xf32, #tpu.memory_space<vmem>>, vector<400x16x128xf32>
    tpu.vector_store %arg7[%swap3A_27, %swap3A_28, %swap3A_29], %reshape3A_26 {strides = array<i32>} : memref<400x16x128xf32, #tpu.memory_space<vmem>>, vector<400x16x128xf32>,
    %get3A_31 = arith.constant 0 : index
    %get3A_32 = arith.constant 0 : index
    %get3A_33 = vector.load %arg5[%get3A_31, %get3A_32] : memref<128x128xf32, #tpu.memory_space<vmem>>, vector<128x128xf32>
    %dot_general3A_34 = arith.constant dense<0.000000e+00> : vector<6400x128xf32>
    %dot_general3A_35 = tpu.matmul %reshape3A, %get3A_33, %dot_general3A_34 {dimension_numbers = #tpu.dot_dimension_numbers<[1], [0], [0], [1], [0, 0, 1, 1], [], []>, transpose_lhs_hint = false} : vector<6400x128xf32>, vector<128x128xf32>, vector<6400x128xf32> -> vector<6400x128xf32>
    %reshape3A_36 = vector.shape_cast %dot_general3A_35 : vector<6400x128xf32> to vector<400x16x128xf32>
    %swap3A_37 = arith.constant 0 : index
    %swap3A_38 = arith.constant 0 : index
    %swap3A_39 = arith.constant 0 : index
    %swap3A_40 = vector.load %arg8[%swap3A_37, %swap3A_38, %swap3A_39] : memref<400x16x128xf32, #tpu.memory_space<vmem>>, vector<400x16x128xf32>
    tpu.vector_store %arg8[%swap3A_37, %swap3A_38, %swap3A_39], %reshape3A_36 {strides = array<i32>} : memref<400x16x128xf32, #tpu.memory_space<vmem>>, vector<400x16x128xf32>,
    return
  }
  func.func @transform_0(%arg0: i32) -> (i32, i32) {
    %c0_i32 = arith.constant 0 : i32
    %c0_i32_0 = arith.constant 0 : i32
    return %arg0, %c0_i32 : i32, i32
  }
  func.func @transform_1(%arg0: i32) -> (i32, i32) {
    %c0_i32 = arith.constant 0 : i32
    %c0_i32_0 = arith.constant 0 : i32
    %c0_i32_1 = arith.constant 0 : i32
    return %c0_i32, %c0_i32_0 : i32, i32
  }
  func.func @transform_2(%arg0: i32) -> (i32, i32) {
    %c0_i32 = arith.constant 0 : i32
    %c0_i32_0 = arith.constant 0 : i32
    %c0_i32_1 = arith.constant 0 : i32
    return %c0_i32, %c0_i32_0 : i32, i32
  }
  func.func @transform_3(%arg0: i32) -> (i32, i32) {
    %c0_i32 = arith.constant 0 : i32
    %c0_i32_0 = arith.constant 0 : i32
    %c0_i32_1 = arith.constant 0 : i32
    return %c0_i32, %c0_i32_0 : i32, i32
  }
  func.func @transform_4(%arg0: i32) -> (i32, i32) {
    %c0_i32 = arith.constant 0 : i32
    %c0_i32_0 = arith.constant 0 : i32
    %c0_i32_1 = arith.constant 0 : i32
    return %c0_i32, %c0_i32_0 : i32, i32
  }
  func.func @transform_5(%arg0: i32) -> (i32, i32) {
    %c0_i32 = arith.constant 0 : i32
    %c0_i32_0 = arith.constant 0 : i32
    return %arg0, %c0_i32 : i32, i32
  }
  func.func @transform_6(%arg0: i32) -> (i32, i32, i32) {
    %c0_i32 = arith.constant 0 : i32
    %c0_i32_0 = arith.constant 0 : i32
    %c0_i32_1 = arith.constant 0 : i32
    return %arg0, %c0_i32, %c0_i32_0 : i32, i32, i32
  }
  func.func @transform_7(%arg0: i32) -> (i32, i32, i32) {
    %c0_i32 = arith.constant 0 : i32
    %c0_i32_0 = arith.constant 0 : i32
    %c0_i32_1 = arith.constant 0 : i32
    return %arg0, %c0_i32, %c0_i32_0 : i32, i32, i32
  }
}

module attributes {stable_mosaic.version = 14 : i64} {
  func.func @_ew_scale_body(%arg0: i32, %arg1: memref<2000x128xf32, #tpu.memory_space<vmem>>, %arg2: memref<2000x128xf32, #tpu.memory_space<vmem>>, %arg3: memref<2000x128xf32, #tpu.memory_space<vmem>>, %arg4: memref<2000x4xf32, #tpu.memory_space<vmem>>, %arg5: memref<2000x128xf32, #tpu.memory_space<vmem>>) attributes {dimension_semantics = [#tpu.dimension_semantics<arbitrary>], iteration_bounds = array<i64: 160>, scalar_prefetch = 0 : i64, scratch_operands = 0 : i64, tpu.core_type = #tpu.core_type<tc>, window_params = [{transform_indices = @transform_0, window_bounds = array<i64: 2000, 128>}, {transform_indices = @transform_1, window_bounds = array<i64: 2000, 128>}, {transform_indices = @transform_2, window_bounds = array<i64: 2000, 128>}, {transform_indices = @transform_3, window_bounds = array<i64: 2000, 4>}, {transform_indices = @transform_4, window_bounds = array<i64: 2000, 128>}]} {
    %get3A = arith.constant 0 : index
    %get3A_0 = arith.constant 0 : index
    %get3A_1 = vector.load %arg1[%get3A, %get3A_0] : memref<2000x128xf32, #tpu.memory_space<vmem>>, vector<2000x128xf32>
    %get3A_2 = arith.constant 0 : index
    %get3A_3 = arith.constant 0 : index
    %get3A_4 = vector.load %arg2[%get3A_2, %get3A_3] : memref<2000x128xf32, #tpu.memory_space<vmem>>, vector<2000x128xf32>
    %mul3A = arith.mulf %get3A_1, %get3A_4 : vector<2000x128xf32>
    %reshape3A = vector.shape_cast %mul3A : vector<2000x128xf32> to vector<2000x4x32xf32>
    %reduce_sum3A = arith.constant dense<0.000000e+00> : vector<2000x4xf32>
    %reduce_sum3A_5 = vector.multi_reduction <add>, %reshape3A, %reduce_sum3A [2] : vector<2000x4x32xf32> to vector<2000x4xf32>
    %exp3A = math.exp %reduce_sum3A_5 : vector<2000x4xf32>
    %swap3A = arith.constant 0 : index
    %swap3A_6 = arith.constant 0 : index
    %swap3A_7 = vector.load %arg4[%swap3A, %swap3A_6] : memref<2000x4xf32, #tpu.memory_space<vmem>>, vector<2000x4xf32>
    tpu.vector_store %arg4[%swap3A, %swap3A_6], %exp3A {strides = array<i32>} : memref<2000x4xf32, #tpu.memory_space<vmem>>, vector<2000x4xf32>,
    %broadcast_in_dim3A = vector.shape_cast %exp3A : vector<2000x4xf32> to vector<2000x4x1xf32>
    %broadcast_in_dim3A_8 = vector.shape_cast %broadcast_in_dim3A : vector<2000x4x1xf32> to vector<2000x4x1xf32>
    %broadcast_in_dim3A_9 = vector.broadcast %broadcast_in_dim3A_8 : vector<2000x4x1xf32> to vector<2000x4x32xf32>
    %reshape3A_10 = vector.shape_cast %broadcast_in_dim3A_9 : vector<2000x4x32xf32> to vector<2000x128xf32>
    %get3A_11 = arith.constant 0 : index
    %get3A_12 = arith.constant 0 : index
    %get3A_13 = vector.load %arg3[%get3A_11, %get3A_12] : memref<2000x128xf32, #tpu.memory_space<vmem>>, vector<2000x128xf32>
    %mul3A_14 = arith.mulf %get3A_13, %reshape3A_10 : vector<2000x128xf32>
    %swap3A_15 = arith.constant 0 : index
    %swap3A_16 = arith.constant 0 : index
    %swap3A_17 = vector.load %arg5[%swap3A_15, %swap3A_16] : memref<2000x128xf32, #tpu.memory_space<vmem>>, vector<2000x128xf32>
    tpu.vector_store %arg5[%swap3A_15, %swap3A_16], %mul3A_14 {strides = array<i32>} : memref<2000x128xf32, #tpu.memory_space<vmem>>, vector<2000x128xf32>,
    return
  }
  func.func @transform_0(%arg0: i32) -> (i32, i32) {
    %c0_i32 = arith.constant 0 : i32
    %c0_i32_0 = arith.constant 0 : i32
    return %arg0, %c0_i32 : i32, i32
  }
  func.func @transform_1(%arg0: i32) -> (i32, i32) {
    %c0_i32 = arith.constant 0 : i32
    %c0_i32_0 = arith.constant 0 : i32
    return %arg0, %c0_i32 : i32, i32
  }
  func.func @transform_2(%arg0: i32) -> (i32, i32) {
    %c0_i32 = arith.constant 0 : i32
    %c0_i32_0 = arith.constant 0 : i32
    return %arg0, %c0_i32 : i32, i32
  }
  func.func @transform_3(%arg0: i32) -> (i32, i32) {
    %c0_i32 = arith.constant 0 : i32
    %c0_i32_0 = arith.constant 0 : i32
    return %arg0, %c0_i32 : i32, i32
  }
  func.func @transform_4(%arg0: i32) -> (i32, i32) {
    %c0_i32 = arith.constant 0 : i32
    %c0_i32_0 = arith.constant 0 : i32
    return %arg0, %c0_i32 : i32, i32
  }
}

module attributes {stable_mosaic.version = 14 : i64} {
  func.func @_final_body(%arg0: i32, %arg1: memref<400x128xf32, #tpu.memory_space<vmem>>, %arg2: memref<400x4xf32, #tpu.memory_space<vmem>>, %arg3: memref<400x128xf32, #tpu.memory_space<vmem>>, %arg4: memref<128x128xf32, #tpu.memory_space<vmem>>, %arg5: memref<1x128xf32, #tpu.memory_space<vmem>>, %arg6: memref<1x128xf32, #tpu.memory_space<vmem>>, %arg7: memref<1x128xf32, #tpu.memory_space<vmem>>, %arg8: memref<128x256xf32, #tpu.memory_space<vmem>>, %arg9: memref<1x256xf32, #tpu.memory_space<vmem>>, %arg10: memref<256x128xf32, #tpu.memory_space<vmem>>, %arg11: memref<1x128xf32, #tpu.memory_space<vmem>>, %arg12: memref<1x128xf32, #tpu.memory_space<vmem>>, %arg13: memref<1x128xf32, #tpu.memory_space<vmem>>, %arg14: memref<400x128xf32, #tpu.memory_space<vmem>>) attributes {dimension_semantics = [#tpu.dimension_semantics<arbitrary>], iteration_bounds = array<i64: 25>, scalar_prefetch = 0 : i64, scratch_operands = 0 : i64, tpu.core_type = #tpu.core_type<tc>, window_params = [{transform_indices = @transform_0, window_bounds = array<i64: 400, 128>}, {transform_indices = @transform_1, window_bounds = array<i64: 400, 4>}, {transform_indices = @transform_2, window_bounds = array<i64: 400, 128>}, {pipeline_mode = #tpu.pipeline_mode<synchronous>, transform_indices = @transform_3, window_bounds = array<i64: 128, 128>}, {pipeline_mode = #tpu.pipeline_mode<synchronous>, transform_indices = @transform_4, window_bounds = array<i64: 1, 128>}, {pipeline_mode = #tpu.pipeline_mode<synchronous>, transform_indices = @transform_5, window_bounds = array<i64: 1, 128>}, {pipeline_mode = #tpu.pipeline_mode<synchronous>, transform_indices = @transform_6, window_bounds = array<i64: 1, 128>}, {pipeline_mode = #tpu.pipeline_mode<synchronous>, transform_indices = @transform_7, window_bounds = array<i64: 128, 256>}, {pipeline_mode = #tpu.pipeline_mode<synchronous>, transform_indices = @transform_8, window_bounds = array<i64: 1, 256>}, {pipeline_mode = #tpu.pipeline_mode<synchronous>, transform_indices = @transform_9, window_bounds = array<i64: 256, 128>}, {pipeline_mode = #tpu.pipeline_mode<synchronous>, transform_indices = @transform_10, window_bounds = array<i64: 1, 128>}, {pipeline_mode = #tpu.pipeline_mode<synchronous>, transform_indices = @transform_11, window_bounds = array<i64: 1, 128>}, {pipeline_mode = #tpu.pipeline_mode<synchronous>, transform_indices = @transform_12, window_bounds = array<i64: 1, 128>}, {transform_indices = @transform_13, window_bounds = array<i64: 400, 128>}]} {
    %get3A = arith.constant 0 : index
    %get3A_0 = arith.constant 0 : index
    %get3A_1 = vector.load %arg2[%get3A, %get3A_0] : memref<400x4xf32, #tpu.memory_space<vmem>>, vector<400x4xf32>
    %broadcast_in_dim3A = vector.shape_cast %get3A_1 : vector<400x4xf32> to vector<400x4x1xf32>
    %broadcast_in_dim3A_2 = vector.shape_cast %broadcast_in_dim3A : vector<400x4x1xf32> to vector<400x4x1xf32>
    %broadcast_in_dim3A_3 = vector.broadcast %broadcast_in_dim3A_2 : vector<400x4x1xf32> to vector<400x4x32xf32>
    %reshape3A = vector.shape_cast %broadcast_in_dim3A_3 : vector<400x4x32xf32> to vector<400x128xf32>
    %get3A_4 = arith.constant 0 : index
    %get3A_5 = arith.constant 0 : index
    %get3A_6 = vector.load %arg1[%get3A_4, %get3A_5] : memref<400x128xf32, #tpu.memory_space<vmem>>, vector<400x128xf32>
    %add3A = arith.constant 9.99999968E-21 : f32
    %add3A_7 = vector.broadcast %add3A : f32 to vector<400x128xf32>
    %add3A_8 = arith.addf %reshape3A, %add3A_7 : vector<400x128xf32>
    %div3A = arith.divf %get3A_6, %add3A_8 : vector<400x128xf32>
    %get3A_9 = arith.constant 0 : index
    %get3A_10 = arith.constant 0 : index
    %get3A_11 = vector.load %arg4[%get3A_9, %get3A_10] : memref<128x128xf32, #tpu.memory_space<vmem>>, vector<128x128xf32>
    %dot_general3A = arith.constant dense<0.000000e+00> : vector<400x128xf32>
    %dot_general3A_12 = tpu.matmul %div3A, %get3A_11, %dot_general3A {dimension_numbers = #tpu.dot_dimension_numbers<[1], [0], [0], [1], [0, 0, 1, 1], [], []>, transpose_lhs_hint = false} : vector<400x128xf32>, vector<128x128xf32>, vector<400x128xf32> -> vector<400x128xf32>
    %get3A_13 = arith.constant 0 : index
    %get3A_14 = arith.constant 0 : index
    %get3A_15 = vector.load %arg5[%get3A_13, %get3A_14] : memref<1x128xf32, #tpu.memory_space<vmem>>, vector<1x128xf32>
    %add3A_16 = vector.broadcast %get3A_15 : vector<1x128xf32> to vector<400x128xf32>
    %add3A_17 = arith.addf %dot_general3A_12, %add3A_16 : vector<400x128xf32>
    %get3A_18 = arith.constant 0 : index
    %get3A_19 = arith.constant 0 : index
    %get3A_20 = vector.load %arg3[%get3A_18, %get3A_19] : memref<400x128xf32, #tpu.memory_space<vmem>>, vector<400x128xf32>
    %add3A_21 = arith.addf %add3A_17, %get3A_20 : vector<400x128xf32>
    %get3A_22 = arith.constant 0 : index
    %get3A_23 = arith.constant 0 : index
    %get3A_24 = vector.load %arg6[%get3A_22, %get3A_23] : memref<1x128xf32, #tpu.memory_space<vmem>>, vector<1x128xf32>
    %get3A_25 = arith.constant 0 : index
    %get3A_26 = arith.constant 0 : index
    %get3A_27 = vector.load %arg7[%get3A_25, %get3A_26] : memref<1x128xf32, #tpu.memory_space<vmem>>, vector<1x128xf32>
    %reduce_sum3A = arith.constant dense<0.000000e+00> : vector<400xf32>
    %reduce_sum3A_28 = vector.multi_reduction <add>, %add3A_21, %reduce_sum3A [1] : vector<400x128xf32> to vector<400xf32>
    %broadcast_in_dim3A_29 = vector.shape_cast %reduce_sum3A_28 : vector<400xf32> to vector<400x1xf32>
    %div3A_30 = arith.constant 1.280000e+02 : f32
    %div3A_31 = vector.broadcast %div3A_30 : f32 to vector<400x1xf32>
    %div3A_32 = arith.divf %broadcast_in_dim3A_29, %div3A_31 : vector<400x1xf32>
    %sub3A = vector.broadcast %div3A_32 : vector<400x1xf32> to vector<400x128xf32>
    %sub3A_33 = arith.subf %add3A_21, %sub3A : vector<400x128xf32>
    %integer_pow3A = arith.mulf %sub3A_33, %sub3A_33 : vector<400x128xf32>
    %reduce_sum3A_34 = arith.constant dense<0.000000e+00> : vector<400xf32>
    %reduce_sum3A_35 = vector.multi_reduction <add>, %integer_pow3A, %reduce_sum3A_34 [1] : vector<400x128xf32> to vector<400xf32>
    %broadcast_in_dim3A_36 = vector.shape_cast %reduce_sum3A_35 : vector<400xf32> to vector<400x1xf32>
    %div3A_37 = arith.constant 1.280000e+02 : f32
    %div3A_38 = vector.broadcast %div3A_37 : f32 to vector<400x1xf32>
    %div3A_39 = arith.divf %broadcast_in_dim3A_36, %div3A_38 : vector<400x1xf32>
    %sub3A_40 = vector.broadcast %div3A_32 : vector<400x1xf32> to vector<400x128xf32>
    %sub3A_41 = arith.subf %add3A_21, %sub3A_40 : vector<400x128xf32>
    %add3A_42 = arith.constant 9.99999974E-6 : f32
    %add3A_43 = vector.broadcast %add3A_42 : f32 to vector<400x1xf32>
    %add3A_44 = arith.addf %div3A_39, %add3A_43 : vector<400x1xf32>
    %rsqrt3A = math.rsqrt %add3A_44 : vector<400x1xf32>
    %mul3A = vector.broadcast %rsqrt3A : vector<400x1xf32> to vector<400x128xf32>
    %mul3A_45 = arith.mulf %sub3A_41, %mul3A : vector<400x128xf32>
    %mul3A_46 = vector.broadcast %get3A_24 : vector<1x128xf32> to vector<400x128xf32>
    %mul3A_47 = arith.mulf %mul3A_45, %mul3A_46 : vector<400x128xf32>
    %add3A_48 = vector.broadcast %get3A_27 : vector<1x128xf32> to vector<400x128xf32>
    %add3A_49 = arith.addf %mul3A_47, %add3A_48 : vector<400x128xf32>
    %get3A_50 = arith.constant 0 : index
    %get3A_51 = arith.constant 0 : index
    %get3A_52 = vector.load %arg8[%get3A_50, %get3A_51] : memref<128x256xf32, #tpu.memory_space<vmem>>, vector<128x256xf32>
    %dot_general3A_53 = arith.constant dense<0.000000e+00> : vector<400x256xf32>
    %dot_general3A_54 = tpu.matmul %add3A_49, %get3A_52, %dot_general3A_53 {dimension_numbers = #tpu.dot_dimension_numbers<[1], [0], [0], [1], [0, 0, 1, 1], [], []>, transpose_lhs_hint = false} : vector<400x128xf32>, vector<128x256xf32>, vector<400x256xf32> -> vector<400x256xf32>
    %get3A_55 = arith.constant 0 : index
    %get3A_56 = arith.constant 0 : index
    %get3A_57 = vector.load %arg9[%get3A_55, %get3A_56] : memref<1x256xf32, #tpu.memory_space<vmem>>, vector<1x256xf32>
    %add3A_58 = vector.broadcast %get3A_57 : vector<1x256xf32> to vector<400x256xf32>
    %add3A_59 = arith.addf %dot_general3A_54, %add3A_58 : vector<400x256xf32>
    %gt3A = arith.constant 0.000000e+00 : f32
    %gt3A_60 = vector.broadcast %gt3A : f32 to vector<400x256xf32>
    %gt3A_61 = arith.cmpf ogt, %add3A_59, %gt3A_60 : vector<400x256xf32>
    %min3A = arith.constant 0.000000e+00 : f32
    %min3A_62 = vector.broadcast %min3A : f32 to vector<400x256xf32>
    %min3A_63 = arith.minimumf %add3A_59, %min3A_62 : vector<400x256xf32>
    %exp3A = math.exp %min3A_63 : vector<400x256xf32>
    %sub3A_64 = arith.constant 1.000000e+00 : f32
    %sub3A_65 = vector.broadcast %sub3A_64 : f32 to vector<400x256xf32>
    %sub3A_66 = arith.subf %exp3A, %sub3A_65 : vector<400x256xf32>
    %select_n3A = arith.select %gt3A_61, %add3A_59, %sub3A_66 : vector<400x256xi1>, vector<400x256xf32>
    %get3A_67 = arith.constant 0 : index
    %get3A_68 = arith.constant 0 : index
    %get3A_69 = vector.load %arg10[%get3A_67, %get3A_68] : memref<256x128xf32, #tpu.memory_space<vmem>>, vector<256x128xf32>
    %dot_general3A_70 = arith.constant dense<0.000000e+00> : vector<400x128xf32>
    %dot_general3A_71 = tpu.matmul %select_n3A, %get3A_69, %dot_general3A_70 {dimension_numbers = #tpu.dot_dimension_numbers<[1], [0], [0], [1], [0, 0, 1, 1], [], []>, transpose_lhs_hint = false} : vector<400x256xf32>, vector<256x128xf32>, vector<400x128xf32> -> vector<400x128xf32>
    %get3A_72 = arith.constant 0 : index
    %get3A_73 = arith.constant 0 : index
    %get3A_74 = vector.load %arg11[%get3A_72, %get3A_73] : memref<1x128xf32, #tpu.memory_space<vmem>>, vector<1x128xf32>
    %add3A_75 = vector.broadcast %get3A_74 : vector<1x128xf32> to vector<400x128xf32>
    %add3A_76 = arith.addf %dot_general3A_71, %add3A_75 : vector<400x128xf32>
    %add3A_77 = arith.addf %add3A_49, %add3A_76 : vector<400x128xf32>
    %get3A_78 = arith.constant 0 : index
    %get3A_79 = arith.constant 0 : index
    %get3A_80 = vector.load %arg12[%get3A_78, %get3A_79] : memref<1x128xf32, #tpu.memory_space<vmem>>, vector<1x128xf32>
    %get3A_81 = arith.constant 0 : index
    %get3A_82 = arith.constant 0 : index
    %get3A_83 = vector.load %arg13[%get3A_81, %get3A_82] : memref<1x128xf32, #tpu.memory_space<vmem>>, vector<1x128xf32>
    %reduce_sum3A_84 = arith.constant dense<0.000000e+00> : vector<400xf32>
    %reduce_sum3A_85 = vector.multi_reduction <add>, %add3A_77, %reduce_sum3A_84 [1] : vector<400x128xf32> to vector<400xf32>
    %broadcast_in_dim3A_86 = vector.shape_cast %reduce_sum3A_85 : vector<400xf32> to vector<400x1xf32>
    %div3A_87 = arith.constant 1.280000e+02 : f32
    %div3A_88 = vector.broadcast %div3A_87 : f32 to vector<400x1xf32>
    %div3A_89 = arith.divf %broadcast_in_dim3A_86, %div3A_88 : vector<400x1xf32>
    %sub3A_90 = vector.broadcast %div3A_89 : vector<400x1xf32> to vector<400x128xf32>
    %sub3A_91 = arith.subf %add3A_77, %sub3A_90 : vector<400x128xf32>
    %integer_pow3A_92 = arith.mulf %sub3A_91, %sub3A_91 : vector<400x128xf32>
    %reduce_sum3A_93 = arith.constant dense<0.000000e+00> : vector<400xf32>
    %reduce_sum3A_94 = vector.multi_reduction <add>, %integer_pow3A_92, %reduce_sum3A_93 [1] : vector<400x128xf32> to vector<400xf32>
    %broadcast_in_dim3A_95 = vector.shape_cast %reduce_sum3A_94 : vector<400xf32> to vector<400x1xf32>
    %div3A_96 = arith.constant 1.280000e+02 : f32
    %div3A_97 = vector.broadcast %div3A_96 : f32 to vector<400x1xf32>
    %div3A_98 = arith.divf %broadcast_in_dim3A_95, %div3A_97 : vector<400x1xf32>
    %sub3A_99 = vector.broadcast %div3A_89 : vector<400x1xf32> to vector<400x128xf32>
    %sub3A_100 = arith.subf %add3A_77, %sub3A_99 : vector<400x128xf32>
    %add3A_101 = arith.constant 9.99999974E-6 : f32
    %add3A_102 = vector.broadcast %add3A_101 : f32 to vector<400x1xf32>
    %add3A_103 = arith.addf %div3A_98, %add3A_102 : vector<400x1xf32>
    %rsqrt3A_104 = math.rsqrt %add3A_103 : vector<400x1xf32>
    %mul3A_105 = vector.broadcast %rsqrt3A_104 : vector<400x1xf32> to vector<400x128xf32>
    %mul3A_106 = arith.mulf %sub3A_100, %mul3A_105 : vector<400x128xf32>
    %mul3A_107 = vector.broadcast %get3A_80 : vector<1x128xf32> to vector<400x128xf32>
    %mul3A_108 = arith.mulf %mul3A_106, %mul3A_107 : vector<400x128xf32>
    %add3A_109 = vector.broadcast %get3A_83 : vector<1x128xf32> to vector<400x128xf32>
    %add3A_110 = arith.addf %mul3A_108, %add3A_109 : vector<400x128xf32>
    %swap3A = arith.constant 0 : index
    %swap3A_111 = arith.constant 0 : index
    %swap3A_112 = vector.load %arg14[%swap3A, %swap3A_111] : memref<400x128xf32, #tpu.memory_space<vmem>>, vector<400x128xf32>
    tpu.vector_store %arg14[%swap3A, %swap3A_111], %add3A_110 {strides = array<i32>} : memref<400x128xf32, #tpu.memory_space<vmem>>, vector<400x128xf32>,
    return
  }
  func.func @transform_0(%arg0: i32) -> (i32, i32) {
    %c0_i32 = arith.constant 0 : i32
    %c0_i32_0 = arith.constant 0 : i32
    return %arg0, %c0_i32 : i32, i32
  }
  func.func @transform_1(%arg0: i32) -> (i32, i32) {
    %c0_i32 = arith.constant 0 : i32
    %c0_i32_0 = arith.constant 0 : i32
    return %arg0, %c0_i32 : i32, i32
  }
  func.func @transform_2(%arg0: i32) -> (i32, i32) {
    %c0_i32 = arith.constant 0 : i32
    %c0_i32_0 = arith.constant 0 : i32
    return %arg0, %c0_i32 : i32, i32
  }
  func.func @transform_3(%arg0: i32) -> (i32, i32) {
    %c0_i32 = arith.constant 0 : i32
    %c0_i32_0 = arith.constant 0 : i32
    %c0_i32_1 = arith.constant 0 : i32
    return %c0_i32, %c0_i32_0 : i32, i32
  }
  func.func @transform_4(%arg0: i32) -> (i32, i32) {
    %c0_i32 = arith.constant 0 : i32
    %c0_i32_0 = arith.constant 0 : i32
    %c0_i32_1 = arith.constant 0 : i32
    return %c0_i32, %c0_i32_0 : i32, i32
  }
  func.func @transform_5(%arg0: i32) -> (i32, i32) {
    %c0_i32 = arith.constant 0 : i32
    %c0_i32_0 = arith.constant 0 : i32
    %c0_i32_1 = arith.constant 0 : i32
    return %c0_i32, %c0_i32_0 : i32, i32
  }
  func.func @transform_6(%arg0: i32) -> (i32, i32) {
    %c0_i32 = arith.constant 0 : i32
    %c0_i32_0 = arith.constant 0 : i32
    %c0_i32_1 = arith.constant 0 : i32
    return %c0_i32, %c0_i32_0 : i32, i32
  }
  func.func @transform_7(%arg0: i32) -> (i32, i32) {
    %c0_i32 = arith.constant 0 : i32
    %c0_i32_0 = arith.constant 0 : i32
    %c0_i32_1 = arith.constant 0 : i32
    return %c0_i32, %c0_i32_0 : i32, i32
  }
  func.func @transform_8(%arg0: i32) -> (i32, i32) {
    %c0_i32 = arith.constant 0 : i32
    %c0_i32_0 = arith.constant 0 : i32
    %c0_i32_1 = arith.constant 0 : i32
    return %c0_i32, %c0_i32_0 : i32, i32
  }
  func.func @transform_9(%arg0: i32) -> (i32, i32) {
    %c0_i32 = arith.constant 0 : i32
    %c0_i32_0 = arith.constant 0 : i32
    %c0_i32_1 = arith.constant 0 : i32
    return %c0_i32, %c0_i32_0 : i32, i32
  }
  func.func @transform_10(%arg0: i32) -> (i32, i32) {
    %c0_i32 = arith.constant 0 : i32
    %c0_i32_0 = arith.constant 0 : i32
    %c0_i32_1 = arith.constant 0 : i32
    return %c0_i32, %c0_i32_0 : i32, i32
  }
  func.func @transform_11(%arg0: i32) -> (i32, i32) {
    %c0_i32 = arith.constant 0 : i32
    %c0_i32_0 = arith.constant 0 : i32
    %c0_i32_1 = arith.constant 0 : i32
    return %c0_i32, %c0_i32_0 : i32, i32
  }
  func.func @transform_12(%arg0: i32) -> (i32, i32) {
    %c0_i32 = arith.constant 0 : i32
    %c0_i32_0 = arith.constant 0 : i32
    %c0_i32_1 = arith.constant 0 : i32
    return %c0_i32, %c0_i32_0 : i32, i32
  }
  func.func @transform_13(%arg0: i32) -> (i32, i32) {
    %c0_i32 = arith.constant 0 : i32
    %c0_i32_0 = arith.constant 0 : i32
    return %arg0, %c0_i32 : i32, i32
  }
}

</mosaic_0001>

<sc_bundles>
// kernel: kernel.7.cloned.1.call-start
scs
__scs_entry_jumppad:
0x0: {  	(pc) =	sbr.rel $0x88, $3  }
0x1: {  	(tag) =	ssettag $0x0;
	lr =	simm.s32 $0x1  }
0x2: {  	[smem:$0x3F90] =	sst lr;
	_ =	strace $0xD0000000  }
0x3: {  	_ = 	snop  }
0x4: {  	_ = 	snop  }
0x5: {  	_ = 	snop  }
0x6: {  	_ = 	snop  }
0x7: {  	_ = 	snop  }
__scs_overlays_trampoline_lowered:
0x8: {  	[smem:$0x3F9F] =	sst s0  }
0x9: {  	[smem:$0x3FA0] =	sst s1  }
0xa: {  	[smem:$0x3FA1] =	sst s2  }
0xb: {  	[smem:$0x3FA2] =	sst s3  }
0xc: {  	[smem:$0x3FA3] =	sst s4  }
0xd: {  	[smem:$0x3FA4] =	sst s5  }
0xe: {  	[smem:$0x3FA5] =	sst s6  }
0xf: {  	[smem:$0x3FA6] =	sst s7  }
0x10: {  	[smem:$0x3FA7] =	sst s8  }
0x11: {  	[smem:$0x3FA8] =	sst s9;
	s0 =	simm.s32 @!p0 $0x0  }
0x12: {  	s1 =	sld [smem:$0x3F8E];
	s0 =	simm.s32 @p0 $0x1  }
0x13: {  	[smem:$0x3FA9] =	sst s0;
	s0 =	simm.s32 @!p1 $0x0  }
0x14: {  	s2 =	sld [smem:$0x3F8D];
	s0 =	simm.s32 @p1 $0x1  }
0x15: {  	[smem:$0x3FAA] =	sst s0;
	s0 =	simm.s32 @!p2 $0x0  }
0x16: {  	s3 =	sld [smem:$0x3FDB];
	s0 =	simm.s32 @p2 $0x1  }
0x17: {  	s4 =	simm.s32 $0x1BF5;
	[smem:$0x3FAC] =	sst s0  }
0x18: {  	s0 =	sld [smem:$0x3F8F];
	_ =	swait.ge [sflag:s4], $0x0  }
0x19: {  	s7 =	sld [smem:$0x3F90]  }
0x1a: {  	s8 =	sadd.s32 $0xFFFFE003, lr  }
0x1b: {  	s9 =	sadd.s32 $0xFFFFFEF7, lr;
	s5 =	simm.s32 $0xFFFFFFFF;
	p2 =	slt.u32 s8, $0xFFFFF086  }
0x1c: {  	p1 =	slt.u32 s9, $0xF7A;
	s5 =	simm.s32 @!p2 $0x0  }
0x1d: {  	s5 =	simm.s32 @p1 $0x1;
	p0 =	seq.s32 s7, s2  }
0x1e: {  	s7 =	smul.u32 @!p0 $0xF7A, s2;
	p2 =	seq.s32 @!p0 s5, $0x0  }
0x1f: {  	s9 =	smul.u32 $0xF7A, s1;
	s8 =	simm.s32 @!p0 $0x1BF5;
	p2 =	por !p2, p0  }
0x20: {  	[sflag:s8] =	ssyncset.s32 @!p0 $0xFFFFF086;
	s6 =	sadd.s32 @!p0 s3, s7;
	s7 =	simm.s32 @!p0 $0x108  }
0x21: {  	s3 =	sadd.s32 s3, s9;
	s6 =	sadd.s32 @!p0 $0x88, s6;
	s7 =	simm.s32 @p2 $0x1082  }
0x22: {  	[simem:s7], [sflag:s8] =	dma.local @!p0 [hbm:s6], $0xF7A  }
0x23: {  	s9 =	sor.u32 $0xD0000000, s2;
	s6 =	simm.s32 $0x108;
	_ =	swait.ge @!p0 [sflag:s8], $0x0  }
0x24: {  	s3 =	sadd.s32 $0x88, s3;
	s6 =	simm.s32 @!p1 $0x1082;
	[sflag:s4] =	ssyncset.s32 $0xFFFFF086  }
0x25: {  	[simem:s6], [sflag:s4] =	dma.local [hbm:s3], $0xF7A  }
0x26: {  	[smem:$0x3F90] =	sst s1;
	(tag) =	ssettag s2;
	_ =	strace s9  }
0x27: {  	s1 =	sld [smem:$0x3FA0]  }
0x28: {  	s2 =	sld [smem:$0x3FA1]  }
0x29: {  	s4 =	sld [smem:$0x3FA3]  }
0x2a: {  	p0 =	seq.s32 s5, $0x0;
	s5 =	sld [smem:$0x3FA4]  }
0x2b: {  	s6 =	sld [smem:$0x3FA5]  }
0x2c: {  	s7 =	sld [smem:$0x3FA6]  }
0x2d: {  	s3 =	simm.s32 $0x108;
	s8 =	sld [smem:$0x3FA7]  }
0x2e: {  	s3 =	simm.s32 @!p0 $0x1082;
	s9 =	sld [smem:$0x3FA8]  }
0x2f: {  	lr =	sadd.s32 s0, s3;
	s0 =	sld [smem:$0x3F9F]  }
0x30: {  	s3 =	sld [smem:$0x3FA2]  }
0x31: {  	[smem:$0x3FAB] =	sst s10  }
0x32: {  	s10 =	sld [smem:$0x3FA9];
	_ =	sdelay $0x3  }
0x33: {  	p0 =	seq.s32 s10, $0x1;
	s10 =	sld [smem:$0x3FAB];
	_ =	sdelay $0x3  }
0x34: {  	[smem:$0x3FAB] =	sst s10  }
0x35: {  	s10 =	sld [smem:$0x3FAA];
	_ =	sdelay $0x3  }
0x36: {  	p1 =	seq.s32 s10, $0x1;
	s10 =	sld [smem:$0x3FAB];
	_ =	sdelay $0x3  }
0x37: {  	[smem:$0x3FAB] =	sst s10  }
0x38: {  	s10 =	sld [smem:$0x3FAC]  }
0x39: {  	_ = 	snop;
	(pc) =	sbr.ind lr, $3  }
0x3a: {  	_ = 	snop  }
0x3b: {  	_ = 	snop  }
0x3c: {  	p2 =	seq.s32 s10, $0x1;
	s10 =	sld [smem:$0x3FAB]  }
0x3d: {  	_ =	shalt  }
0x3e: {  	_ =	shalt  }
0x3f: {  	_ =	shalt  }
0x40: {  	_ =	shalt  }
0x41: {  	_ =	shalt  }
0x42: {  	_ =	shalt  }
0x43: {  	_ =	shalt  }
0x44: {  	_ =	shalt  }
0x45: {  	_ =	shalt  }
0x46: {  	_ =	shalt  }
0x47: {  	_ =	shalt  }
0x48: {  	_ =	shalt  }
0x49: {  	_ =	shalt  }
0x4a: {  	_ =	shalt  }
0x4b: {  	_ =	shalt  }
0x4c: {  	_ =	shalt  }
0x4d: {  	_ =	shalt  }
0x4e: {  	_ =	shalt  }
0x4f: {  	_ =	shalt  }
0x50: {  	_ =	shalt  }
0x51: {  	_ =	shalt  }
0x52: {  	_ =	shalt  }
0x53: {  	_ =	shalt  }
0x54: {  	_ =	shalt  }
0x55: {  	_ =	shalt  }
0x56: {  	_ =	shalt  }
0x57: {  	_ =	shalt  }
0x58: {  	_ =	shalt  }
0x59: {  	_ =	shalt  }
0x5a: {  	_ =	shalt  }
0x5b: {  	_ =	shalt  }
0x5c: {  	_ =	shalt  }
0x5d: {  	_ =	shalt  }
0x5e: {  	_ =	shalt  }
0x5f: {  	_ =	shalt  }
0x60: {  	_ =	shalt  }
0x61: {  	_ =	shalt  }
0x62: {  	_ =	shalt  }
0x63: {  	_ =	shalt  }
0x64: {  	_ =	shalt  }
0x65: {  	_ =	shalt  }
0x66: {  	_ =	shalt  }
0x67: {  	_ =	shalt  }
0x68: {  	_ =	shalt  }
0x69: {  	_ =	shalt  }
0x6a: {  	_ =	shalt  }
0x6b: {  	_ =	shalt  }
0x6c: {  	_ =	shalt  }
0x6d: {  	_ =	shalt  }
0x6e: {  	_ =	shalt  }
0x6f: {  	_ =	shalt  }
0x70: {  	_ =	shalt  }
0x71: {  	_ =	shalt  }
0x72: {  	_ =	shalt  }
0x73: {  	_ =	shalt  }
0x74: {  	_ =	shalt  }
0x75: {  	_ =	shalt  }
0x76: {  	_ =	shalt  }
0x77: {  	_ =	shalt  }
0x78: {  	_ =	shalt  }
0x79: {  	_ =	shalt  }
0x7a: {  	_ =	shalt  }
0x7b: {  	_ =	shalt  }
0x7c: {  	_ =	shalt  }
0x7d: {  	_ =	shalt  }
0x7e: {  	_ =	shalt  }
0x7f: {  	_ =	shalt  }
0x80: {  	_ =	shalt  }
0x81: {  	_ =	shalt  }
0x82: {  	_ =	shalt  }
0x83: {  	_ =	shalt  }
0x84: {  	_ =	shalt  }
0x85: {  	_ =	shalt  }
0x86: {  	_ =	shalt  }
0x87: {  	_ =	shalt  }
.Lfunc_end0:
.L_simem_size_0:
called_computation.2_lowered:
.L_overlay_start_0:
0x88: {  	s2 =	sld [smem:$0x3FD9]  }
0x89: {  	s3 =	sld [smem:$0x3FFE];
	_ =	sdelay $0x1  }
0x8a: {  	s1 =	srdreg.scid  }
0x8b: {  	s0 =	sand.u32 $0x1, s1  }
0x8c: {  	s17 =	sshll.u32 s0, $0xA;
	s2 =	sadd.s32 s3, s2  }
0x8d: {  	s2 =	sadd.s32 s2, s17  }
0x8e: {  	[smem:$0x3FB7] =	sst s2  }
0x8f: {  	_ = 	snop  }
0x90: {  	s2 =	sld [smem:$0x3FD0];
	(tm) =	ssettm $0x1  }
0x91: {  	s18 =	sld [smem:$0x3FFB];
	_ =	sdelay $0x3  }
0x92: {  	_ =	strace s18  }
0x93: {  	s3 =	sld [smem:$0x3FFC];
	_ =	sdelay $0x3  }
0x94: {  	_ =	strace s3  }
0x95: {  	s3 =	sld [smem:$0x3FFD];
	_ =	sdelay $0x3  }
0x96: {  	_ =	strace s3  }
0x97: {  	_ =	strace $0x8FFFFFFF  }
0x98: {  	s19 =	sld [smem:$0x3FDB];
	_ =	sdelay $0x1  }
0x99: {  	s4 =	simm.s32 $_scs_section_size  }
0x9a: {  	s5 =	simm.s32 $_size__tile_overlayer_lowered;
	s6 =	simm.s32 $_tile_overlayer_lowered  }
0x9b: {  	s22 =	simm.s32 $0x1BFF;
	s21 =	sshll.u32 s6, $0x1;
	s3 =	sadd.s32 s4, s19  }
0x9c: {  	s7 =	simm.s32 $0x0;
	s20 =	sshll.u32 s5, $0x1;
	s5 =	sadd.s32 s21, s3  }
0x9d: {  	[timem:s7], [sflag:s22] =	dma.local [hbm:s5], s20  }
0x9e: {  	_ =	swait.ge [sflag:s22], s20  }
0x9f: {  	s4 =	ssub.s32 $0x0, s20;
	[sflag:s22] =	ssyncset.done $0x0  }
0xa0: {  	[sflag:s22] =	ssyncadd.s32 s4;
	_ =	sdelay $0x1  }
0xa1: {  	s23 =	simm.s32 $0x1B8B  }
0xa2: {  	_ =	swait.ge [sflag:s23], $0x1  }
0xa3: {  	[sflag:s23] =	ssyncset.done $0x0  }
0xa4: {  	s25 =	simm.s32 $0x1B8E;
	s24 =	sld [smem:$0x3FFE];
	[sflag:s23] =	ssyncadd.s32 $0xFFFFFFFF  }
0xa5: {  	s26 =	simm.s32 $execute0_lowered;
	[smem:$0x3FD2] =	sst s25  }
0xa6: {  	s5 =	sshll.u32 s26, $0x1;
	_ =	strace $0x80000046;
	[dreg:$0x1] =	wrdreg $0xFFFFFFFF  }
0xa7: {  	s28 =	simm.s32 $_size_execute0_lowered;
	s3 =	sadd.s32 s3, s5;
	[dreg:$0x0] =	wrdreg $0x0  }
0xa8: {  	s5 =	sshll.u32 s28, $0x1;
	[dreg:$0x2] =	wrdreg s3  }
0xa9: {  	[dreg:$0x3] =	wrdreg s5  }
0xaa: {  	[dreg:$0x4] =	wrdreg $0xC0  }
0xab: {  	_ =	task [dreg:s7], $0x5FFFF  }
0xac: {  	[dreg:$0x1] =	wrdreg $0xFFFFFFFF  }
0xad: {  	[dreg:$0x0] =	wrdreg $0x60  }
0xae: {  	[dreg:$0x2] =	wrdreg s24  }
0xaf: {  	[dreg:$0x3] =	wrdreg s2  }
0xb0: {  	[dreg:$0x4] =	wrdreg $0x9  }
0xb1: {  	_ =	task.clear_ibuf [dreg:s7], $0x5FFFF;
	_ =	strace $0x90000046  }
0xb2: {  	s29 =	simm.s32 $0x9;
	_ =	strace $0x80000048  }
0xb3: {  	_ =	swait.ge [sflag:s29], $0x1  }
0xb4: {  	[sflag:s29] =	ssyncadd.s32 $0xFFFFFFFF  }
0xb5: {  	_ =	strace $0x90000048  }
0xb6: {  	_ =	sfence  }
0xb7: {  	s30 =	sld [smem:$0x0];
	_ =	sdelay $0x2  }
0xb8: {  	s31 =	sshll.u32 s1, $0xD;
	s1 =	sshrl.u32 s1, $0x2  }
0xb9: {  	s3 =	sand.u32 $0x4000, s31;
	s1 =	sadd.s32 s1, s30  }
0xba: {  	s0 =	sor.u32 s3, s0;
	s1 =	sshll.u32 s1, $0x11  }
0xbb: {  	s0 =	sor.u32 s1, s0  }
0xbc: {  	s0 =	sadd.s32 $0x8F2B, s0  }
0xbd: {  	[sflag:s0] =	ssyncadd.remote.s32 $0x1  }
0xbe: {  	_ =	sfence.sel $0xFFFF  }
0xbf: {  	[dreg:$0x0] =	wrdreg $0xFFFFFFFF;
	(pc) =	sbr.abs _section_cstart, $3  }
0xc0: {  	[dreg:$0x1] =	wrdreg $0xFFFFFFFF  }
0xc1: {  	_ =	task.clear_ibuf [dreg:s7], $0x2FFFF;
	_ =	strace $0x9FFFFFFF  }
0xc2: {  	(tm) =	ssettm $0x7FFFFFFF  }
0xc3: {  	_ =	shalt  }
tec
execute0_lowered:
.L_overlay_start_1:
0x0: {  	(tag) =	ssettag $0x1  }
0x1: {  	s6 =	rddreg [dreg:$0x0]  }
0x2: {  	s2 =	rddreg [dreg:$0x1]  }
0x3: {  	s0 =	rddreg [dreg:$0x2];
	s4 =	srdreg.scid  }
0x4: {  	s1 =	stileid.u32;
	s3 =	simm.s32 $0x0;
	s12 =	simm.s32 $0x2  }
0x5: {  	s13 =	simm.s32 $0x80;
	s14 =	simm.s32 $0x50;
	s15 =	simm.s32 $0x100  }
0x6: {  	s16 =	simm.s32 $0x2900;
	s17 =	simm.s32 $0x5100;
	s8 =	smul.u32 $0x4E20, s1  }
0x7: {  	s18 =	simm.s32 $0x1;
	s7 =	sand.u32 $0x1, s4;
	s10 =	smul.u32 $0x4E200, s1  }
0x8: {  	s19 =	simm.s32 $0x0;
	[smem:$0x7FF] =	sst s3;
	s9 =	smul.u32 $0x2710, s7  }
0x9: {  	s4 =	sadd.s32 $0x15A00, s6;
	s5 =	sadd.s32 $0x286A00, s6;
	s29 =	smul.u32 $0x27100, s7  }
0xa: {  	_ =	strace $0x80000047;
	s7 =	ssub.s32 $0x2, s7;
	s10 =	sadd.s32 s10, s6  }
0xb: {  	s30 =	sshrl.u32 s7, $0x1;
	s8 =	sadd.s32 s9, s8;
	s9 =	sadd.s32 s29, s10  }
0xc: {  	s31 =	ssub.s32 s7, s30;
	s8 =	sshrl.u32 s8, $0x3;
	s7 =	sadd.s32 $0x9D9A00, s9  }
0xd: {  	s11 =	sadd.s32 s8, s6;
	s6 =	sadd.s32 $0x4F7A00, s9;
	s8 =	smax.u32 s31, $0x1  }
0xe: {  	s9 =	sadd.s32 $0xEBBA00, s9;
	s10 =	sadd.s32 $0x1E00, s11;
	s11 =	sadd.s32 $0xBC00, s11  }
.LBB2_1:
0xf: {  	[tilespmem:s3], [sflag:$0x2] =	stream.linear.gather [hbm4b:s11+s3], $0x50, $0x38;
	[tilespmem:$0x7900] =	vst v63  }
0x10: {  	_ =	swait.ge [sflag:s12], $0x50  }
0x11: {  	[sflag:s12] =	ssyncset.done $0x0  }
0x12: {  	[sflag:s12] =	ssyncadd.s32 $0xFFFFFFB0  }
0x13: {  	[tilespmem:s13], [sflag:$0x2] =	stream.linear.gather [hbm4b:s10+s3], $0x50, $0x38;
	[tilespmem:$0x7900] =	vst v63  }
0x14: {  	_ =	swait.ge [sflag:s12], $0x50  }
0x15: {  	[sflag:s12] =	ssyncset.done $0x0  }
0x16: {  	[sflag:s12] =	ssyncadd.s32 $0xFFFFFFB0  }
0x17: {  	[tilespmem:s15], [sflag:$0x1] =	stream.indirect.gather [hbm4b:s4+s14], $0x80, s3, s14, $0xb8;
	[tilespmem:$0x7900] =	vst v63  }
0x18: {  	_ = 	snop  }
0x19: {  	[tilespmem:s16], [sflag:$0x1] =	stream.indirect.gather [hbm4b:s2+s14], $0x80, s13, s14, $0xb8;
	[tilespmem:$0x7900] =	vst v63  }
0x1a: {  	_ = 	snop  }
0x1b: {  	[tilespmem:s17], [sflag:$0x1] =	stream.indirect.gather [hbm4b:s5+s14], $0x80, s3, s14, $0xb8;
	[tilespmem:$0x7900] =	vst v63  }
0x1c: {  	_ =	swait.ge [sflag:s18], $0x2800  }
0x1d: {  	[sflag:s18] =	ssyncset.done $0x0  }
0x1e: {  	[sflag:s18] =	ssyncadd.s32 $0xFFFFD800  }
0x1f: {  	_ =	swait.ge [sflag:s18], $0x2800  }
0x20: {  	[sflag:s18] =	ssyncset.done $0x0  }
0x21: {  	[sflag:s18] =	ssyncadd.s32 $0xFFFFD800  }
0x22: {  	_ =	swait.ge [sflag:s18], $0x2800  }
0x23: {  	[sflag:s18] =	ssyncset.done $0x0  }
0x24: {  	s20 =	sadd.s32 $0x0, s6;
	[sflag:s18] =	ssyncadd.s32 $0xFFFFD800  }
0x25: {  	[hbm4b:s20+s3] =	stream.linear.scatter [tilespmem:s15], [sflag:$0x2], $0x2800, $0x38;
	[tilespmem:$0x7900] =	vst v63  }
0x26: {  	_ =	swait.ge [sflag:s12], $0x2800  }
0x27: {  	[sflag:s12] =	ssyncset.done $0x0  }
0x28: {  	s30 =	sadd.s32 $0x0, s7;
	[sflag:s12] =	ssyncadd.s32 $0xFFFFD800  }
0x29: {  	[hbm4b:s30+s3] =	stream.linear.scatter [tilespmem:s16], [sflag:$0x2], $0x2800, $0x38;
	[tilespmem:$0x7900] =	vst v63  }
0x2a: {  	_ =	swait.ge [sflag:s12], $0x2800  }
0x2b: {  	[sflag:s12] =	ssyncset.done $0x0  }
0x2c: {  	s31 =	sadd.s32 $0x0, s9;
	[sflag:s12] =	ssyncadd.s32 $0xFFFFD800  }
0x2d: {  	[hbm4b:s31+s3] =	stream.linear.scatter [tilespmem:s17], [sflag:$0x2], $0x2800, $0x38;
	[tilespmem:$0x7900] =	vst v63  }
0x2e: {  	s21 =	smov.u32 s10;
	_ =	swait.ge [sflag:s12], $0x2800  }
0x2f: {  	s22 =	smov.u32 s11;
	s20 =	simm.s32 $0x500;
	[sflag:s12] =	ssyncset.done $0x0  }
.LBB2_2:
0x30: {  	[sflag:s12] =	ssyncadd.s32 $0xFFFFD800  }
0x31: {  	s21 =	sadd.s32 $0xA, s21;
	s22 =	sadd.s32 $0xA, s22;
	s23 =	smov.u32 s20  }
0x32: {  	[tilespmem:s3], [sflag:$0x2] =	stream.linear.gather [hbm4b:s22+s3], $0x50, $0x38;
	[tilespmem:$0x7900] =	vst v63  }
0x33: {  	p0 =	sne.s32 s20, $0x26C00;
	s20 =	sadd.s32 $0x500, s20;
	_ =	swait.ge [sflag:s12], $0x50  }
0x34: {  	[sflag:s12] =	ssyncset.done $0x0  }
0x35: {  	[sflag:s12] =	ssyncadd.s32 $0xFFFFFFB0  }
0x36: {  	[tilespmem:s13], [sflag:$0x2] =	stream.linear.gather [hbm4b:s21+s3], $0x50, $0x38;
	[tilespmem:$0x7900] =	vst v63  }
0x37: {  	_ =	swait.ge [sflag:s12], $0x50  }
0x38: {  	[sflag:s12] =	ssyncset.done $0x0  }
0x39: {  	[sflag:s12] =	ssyncadd.s32 $0xFFFFFFB0  }
0x3a: {  	[tilespmem:s15], [sflag:$0x1] =	stream.indirect.gather [hbm4b:s4+s14], $0x80, s3, s14, $0xb8;
	[tilespmem:$0x7900] =	vst v63  }
0x3b: {  	_ = 	snop  }
0x3c: {  	[tilespmem:s16], [sflag:$0x1] =	stream.indirect.gather [hbm4b:s2+s14], $0x80, s13, s14, $0xb8;
	[tilespmem:$0x7900] =	vst v63  }
0x3d: {  	_ = 	snop  }
0x3e: {  	[tilespmem:s17], [sflag:$0x1] =	stream.indirect.gather [hbm4b:s5+s14], $0x80, s3, s14, $0xb8;
	[tilespmem:$0x7900] =	vst v63  }
0x3f: {  	_ =	swait.ge [sflag:s18], $0x2800  }
0x40: {  	[sflag:s18] =	ssyncset.done $0x0  }
0x41: {  	[sflag:s18] =	ssyncadd.s32 $0xFFFFD800  }
0x42: {  	_ =	swait.ge [sflag:s18], $0x2800  }
0x43: {  	[sflag:s18] =	ssyncset.done $0x0  }
0x44: {  	[sflag:s18] =	ssyncadd.s32 $0xFFFFD800  }
0x45: {  	_ =	swait.ge [sflag:s18], $0x2800  }
0x46: {  	[sflag:s18] =	ssyncset.done $0x0  }
0x47: {  	s24 =	sadd.s32 s23, s6;
	[sflag:s18] =	ssyncadd.s32 $0xFFFFD800  }
0x48: {  	[hbm4b:s24+s3] =	stream.linear.scatter [tilespmem:s15], [sflag:$0x2], $0x2800, $0x38;
	[tilespmem:$0x7900] =	vst v63  }
0x49: {  	_ =	swait.ge [sflag:s12], $0x2800  }
0x4a: {  	[sflag:s12] =	ssyncset.done $0x0  }
0x4b: {  	s24 =	sadd.s32 s23, s7;
	[sflag:s12] =	ssyncadd.s32 $0xFFFFD800  }
0x4c: {  	[hbm4b:s24+s3] =	stream.linear.scatter [tilespmem:s16], [sflag:$0x2], $0x2800, $0x38;
	[tilespmem:$0x7900] =	vst v63  }
0x4d: {  	_ =	swait.ge [sflag:s12], $0x2800  }
.Ltmp0:
0x4e: {  	[sflag:s12] =	ssyncset.done $0x0;
	(pc) =	sbr.rel @p0 .LBB2_2-.Ltmp0, $4  }
0x4f: {  	s23 =	sadd.s32 s23, s9;
	[sflag:s12] =	ssyncadd.s32 $0xFFFFD800  }
0x50: {  	[hbm4b:s23+s3] =	stream.linear.scatter [tilespmem:s17], [sflag:$0x2], $0x2800, $0x38;
	[tilespmem:$0x7900] =	vst v63  }
0x51: {  	_ =	swait.ge [sflag:s12], $0x2800  }
0x52: {  	[sflag:s12] =	ssyncset.done $0x0  }
0x53: {  	s19 =	sadd.s32 $0x1, s19  }
0x54: {  	p0 =	sne.s32 s19, s8  }
.Ltmp1:
0x55: {  	_ = 	snop;
	(pc) =	sbr.rel @p0 .LBB2_1-.Ltmp1, $2  }
0x56: {  	_ =	sdelay $0x2  }
0x57: {  	[sflag:s12] =	ssyncadd.s32 $0xFFFFD800  }
0x58: {  	_ =	sfence.sel $0x180000  }
0x59: {  	[bflag:$0x0] =	sbarrier.arrive $0xFFFF  }
0x5a: {  	p0 =	sne.s32 s1, $0x0;
	_ =	strace $0x90000047  }
0x5b: {  	s0 =	sadd.s32 @!p0 $0x100000, s0;
	[bflag:$0x2] =	sbarrier.arrive $0xFFFF  }
0x5c: {  	[sflag:s0] =	ssyncadd.tile.s32 @!p0 $0x1;
	_ =	shalt  }
.Lfunc_end2:
_tile_overlayer_lowered:
.L_overlay_start_2:
0x5d: {  	(tag) =	ssettag $0x2  }
0x5e: {  	s0 =	rddreg [dreg:$0x0];
	s2 =	stileid.u32  }
0x5f: {  	s1 =	rddreg [dreg:$0x1];
	p0 =	sne.s32 s2, $0x0  }
0x60: {  	s3 =	rddreg [dreg:$0x2];
	[bflag:$0x3] =	sbarrier.arrive $0xFFFF;
	s2 =	simm.s32 @!p0 $0x1C02  }
0x61: {  	[timem:s3], [sflag:s2] =	dma.local @!p0 [hbm:s0], s1  }
0x62: {  	s0 =	simm.s32 @!p0 $0x2  }
0x63: {  	_ =	swait.ge @!p0 [sflag:s0], s1  }
0x64: {  	s1 =	ssub.s32 @!p0 $0x0, s1;
	[sflag:s0] =	ssyncset.done @!p0 $0x0  }
0x65: {  	[sflag:s0] =	ssyncadd.s32 @!p0 s1  }
0x66: {  	[bflag:$0x3] =	sbarrier.arrive $0xFFFF  }
0x67: {  	_ =	shalt  }

// kernel: scatter_offload_async_start.1
scs
__scs_entry_jumppad:
0x0: {  	(pc) =	sbr.rel $0x88, $3  }
0x1: {  	(tag) =	ssettag $0x0;
	lr =	simm.s32 $0x1  }
0x2: {  	[smem:$0x3F90] =	sst lr;
	_ =	strace $0xD0000000  }
0x3: {  	_ = 	snop  }
0x4: {  	_ = 	snop  }
0x5: {  	_ = 	snop  }
0x6: {  	_ = 	snop  }
0x7: {  	_ = 	snop  }
__scs_overlays_trampoline_lowered:
0x8: {  	[smem:$0x3F9F] =	sst s0  }
0x9: {  	[smem:$0x3FA0] =	sst s1  }
0xa: {  	[smem:$0x3FA1] =	sst s2  }
0xb: {  	[smem:$0x3FA2] =	sst s3  }
0xc: {  	[smem:$0x3FA3] =	sst s4  }
0xd: {  	[smem:$0x3FA4] =	sst s5  }
0xe: {  	[smem:$0x3FA5] =	sst s6  }
0xf: {  	[smem:$0x3FA6] =	sst s7  }
0x10: {  	[smem:$0x3FA7] =	sst s8  }
0x11: {  	[smem:$0x3FA8] =	sst s9;
	s0 =	simm.s32 @!p0 $0x0  }
0x12: {  	s1 =	sld [smem:$0x3F8E];
	s0 =	simm.s32 @p0 $0x1  }
0x13: {  	[smem:$0x3FA9] =	sst s0;
	s0 =	simm.s32 @!p1 $0x0  }
0x14: {  	s2 =	sld [smem:$0x3F8D];
	s0 =	simm.s32 @p1 $0x1  }
0x15: {  	[smem:$0x3FAA] =	sst s0;
	s0 =	simm.s32 @!p2 $0x0  }
0x16: {  	s3 =	sld [smem:$0x3FDB];
	s0 =	simm.s32 @p2 $0x1  }
0x17: {  	s4 =	simm.s32 $0x1BF5;
	[smem:$0x3FAC] =	sst s0  }
0x18: {  	s0 =	sld [smem:$0x3F8F];
	_ =	swait.ge [sflag:s4], $0x0  }
0x19: {  	s7 =	sld [smem:$0x3F90]  }
0x1a: {  	s8 =	sadd.s32 $0xFFFFE003, lr  }
0x1b: {  	s9 =	sadd.s32 $0xFFFFFEF7, lr;
	s5 =	simm.s32 $0xFFFFFFFF;
	p2 =	slt.u32 s8, $0xFFFFF086  }
0x1c: {  	p1 =	slt.u32 s9, $0xF7A;
	s5 =	simm.s32 @!p2 $0x0  }
0x1d: {  	s5 =	simm.s32 @p1 $0x1;
	p0 =	seq.s32 s7, s2  }
0x1e: {  	s7 =	smul.u32 @!p0 $0xF7A, s2;
	p2 =	seq.s32 @!p0 s5, $0x0  }
0x1f: {  	s9 =	smul.u32 $0xF7A, s1;
	s8 =	simm.s32 @!p0 $0x1BF5;
	p2 =	por !p2, p0  }
0x20: {  	[sflag:s8] =	ssyncset.s32 @!p0 $0xFFFFF086;
	s6 =	sadd.s32 @!p0 s3, s7;
	s7 =	simm.s32 @!p0 $0x108  }
0x21: {  	s3 =	sadd.s32 s3, s9;
	s6 =	sadd.s32 @!p0 $0x88, s6;
	s7 =	simm.s32 @p2 $0x1082  }
0x22: {  	[simem:s7], [sflag:s8] =	dma.local @!p0 [hbm:s6], $0xF7A  }
0x23: {  	s9 =	sor.u32 $0xD0000000, s2;
	s6 =	simm.s32 $0x108;
	_ =	swait.ge @!p0 [sflag:s8], $0x0  }
0x24: {  	s3 =	sadd.s32 $0x88, s3;
	s6 =	simm.s32 @!p1 $0x1082;
	[sflag:s4] =	ssyncset.s32 $0xFFFFF086  }
0x25: {  	[simem:s6], [sflag:s4] =	dma.local [hbm:s3], $0xF7A  }
0x26: {  	[smem:$0x3F90] =	sst s1;
	(tag) =	ssettag s2;
	_ =	strace s9  }
0x27: {  	s1 =	sld [smem:$0x3FA0]  }
0x28: {  	s2 =	sld [smem:$0x3FA1]  }
0x29: {  	s4 =	sld [smem:$0x3FA3]  }
0x2a: {  	p0 =	seq.s32 s5, $0x0;
	s5 =	sld [smem:$0x3FA4]  }
0x2b: {  	s6 =	sld [smem:$0x3FA5]  }
0x2c: {  	s7 =	sld [smem:$0x3FA6]  }
0x2d: {  	s3 =	simm.s32 $0x108;
	s8 =	sld [smem:$0x3FA7]  }
0x2e: {  	s3 =	simm.s32 @!p0 $0x1082;
	s9 =	sld [smem:$0x3FA8]  }
0x2f: {  	lr =	sadd.s32 s0, s3;
	s0 =	sld [smem:$0x3F9F]  }
0x30: {  	s3 =	sld [smem:$0x3FA2]  }
0x31: {  	[smem:$0x3FAB] =	sst s10  }
0x32: {  	s10 =	sld [smem:$0x3FA9];
	_ =	sdelay $0x3  }
0x33: {  	p0 =	seq.s32 s10, $0x1;
	s10 =	sld [smem:$0x3FAB];
	_ =	sdelay $0x3  }
0x34: {  	[smem:$0x3FAB] =	sst s10  }
0x35: {  	s10 =	sld [smem:$0x3FAA];
	_ =	sdelay $0x3  }
0x36: {  	p1 =	seq.s32 s10, $0x1;
	s10 =	sld [smem:$0x3FAB];
	_ =	sdelay $0x3  }
0x37: {  	[smem:$0x3FAB] =	sst s10  }
0x38: {  	s10 =	sld [smem:$0x3FAC]  }
0x39: {  	_ = 	snop;
	(pc) =	sbr.ind lr, $3  }
0x3a: {  	_ = 	snop  }
0x3b: {  	_ = 	snop  }
0x3c: {  	p2 =	seq.s32 s10, $0x1;
	s10 =	sld [smem:$0x3FAB]  }
0x3d: {  	_ =	shalt  }
0x3e: {  	_ =	shalt  }
0x3f: {  	_ =	shalt  }
0x40: {  	_ =	shalt  }
0x41: {  	_ =	shalt  }
0x42: {  	_ =	shalt  }
0x43: {  	_ =	shalt  }
0x44: {  	_ =	shalt  }
0x45: {  	_ =	shalt  }
0x46: {  	_ =	shalt  }
0x47: {  	_ =	shalt  }
0x48: {  	_ =	shalt  }
0x49: {  	_ =	shalt  }
0x4a: {  	_ =	shalt  }
0x4b: {  	_ =	shalt  }
0x4c: {  	_ =	shalt  }
0x4d: {  	_ =	shalt  }
0x4e: {  	_ =	shalt  }
0x4f: {  	_ =	shalt  }
0x50: {  	_ =	shalt  }
0x51: {  	_ =	shalt  }
0x52: {  	_ =	shalt  }
0x53: {  	_ =	shalt  }
0x54: {  	_ =	shalt  }
0x55: {  	_ =	shalt  }
0x56: {  	_ =	shalt  }
0x57: {  	_ =	shalt  }
0x58: {  	_ =	shalt  }
0x59: {  	_ =	shalt  }
0x5a: {  	_ =	shalt  }
0x5b: {  	_ =	shalt  }
0x5c: {  	_ =	shalt  }
0x5d: {  	_ =	shalt  }
0x5e: {  	_ =	shalt  }
0x5f: {  	_ =	shalt  }
0x60: {  	_ =	shalt  }
0x61: {  	_ =	shalt  }
0x62: {  	_ =	shalt  }
0x63: {  	_ =	shalt  }
0x64: {  	_ =	shalt  }
0x65: {  	_ =	shalt  }
0x66: {  	_ =	shalt  }
0x67: {  	_ =	shalt  }
0x68: {  	_ =	shalt  }
0x69: {  	_ =	shalt  }
0x6a: {  	_ =	shalt  }
0x6b: {  	_ =	shalt  }
0x6c: {  	_ =	shalt  }
0x6d: {  	_ =	shalt  }
0x6e: {  	_ =	shalt  }
0x6f: {  	_ =	shalt  }
0x70: {  	_ =	shalt  }
0x71: {  	_ =	shalt  }
0x72: {  	_ =	shalt  }
0x73: {  	_ =	shalt  }
0x74: {  	_ =	shalt  }
0x75: {  	_ =	shalt  }
0x76: {  	_ =	shalt  }
0x77: {  	_ =	shalt  }
0x78: {  	_ =	shalt  }
0x79: {  	_ =	shalt  }
0x7a: {  	_ =	shalt  }
0x7b: {  	_ =	shalt  }
0x7c: {  	_ =	shalt  }
0x7d: {  	_ =	shalt  }
0x7e: {  	_ =	shalt  }
0x7f: {  	_ =	shalt  }
0x80: {  	_ =	shalt  }
0x81: {  	_ =	shalt  }
0x82: {  	_ =	shalt  }
0x83: {  	_ =	shalt  }
0x84: {  	_ =	shalt  }
0x85: {  	_ =	shalt  }
0x86: {  	_ =	shalt  }
0x87: {  	_ =	shalt  }
.Lfunc_end0:
.L_simem_size_0:
called_computation.1_lowered:
.L_overlay_start_0:
0x88: {  	s2 =	sld [smem:$0x3FD9]  }
0x89: {  	s3 =	sld [smem:$0x3FFE];
	_ =	sdelay $0x1  }
0x8a: {  	s1 =	srdreg.scid  }
0x8b: {  	s0 =	sand.u32 $0x1, s1  }
0x8c: {  	s15 =	sshll.u32 s0, $0xA;
	s2 =	sadd.s32 s3, s2  }
0x8d: {  	s2 =	sadd.s32 s2, s15  }
0x8e: {  	[smem:$0x3FB7] =	sst s2  }
0x8f: {  	_ = 	snop  }
0x90: {  	(tm) =	ssettm $0x1  }
0x91: {  	s16 =	sld [smem:$0x3FFB];
	_ =	sdelay $0x3  }
0x92: {  	_ =	strace s16  }
0x93: {  	s2 =	sld [smem:$0x3FFC];
	_ =	sdelay $0x3  }
0x94: {  	_ =	strace s2  }
0x95: {  	s2 =	sld [smem:$0x3FFD];
	_ =	sdelay $0x3  }
0x96: {  	_ =	strace s2  }
0x97: {  	_ =	strace $0x8FFFFFFF  }
0x98: {  	s17 =	sld [smem:$0x3FDB];
	_ =	sdelay $0x1  }
0x99: {  	s18 =	simm.s32 $_scs_section_size  }
0x9a: {  	s4 =	simm.s32 $_size__tile_overlayer_lowered;
	s5 =	simm.s32 $_tile_overlayer_lowered  }
0x9b: {  	s21 =	simm.s32 $0x1BFF;
	s20 =	sshll.u32 s5, $0x1;
	s2 =	sadd.s32 s18, s17  }
0x9c: {  	s6 =	simm.s32 $0x0;
	s19 =	sshll.u32 s4, $0x1;
	s4 =	sadd.s32 s20, s2  }
0x9d: {  	[timem:s6], [sflag:s21] =	dma.local [hbm:s4], s19  }
0x9e: {  	_ =	swait.ge [sflag:s21], s19  }
0x9f: {  	s3 =	ssub.s32 $0x0, s19;
	[sflag:s21] =	ssyncset.done $0x0  }
0xa0: {  	[sflag:s21] =	ssyncadd.s32 s3;
	_ =	sdelay $0x1  }
0xa1: {  	s22 =	simm.s32 $0x1B8B  }
0xa2: {  	_ =	swait.ge [sflag:s22], $0x1  }
0xa3: {  	[sflag:s22] =	ssyncset.done $0x0  }
0xa4: {  	s23 =	sld [smem:$0x3FFE];
	[sflag:s22] =	ssyncadd.s32 $0xFFFFFFFF  }
0xa5: {  	s25 =	simm.s32 $0x1B8E;
	s24 =	sld [smem:$0x0]  }
0xa6: {  	s26 =	simm.s32 $execute0_lowered;
	[smem:$0x3FD2] =	sst s25  }
0xa7: {  	s5 =	sshll.u32 s26, $0x1;
	_ =	strace $0x80000049;
	[dreg:$0x1] =	wrdreg $0xFFFFFFFF  }
0xa8: {  	s28 =	simm.s32 $_size_execute0_lowered;
	s2 =	sadd.s32 s2, s5;
	[dreg:$0x0] =	wrdreg $0x0  }
0xa9: {  	s5 =	sshll.u32 s28, $0x1;
	[dreg:$0x2] =	wrdreg s2  }
0xaa: {  	[dreg:$0x3] =	wrdreg s5  }
0xab: {  	[dreg:$0x4] =	wrdreg $0xC0  }
0xac: {  	_ =	task [dreg:s6], $0x5FFFF  }
0xad: {  	[dreg:$0x1] =	wrdreg $0xFFFFFFFF  }
0xae: {  	[dreg:$0x0] =	wrdreg $0x60  }
0xaf: {  	[dreg:$0x2] =	wrdreg s23  }
0xb0: {  	[dreg:$0x3] =	wrdreg s1  }
0xb1: {  	[dreg:$0x4] =	wrdreg s24  }
0xb2: {  	[dreg:$0x5] =	wrdreg $0xA  }
0xb3: {  	_ =	task.clear_ibuf [dreg:s6], $0x6FFFF;
	_ =	strace $0x90000049  }
0xb4: {  	s29 =	simm.s32 $0xA;
	_ =	strace $0x8000004B  }
0xb5: {  	_ =	swait.ge [sflag:s29], $0x1  }
0xb6: {  	[sflag:s29] =	ssyncadd.s32 $0xFFFFFFFF  }
0xb7: {  	_ =	strace $0x9000004B  }
0xb8: {  	_ =	sfence  }
0xb9: {  	s30 =	sld [smem:$0x0];
	_ =	sdelay $0x2  }
0xba: {  	s31 =	sshll.u32 s1, $0xD;
	s1 =	sshrl.u32 s1, $0x2  }
0xbb: {  	s3 =	sand.u32 $0x4000, s31;
	s1 =	sadd.s32 s1, s30  }
0xbc: {  	s0 =	sor.u32 s3, s0;
	s1 =	sshll.u32 s1, $0x11  }
0xbd: {  	s0 =	sor.u32 s1, s0  }
0xbe: {  	s0 =	sadd.s32 $0x8F2B, s0  }
0xbf: {  	[sflag:s0] =	ssyncadd.remote.s32 $0x1  }
0xc0: {  	_ =	sfence.sel $0xFFFF  }
0xc1: {  	[dreg:$0x0] =	wrdreg $0xFFFFFFFF;
	(pc) =	sbr.abs _section_cstart, $3  }
0xc2: {  	[dreg:$0x1] =	wrdreg $0xFFFFFFFF  }
0xc3: {  	_ =	task.clear_ibuf [dreg:s6], $0x2FFFF;
	_ =	strace $0x9FFFFFFF  }
0xc4: {  	(tm) =	ssettm $0x7FFFFFFF  }
0xc5: {  	_ =	shalt  }
tec
execute0_lowered:
.L_overlay_start_1:
0x0: {  	(tag) =	ssettag $0x1  }
0x1: {  	s11 =	rddreg [dreg:$0x0]  }
0x2: {  	s2 =	rddreg [dreg:$0x1];
	_ =	strace $0x8000004A;
	s12 =	simm.s32 $0x1  }
0x3: {  	v0 =	vimm.s32 $0x0;
	[sflag:s12] =	ssyncpa.u1 $0x0  }
0x4: {  	[tilespmem:$0x28] =	vst v0  }
0x5: {  	[tilespmem:$0x38] =	vst v0  }
0x6: {  	[tilespmem:$0x48] =	vst v0  }
0x7: {  	[tilespmem:$0x58] =	vst v0  }
0x8: {  	[tilespmem:$0x68] =	vst v0  }
0x9: {  	[tilespmem:$0x78] =	vst v0  }
0xa: {  	[tilespmem:$0x88] =	vst v0  }
0xb: {  	[tilespmem:$0x98] =	vst v0  }
0xc: {  	[tilespmem:$0xA8] =	vst v0  }
0xd: {  	[tilespmem:$0xB8] =	vst v0  }
0xe: {  	[tilespmem:$0xC8] =	vst v0  }
0xf: {  	[tilespmem:$0xD8] =	vst v0  }
0x10: {  	[tilespmem:$0xE8] =	vst v0  }
0x11: {  	[tilespmem:$0xF8] =	vst v0  }
0x12: {  	[tilespmem:$0x108] =	vst v0  }
0x13: {  	[tilespmem:$0x118] =	vst v0  }
0x14: {  	[tilespmem:$0x128] =	vst v0  }
0x15: {  	[tilespmem:$0x138] =	vst v0  }
0x16: {  	[tilespmem:$0x148] =	vst v0  }
0x17: {  	[tilespmem:$0x158] =	vst v0  }
0x18: {  	[tilespmem:$0x168] =	vst v0  }
0x19: {  	[tilespmem:$0x178] =	vst v0  }
0x1a: {  	[tilespmem:$0x188] =	vst v0  }
0x1b: {  	[tilespmem:$0x198] =	vst v0  }
0x1c: {  	[tilespmem:$0x1A8] =	vst v0  }
0x1d: {  	[tilespmem:$0x1B8] =	vst v0  }
0x1e: {  	[tilespmem:$0x1C8] =	vst v0  }
0x1f: {  	[tilespmem:$0x1D8] =	vst v0  }
0x20: {  	[tilespmem:$0x1E8] =	vst v0  }
0x21: {  	[tilespmem:$0x1F8] =	vst v0  }
0x22: {  	[tilespmem:$0x208] =	vst v0  }
0x23: {  	[tilespmem:$0x218] =	vst v0  }
0x24: {  	[tilespmem:$0x228] =	vst v0  }
0x25: {  	[tilespmem:$0x238] =	vst v0  }
0x26: {  	[tilespmem:$0x248] =	vst v0  }
0x27: {  	[tilespmem:$0x258] =	vst v0  }
0x28: {  	[tilespmem:$0x268] =	vst v0  }
0x29: {  	[tilespmem:$0x278] =	vst v0  }
0x2a: {  	[tilespmem:$0x288] =	vst v0  }
0x2b: {  	[tilespmem:$0x298] =	vst v0  }
0x2c: {  	[tilespmem:$0x2A8] =	vst v0  }
0x2d: {  	[tilespmem:$0x2B8] =	vst v0  }
0x2e: {  	[tilespmem:$0x2C8] =	vst v0  }
0x2f: {  	[tilespmem:$0x2D8] =	vst v0  }
0x30: {  	[tilespmem:$0x2E8] =	vst v0  }
0x31: {  	[tilespmem:$0x2F8] =	vst v0  }
0x32: {  	[tilespmem:$0x308] =	vst v0  }
0x33: {  	[tilespmem:$0x318] =	vst v0  }
0x34: {  	[tilespmem:$0x328] =	vst v0  }
0x35: {  	[tilespmem:$0x338] =	vst v0  }
0x36: {  	[tilespmem:$0x348] =	vst v0  }
0x37: {  	[tilespmem:$0x358] =	vst v0  }
0x38: {  	[tilespmem:$0x368] =	vst v0  }
0x39: {  	[tilespmem:$0x378] =	vst v0  }
0x3a: {  	[tilespmem:$0x388] =	vst v0  }
0x3b: {  	[tilespmem:$0x398] =	vst v0  }
0x3c: {  	[tilespmem:$0x3A8] =	vst v0  }
0x3d: {  	[tilespmem:$0x3B8] =	vst v0  }
0x3e: {  	[tilespmem:$0x3C8] =	vst v0  }
0x3f: {  	[tilespmem:$0x3D8] =	vst v0  }
0x40: {  	[tilespmem:$0x3E8] =	vst v0  }
0x41: {  	[tilespmem:$0x3F8] =	vst v0  }
0x42: {  	[tilespmem:$0x408] =	vst v0  }
0x43: {  	[tilespmem:$0x418] =	vst v0  }
0x44: {  	[tilespmem:$0x428] =	vst v0  }
0x45: {  	[tilespmem:$0x438] =	vst v0  }
0x46: {  	[tilespmem:$0x448] =	vst v0  }
0x47: {  	[tilespmem:$0x458] =	vst v0  }
0x48: {  	[tilespmem:$0x468] =	vst v0  }
0x49: {  	[tilespmem:$0x478] =	vst v0  }
0x4a: {  	[tilespmem:$0x488] =	vst v0  }
0x4b: {  	[tilespmem:$0x498] =	vst v0  }
0x4c: {  	[tilespmem:$0x4A8] =	vst v0  }
0x4d: {  	[tilespmem:$0x4B8] =	vst v0  }
0x4e: {  	[tilespmem:$0x4C8] =	vst v0  }
0x4f: {  	[tilespmem:$0x4D8] =	vst v0  }
0x50: {  	[tilespmem:$0x4E8] =	vst v0  }
0x51: {  	[tilespmem:$0x4F8] =	vst v0  }
0x52: {  	[tilespmem:$0x508] =	vst v0  }
0x53: {  	[tilespmem:$0x518] =	vst v0  }
0x54: {  	[tilespmem:$0x528] =	vst v0  }
0x55: {  	[tilespmem:$0x538] =	vst v0  }
0x56: {  	[tilespmem:$0x548] =	vst v0  }
0x57: {  	[tilespmem:$0x558] =	vst v0  }
0x58: {  	[tilespmem:$0x568] =	vst v0  }
0x59: {  	[tilespmem:$0x578] =	vst v0  }
0x5a: {  	[tilespmem:$0x588] =	vst v0  }
0x5b: {  	[tilespmem:$0x598] =	vst v0  }
0x5c: {  	[tilespmem:$0x5A8] =	vst v0  }
0x5d: {  	[tilespmem:$0x5B8] =	vst v0  }
0x5e: {  	[tilespmem:$0x5C8] =	vst v0  }
0x5f: {  	[tilespmem:$0x5D8] =	vst v0  }
0x60: {  	[tilespmem:$0x5E8] =	vst v0  }
0x61: {  	[tilespmem:$0x5F8] =	vst v0  }
0x62: {  	[tilespmem:$0x608] =	vst v0  }
0x63: {  	[tilespmem:$0x618] =	vst v0  }
0x64: {  	[tilespmem:$0x628] =	vst v0  }
0x65: {  	[tilespmem:$0x638] =	vst v0  }
0x66: {  	[tilespmem:$0x648] =	vst v0  }
0x67: {  	[tilespmem:$0x658] =	vst v0  }
0x68: {  	[tilespmem:$0x668] =	vst v0  }
0x69: {  	[tilespmem:$0x678] =	vst v0  }
0x6a: {  	[tilespmem:$0x688] =	vst v0  }
0x6b: {  	[tilespmem:$0x698] =	vst v0  }
0x6c: {  	[tilespmem:$0x6A8] =	vst v0  }
0x6d: {  	[tilespmem:$0x6B8] =	vst v0  }
0x6e: {  	[tilespmem:$0x6C8] =	vst v0  }
0x6f: {  	[tilespmem:$0x6D8] =	vst v0  }
0x70: {  	[tilespmem:$0x6E8] =	vst v0  }
0x71: {  	[tilespmem:$0x6F8] =	vst v0  }
0x72: {  	[tilespmem:$0x708] =	vst v0  }
0x73: {  	[tilespmem:$0x718] =	vst v0  }
0x74: {  	[tilespmem:$0x728] =	vst v0  }
0x75: {  	[tilespmem:$0x738] =	vst v0  }
0x76: {  	[tilespmem:$0x748] =	vst v0  }
0x77: {  	[tilespmem:$0x758] =	vst v0  }
0x78: {  	[tilespmem:$0x768] =	vst v0  }
0x79: {  	[tilespmem:$0x778] =	vst v0  }
0x7a: {  	[tilespmem:$0x788] =	vst v0  }
0x7b: {  	[tilespmem:$0x798] =	vst v0  }
0x7c: {  	[tilespmem:$0x7A8] =	vst v0  }
0x7d: {  	[tilespmem:$0x7B8] =	vst v0  }
0x7e: {  	[tilespmem:$0x7C8] =	vst v0  }
0x7f: {  	[tilespmem:$0x7D8] =	vst v0  }
0x80: {  	[tilespmem:$0x7E8] =	vst v0  }
0x81: {  	[tilespmem:$0x7F8] =	vst v0  }
0x82: {  	[tilespmem:$0x808] =	vst v0  }
0x83: {  	[tilespmem:$0x818] =	vst v0  }
0x84: {  	[tilespmem:$0x828] =	vst v0  }
0x85: {  	[tilespmem:$0x838] =	vst v0  }
0x86: {  	[tilespmem:$0x848] =	vst v0  }
0x87: {  	[tilespmem:$0x858] =	vst v0  }
0x88: {  	[tilespmem:$0x868] =	vst v0  }
0x89: {  	[tilespmem:$0x878] =	vst v0  }
0x8a: {  	[tilespmem:$0x888] =	vst v0  }
0x8b: {  	[tilespmem:$0x898] =	vst v0  }
0x8c: {  	[tilespmem:$0x8A8] =	vst v0  }
0x8d: {  	[tilespmem:$0x8B8] =	vst v0  }
0x8e: {  	[tilespmem:$0x8C8] =	vst v0  }
0x8f: {  	[tilespmem:$0x8D8] =	vst v0  }
0x90: {  	[tilespmem:$0x8E8] =	vst v0  }
0x91: {  	[tilespmem:$0x8F8] =	vst v0  }
0x92: {  	[tilespmem:$0x908] =	vst v0  }
0x93: {  	[tilespmem:$0x918] =	vst v0  }
0x94: {  	[tilespmem:$0x928] =	vst v0  }
0x95: {  	[tilespmem:$0x938] =	vst v0  }
0x96: {  	[tilespmem:$0x948] =	vst v0  }
0x97: {  	[tilespmem:$0x958] =	vst v0  }
0x98: {  	[tilespmem:$0x968] =	vst v0  }
0x99: {  	[tilespmem:$0x978] =	vst v0  }
0x9a: {  	[tilespmem:$0x988] =	vst v0  }
0x9b: {  	[tilespmem:$0x998] =	vst v0  }
0x9c: {  	[tilespmem:$0x9A8] =	vst v0  }
0x9d: {  	[tilespmem:$0x9B8] =	vst v0  }
0x9e: {  	[tilespmem:$0x9C8] =	vst v0  }
0x9f: {  	[tilespmem:$0x9D8] =	vst v0  }
0xa0: {  	[tilespmem:$0x9E8] =	vst v0  }
0xa1: {  	[tilespmem:$0x9F8] =	vst v0  }
0xa2: {  	[tilespmem:$0xA08] =	vst v0  }
0xa3: {  	[tilespmem:$0xA18] =	vst v0  }
0xa4: {  	[tilespmem:$0xA28] =	vst v0  }
0xa5: {  	[tilespmem:$0xA38] =	vst v0  }
0xa6: {  	[tilespmem:$0xA48] =	vst v0  }
0xa7: {  	[tilespmem:$0xA58] =	vst v0  }
0xa8: {  	[tilespmem:$0xA68] =	vst v0  }
0xa9: {  	[tilespmem:$0xA78] =	vst v0  }
0xaa: {  	[tilespmem:$0xA88] =	vst v0  }
0xab: {  	[tilespmem:$0xA98] =	vst v0  }
0xac: {  	[tilespmem:$0xAA8] =	vst v0  }
0xad: {  	[tilespmem:$0xAB8] =	vst v0  }
0xae: {  	[tilespmem:$0xAC8] =	vst v0  }
0xaf: {  	[tilespmem:$0xAD8] =	vst v0  }
0xb0: {  	[tilespmem:$0xAE8] =	vst v0  }
0xb1: {  	[tilespmem:$0xAF8] =	vst v0  }
0xb2: {  	[tilespmem:$0xB08] =	vst v0  }
0xb3: {  	[tilespmem:$0xB18] =	vst v0  }
0xb4: {  	[tilespmem:$0xB28] =	vst v0  }
0xb5: {  	[tilespmem:$0xB38] =	vst v0  }
0xb6: {  	[tilespmem:$0xB48] =	vst v0  }
0xb7: {  	[tilespmem:$0xB58] =	vst v0  }
0xb8: {  	[tilespmem:$0xB68] =	vst v0  }
0xb9: {  	[tilespmem:$0xB78] =	vst v0  }
0xba: {  	[tilespmem:$0xB88] =	vst v0  }
0xbb: {  	[tilespmem:$0xB98] =	vst v0  }
0xbc: {  	[tilespmem:$0xBA8] =	vst v0  }
0xbd: {  	[tilespmem:$0xBB8] =	vst v0  }
0xbe: {  	[tilespmem:$0xBC8] =	vst v0  }
0xbf: {  	[tilespmem:$0xBD8] =	vst v0  }
0xc0: {  	[tilespmem:$0xBE8] =	vst v0  }
0xc1: {  	[tilespmem:$0xBF8] =	vst v0  }
0xc2: {  	[tilespmem:$0xC08] =	vst v0  }
0xc3: {  	[tilespmem:$0xC18] =	vst v0  }
0xc4: {  	[tilespmem:$0xC28] =	vst v0  }
0xc5: {  	[tilespmem:$0xC38] =	vst v0  }
0xc6: {  	[tilespmem:$0xC48] =	vst v0  }
0xc7: {  	[tilespmem:$0xC58] =	vst v0  }
0xc8: {  	[tilespmem:$0xC68] =	vst v0  }
0xc9: {  	[tilespmem:$0xC78] =	vst v0  }
0xca: {  	[tilespmem:$0xC88] =	vst v0  }
0xcb: {  	[tilespmem:$0xC98] =	vst v0  }
0xcc: {  	[tilespmem:$0xCA8] =	vst v0  }
0xcd: {  	[tilespmem:$0xCB8] =	vst v0  }
0xce: {  	[tilespmem:$0xCC8] =	vst v0  }
0xcf: {  	[tilespmem:$0xCD8] =	vst v0  }
0xd0: {  	[tilespmem:$0xCE8] =	vst v0  }
0xd1: {  	[tilespmem:$0xCF8] =	vst v0  }
0xd2: {  	[tilespmem:$0xD08] =	vst v0  }
0xd3: {  	[tilespmem:$0xD18] =	vst v0  }
0xd4: {  	[tilespmem:$0xD28] =	vst v0  }
0xd5: {  	[tilespmem:$0xD38] =	vst v0  }
0xd6: {  	[tilespmem:$0xD48] =	vst v0  }
0xd7: {  	[tilespmem:$0xD58] =	vst v0  }
0xd8: {  	[tilespmem:$0xD68] =	vst v0  }
0xd9: {  	[tilespmem:$0xD78] =	vst v0  }
0xda: {  	[tilespmem:$0xD88] =	vst v0  }
0xdb: {  	[tilespmem:$0xD98] =	vst v0  }
0xdc: {  	[tilespmem:$0xDA8] =	vst v0  }
0xdd: {  	[tilespmem:$0xDB8] =	vst v0  }
0xde: {  	[tilespmem:$0xDC8] =	vst v0  }
0xdf: {  	[tilespmem:$0xDD8] =	vst v0  }
0xe0: {  	[tilespmem:$0xDE8] =	vst v0  }
0xe1: {  	[tilespmem:$0xDF8] =	vst v0  }
0xe2: {  	[tilespmem:$0xE08] =	vst v0  }
0xe3: {  	[tilespmem:$0xE18] =	vst v0  }
0xe4: {  	[tilespmem:$0xE28] =	vst v0  }
0xe5: {  	[tilespmem:$0xE38] =	vst v0  }
0xe6: {  	[tilespmem:$0xE48] =	vst v0  }
0xe7: {  	[tilespmem:$0xE58] =	vst v0  }
0xe8: {  	[tilespmem:$0xE68] =	vst v0  }
0xe9: {  	[tilespmem:$0xE78] =	vst v0  }
0xea: {  	[tilespmem:$0xE88] =	vst v0  }
0xeb: {  	[tilespmem:$0xE98] =	vst v0  }
0xec: {  	[tilespmem:$0xEA8] =	vst v0  }
0xed: {  	[tilespmem:$0xEB8] =	vst v0  }
0xee: {  	[tilespmem:$0xEC8] =	vst v0  }
0xef: {  	[tilespmem:$0xED8] =	vst v0  }
0xf0: {  	[tilespmem:$0xEE8] =	vst v0  }
0xf1: {  	[tilespmem:$0xEF8] =	vst v0  }
0xf2: {  	[tilespmem:$0xF08] =	vst v0  }
0xf3: {  	[tilespmem:$0xF18] =	vst v0  }
0xf4: {  	[tilespmem:$0xF28] =	vst v0  }
0xf5: {  	[tilespmem:$0xF38] =	vst v0  }
0xf6: {  	[tilespmem:$0xF48] =	vst v0  }
0xf7: {  	[tilespmem:$0xF58] =	vst v0  }
0xf8: {  	[tilespmem:$0xF68] =	vst v0  }
0xf9: {  	[tilespmem:$0xF78] =	vst v0  }
0xfa: {  	[tilespmem:$0xF88] =	vst v0  }
0xfb: {  	[tilespmem:$0xF98] =	vst v0  }
0xfc: {  	[tilespmem:$0xFA8] =	vst v0  }
0xfd: {  	[tilespmem:$0xFB8] =	vst v0  }
0xfe: {  	[tilespmem:$0xFC8] =	vst v0  }
0xff: {  	[tilespmem:$0xFD8] =	vst v0  }
0x100: {  	[tilespmem:$0xFE8] =	vst v0  }
0x101: {  	[tilespmem:$0xFF8] =	vst v0  }
0x102: {  	[tilespmem:$0x1028] =	vst v0  }
0x103: {  	[tilespmem:$0x10E8] =	vst v0  }
0x104: {  	[tilespmem:$0x1068] =	vst v0  }
0x105: {  	[tilespmem:$0x1B28] =	vst v0  }
0x106: {  	[tilespmem:$0x1B18] =	vst v0  }
0x107: {  	[tilespmem:$0x1B08] =	vst v0  }
0x108: {  	[tilespmem:$0x1AF8] =	vst v0  }
0x109: {  	[tilespmem:$0x1AE8] =	vst v0  }
0x10a: {  	[tilespmem:$0x1AD8] =	vst v0  }
0x10b: {  	[tilespmem:$0x1AC8] =	vst v0  }
0x10c: {  	[tilespmem:$0x1AB8] =	vst v0  }
0x10d: {  	[tilespmem:$0x1AA8] =	vst v0  }
0x10e: {  	[tilespmem:$0x1A98] =	vst v0  }
0x10f: {  	[tilespmem:$0x1A88] =	vst v0  }
0x110: {  	[tilespmem:$0x1A78] =	vst v0  }
0x111: {  	[tilespmem:$0x1A68] =	vst v0  }
0x112: {  	[tilespmem:$0x1A58] =	vst v0  }
0x113: {  	[tilespmem:$0x1A48] =	vst v0  }
0x114: {  	[tilespmem:$0x1A38] =	vst v0  }
0x115: {  	[tilespmem:$0x1A28] =	vst v0  }
0x116: {  	[tilespmem:$0x1A18] =	vst v0  }
0x117: {  	[tilespmem:$0x1A08] =	vst v0  }
0x118: {  	[tilespmem:$0x19F8] =	vst v0  }
0x119: {  	[tilespmem:$0x19E8] =	vst v0  }
0x11a: {  	[tilespmem:$0x19D8] =	vst v0  }
0x11b: {  	[tilespmem:$0x19C8] =	vst v0  }
0x11c: {  	[tilespmem:$0x19B8] =	vst v0  }
0x11d: {  	[tilespmem:$0x19A8] =	vst v0  }
0x11e: {  	[tilespmem:$0x1998] =	vst v0  }
0x11f: {  	[tilespmem:$0x1988] =	vst v0  }
0x120: {  	[tilespmem:$0x1978] =	vst v0  }
0x121: {  	[tilespmem:$0x1968] =	vst v0  }
0x122: {  	[tilespmem:$0x1958] =	vst v0  }
0x123: {  	[tilespmem:$0x1948] =	vst v0  }
0x124: {  	[tilespmem:$0x1938] =	vst v0  }
0x125: {  	[tilespmem:$0x1928] =	vst v0  }
0x126: {  	[tilespmem:$0x1918] =	vst v0  }
0x127: {  	[tilespmem:$0x1908] =	vst v0  }
0x128: {  	[tilespmem:$0x18F8] =	vst v0  }
0x129: {  	[tilespmem:$0x18E8] =	vst v0  }
0x12a: {  	[tilespmem:$0x18D8] =	vst v0  }
0x12b: {  	[tilespmem:$0x18C8] =	vst v0  }
0x12c: {  	[tilespmem:$0x18B8] =	vst v0  }
0x12d: {  	[tilespmem:$0x18A8] =	vst v0  }
0x12e: {  	[tilespmem:$0x1898] =	vst v0  }
0x12f: {  	[tilespmem:$0x1888] =	vst v0  }
0x130: {  	[tilespmem:$0x1878] =	vst v0  }
0x131: {  	[tilespmem:$0x1868] =	vst v0  }
0x132: {  	[tilespmem:$0x1858] =	vst v0  }
0x133: {  	[tilespmem:$0x1848] =	vst v0  }
0x134: {  	[tilespmem:$0x1838] =	vst v0  }
0x135: {  	[tilespmem:$0x1828] =	vst v0  }
0x136: {  	[tilespmem:$0x1818] =	vst v0  }
0x137: {  	[tilespmem:$0x1808] =	vst v0  }
0x138: {  	[tilespmem:$0x17F8] =	vst v0  }
0x139: {  	[tilespmem:$0x17E8] =	vst v0  }
0x13a: {  	[tilespmem:$0x17D8] =	vst v0  }
0x13b: {  	[tilespmem:$0x17C8] =	vst v0  }
0x13c: {  	[tilespmem:$0x17B8] =	vst v0  }
0x13d: {  	[tilespmem:$0x17A8] =	vst v0  }
0x13e: {  	[tilespmem:$0x1798] =	vst v0  }
0x13f: {  	[tilespmem:$0x1788] =	vst v0  }
0x140: {  	[tilespmem:$0x1778] =	vst v0  }
0x141: {  	[tilespmem:$0x1768] =	vst v0  }
0x142: {  	[tilespmem:$0x1758] =	vst v0  }
0x143: {  	[tilespmem:$0x1748] =	vst v0  }
0x144: {  	[tilespmem:$0x1738] =	vst v0  }
0x145: {  	[tilespmem:$0x1728] =	vst v0  }
0x146: {  	[tilespmem:$0x1718] =	vst v0  }
0x147: {  	[tilespmem:$0x1708] =	vst v0  }
0x148: {  	[tilespmem:$0x16F8] =	vst v0  }
0x149: {  	[tilespmem:$0x16E8] =	vst v0  }
0x14a: {  	[tilespmem:$0x16D8] =	vst v0  }
0x14b: {  	[tilespmem:$0x16C8] =	vst v0  }
0x14c: {  	[tilespmem:$0x16B8] =	vst v0  }
0x14d: {  	[tilespmem:$0x16A8] =	vst v0  }
0x14e: {  	[tilespmem:$0x1698] =	vst v0  }
0x14f: {  	[tilespmem:$0x1688] =	vst v0  }
0x150: {  	[tilespmem:$0x1678] =	vst v0  }
0x151: {  	[tilespmem:$0x1668] =	vst v0  }
0x152: {  	[tilespmem:$0x1658] =	vst v0  }
0x153: {  	[tilespmem:$0x1648] =	vst v0  }
0x154: {  	[tilespmem:$0x1638] =	vst v0  }
0x155: {  	[tilespmem:$0x1628] =	vst v0  }
0x156: {  	[tilespmem:$0x1618] =	vst v0  }
0x157: {  	[tilespmem:$0x1608] =	vst v0  }
0x158: {  	[tilespmem:$0x15F8] =	vst v0  }
0x159: {  	[tilespmem:$0x15E8] =	vst v0  }
0x15a: {  	[tilespmem:$0x15D8] =	vst v0  }
0x15b: {  	[tilespmem:$0x15C8] =	vst v0  }
0x15c: {  	[tilespmem:$0x15B8] =	vst v0  }
0x15d: {  	[tilespmem:$0x15A8] =	vst v0  }
0x15e: {  	[tilespmem:$0x1598] =	vst v0  }
0x15f: {  	[tilespmem:$0x1588] =	vst v0  }
0x160: {  	[tilespmem:$0x1578] =	vst v0  }
0x161: {  	[tilespmem:$0x1568] =	vst v0  }
0x162: {  	[tilespmem:$0x1558] =	vst v0  }
0x163: {  	[tilespmem:$0x1548] =	vst v0  }
0x164: {  	[tilespmem:$0x1538] =	vst v0  }
0x165: {  	[tilespmem:$0x1528] =	vst v0  }
0x166: {  	[tilespmem:$0x1518] =	vst v0  }
0x167: {  	[tilespmem:$0x1508] =	vst v0  }
0x168: {  	[tilespmem:$0x14F8] =	vst v0  }
0x169: {  	[tilespmem:$0x14E8] =	vst v0  }
0x16a: {  	[tilespmem:$0x14D8] =	vst v0  }
0x16b: {  	[tilespmem:$0x14C8] =	vst v0  }
0x16c: {  	[tilespmem:$0x14B8] =	vst v0  }
0x16d: {  	[tilespmem:$0x14A8] =	vst v0  }
0x16e: {  	[tilespmem:$0x1498] =	vst v0  }
0x16f: {  	[tilespmem:$0x1488] =	vst v0  }
0x170: {  	[tilespmem:$0x1478] =	vst v0  }
0x171: {  	[tilespmem:$0x1468] =	vst v0  }
0x172: {  	[tilespmem:$0x1458] =	vst v0  }
0x173: {  	[tilespmem:$0x1448] =	vst v0  }
0x174: {  	[tilespmem:$0x1438] =	vst v0  }
0x175: {  	[tilespmem:$0x1428] =	vst v0  }
0x176: {  	[tilespmem:$0x1418] =	vst v0  }
0x177: {  	[tilespmem:$0x1408] =	vst v0  }
0x178: {  	[tilespmem:$0x13F8] =	vst v0  }
0x179: {  	[tilespmem:$0x13E8] =	vst v0  }
0x17a: {  	[tilespmem:$0x13D8] =	vst v0  }
0x17b: {  	[tilespmem:$0x13C8] =	vst v0  }
0x17c: {  	[tilespmem:$0x13B8] =	vst v0  }
0x17d: {  	[tilespmem:$0x13A8] =	vst v0  }
0x17e: {  	[tilespmem:$0x1398] =	vst v0  }
0x17f: {  	[tilespmem:$0x1388] =	vst v0  }
0x180: {  	[tilespmem:$0x1378] =	vst v0  }
0x181: {  	[tilespmem:$0x1368] =	vst v0  }
0x182: {  	[tilespmem:$0x1358] =	vst v0  }
0x183: {  	[tilespmem:$0x1348] =	vst v0  }
0x184: {  	[tilespmem:$0x1338] =	vst v0  }
0x185: {  	[tilespmem:$0x1328] =	vst v0  }
0x186: {  	[tilespmem:$0x1318] =	vst v0  }
0x187: {  	[tilespmem:$0x1308] =	vst v0  }
0x188: {  	[tilespmem:$0x12F8] =	vst v0  }
0x189: {  	[tilespmem:$0x12E8] =	vst v0  }
0x18a: {  	[tilespmem:$0x12D8] =	vst v0  }
0x18b: {  	[tilespmem:$0x12C8] =	vst v0  }
0x18c: {  	[tilespmem:$0x12B8] =	vst v0  }
0x18d: {  	[tilespmem:$0x12A8] =	vst v0  }
0x18e: {  	[tilespmem:$0x1298] =	vst v0  }
0x18f: {  	[tilespmem:$0x1288] =	vst v0  }
0x190: {  	[tilespmem:$0x1278] =	vst v0  }
0x191: {  	[tilespmem:$0x1268] =	vst v0  }
0x192: {  	[tilespmem:$0x1258] =	vst v0  }
0x193: {  	[tilespmem:$0x1248] =	vst v0  }
0x194: {  	[tilespmem:$0x1238] =	vst v0  }
0x195: {  	[tilespmem:$0x1228] =	vst v0  }
0x196: {  	[tilespmem:$0x1218] =	vst v0  }
0x197: {  	[tilespmem:$0x1208] =	vst v0  }
0x198: {  	[tilespmem:$0x11F8] =	vst v0  }
0x199: {  	[tilespmem:$0x11E8] =	vst v0  }
0x19a: {  	[tilespmem:$0x11D8] =	vst v0  }
0x19b: {  	[tilespmem:$0x11C8] =	vst v0  }
0x19c: {  	[tilespmem:$0x11B8] =	vst v0  }
0x19d: {  	[tilespmem:$0x11A8] =	vst v0  }
0x19e: {  	[tilespmem:$0x1198] =	vst v0  }
0x19f: {  	[tilespmem:$0x1188] =	vst v0  }
0x1a0: {  	[tilespmem:$0x1178] =	vst v0  }
0x1a1: {  	[tilespmem:$0x1168] =	vst v0  }
0x1a2: {  	[tilespmem:$0x1158] =	vst v0  }
0x1a3: {  	[tilespmem:$0x1148] =	vst v0  }
0x1a4: {  	[tilespmem:$0x1138] =	vst v0  }
0x1a5: {  	[tilespmem:$0x1128] =	vst v0  }
0x1a6: {  	[tilespmem:$0x1118] =	vst v0  }
0x1a7: {  	s4 =	stileid.u32;
	[tilespmem:$0x1108] =	vst v0  }
0x1a8: {  	s0 =	smul.u32 $0x17, s4;
	[tilespmem:$0x10F8] =	vst v0  }
0x1a9: {  	s1 =	smin.u32 s4, $0x3;
	[tilespmem:$0x10C8] =	vst v0  }
0x1aa: {  	[tilespmem:$0x10D8] =	vst v0;
	s0 =	sadd.s32 s1, s0  }
0x1ab: {  	p0 =	slt.u32 s4, $0x3;
	[tilespmem:$0x10B8] =	vst v0;
	s1 =	simm.s32 $0x2880;
	s6 =	smul.u32 $0x1B0, s0  }
0x1ac: {  	s1 =	simm.s32 @!p0 $0x26D0;
	[tilespmem:$0x1038] =	vst v0  }
0x1ad: {  	[tilespmem:$0x10A8] =	vst v0;
	s0 =	sadd.s32 s1, s6  }
0x1ae: {  	s3 =	simm.s32 $0x2;
	s8 =	simm.s32 $0x9;
	[tilespmem:$0x1098] =	vst v0;
	s7 =	smin.u32 s0, $0x27100  }
0x1af: {  	s10 =	simm.s32 $0xA;
	s30 =	simm.s32 $0xB;
	[tilespmem:$0x1088] =	vst v0;
	s0 =	ssub.s32 s7, s6  }
0x1b0: {  	s16 =	simm.s32 $0x0;
	p4 =	por $0x0, $0x0;
	[tilespmem:$0x1078] =	vst v0;
	p0 =	sgt.s32 s0, $0x0  }
0x1b1: {  	s17 =	simm.s32 $0xC;
	s21 =	simm.s32 $0x0;
	[tilespmem:$0x1058] =	vst v0;
	s0 =	simm.s32 @!p0 $0x0  }
0x1b2: {  	s18 =	simm.s32 $0x0;
	s2 =	sand.u32 $0x1, s2;
	[tilespmem:$0x1048] =	vst v0;
	s29 =	smulhi.u32 $0x4BDA12F7, s0  }
0x1b3: {  	s20 =	simm.s32 $0x0;
	s31 =	sshll.u32 s4, $0x5;
	[tilespmem:$0x1018] =	vst v0;
	[dreg:$0x5] =	wrdreg s2  }
0x1b4: {  	s2 =	smul.u32 $0x4E20, s2;
	[tilespmem:$0x1008] =	vst v0;
	[sflag:s3] =	ssyncpa.u1 $0x0;
	s1 =	sshrl.u32 s29, $0x7  }
0x1b5: {  	v0 =	vimm.s32 $0xFFFFFFFF;
	s3 =	sadd.s32 $0x4E3E00, s11;
	[dreg:$0x4] =	wrdreg s31;
	s5 =	smul.u32 $0x1B0, s1  }
.Ltmp0:
0x1b6: {  	[tilespmem:$0x3648] =	vst v0;
	[sflag:s8] =	ssyncpa.u1 $0x0;
	s2 =	sadd.s32 s2, s11;
	(pc) =	sbr.rel .LBB2_1-.Ltmp0, $4  }
0x1b7: {  	[sflag:s10] =	ssyncpa.u1 $0x0;
	s11 =	sadd.s32 $0x1E00, s11;
	p0 =	sne.s32 s0, s5  }
0x1b8: {  	[sflag:s30] =	ssyncpa.u1 $0x0;
	s14 =	sadd.s32 $0x13A7800, s2;
	s12 =	simm.s32 @!p0 $0x0  }
0x1b9: {  	s15 =	sadd.s32 $0x139DA00, s2;
	s19 =	smov.u32 s6;
	s12 =	sadd.s32 s12, s1  }
0x1ba: {  	v0 =	vlaneseq.u32;
	[dreg:$0x6] =	wrdreg s6;
	p0 =	por $0x1, $0x1;
	s4 =	sadd.s32 $0x1, s12  }
.LBB2_18:
0x1bb: {  	s0 =	simm.s32 $0x2  }
0x1bc: {  	_ =	swait.ge [sflag:s0], $0x0  }
0x1bd: {  	[sflag:s0] =	ssyncset.done $0x0;
	s0 =	simm.s32 $0x0  }
.LBB2_19:
0x1be: {  	_ =	swait.ge [sflag:s17], s0  }
0x1bf: {  	s31 =	ssub.s32 $0x0, s0;
	v1 =	vmov s23;
	vm0 =	veq.s32 v0, $0x0;
	[sflag:s17] =	ssyncset.done $0x0  }
0x1c0: {  	vm15 =	veq.s32 v0, $0x2;
	v1 =	vsel vm0, s28, v1;
	[sflag:s17] =	ssyncadd.s32 s31  }
0x1c1: {  	v1 =	vsel vm15, s21, v1;
	[sflag:s17] =	ssyncpa.u1 $0x1  }
0x1c2: {  	[tilespmem:$0x3648] =	vst v1  }
.LBB2_20:
0x1c3: {  	s0 =	sadd.s32 $0x1B0, s19  }
0x1c4: {  	s1 =	smov.u32 s6;
	p1 =	slt.s32 s0, s7  }
0x1c5: {  	s1 =	smov.u32 @p1 s0;
	p1 =	sne.s32 s20, s4  }
.Ltmp1:
0x1c6: {  	_ = 	snop;
	(pc) =	sbr.rel @!p1 .LBB2_21-.Ltmp1, $4  }
0x1c7: {  	_ = 	snop  }
0x1c8: {  	s21 =	smov.u32 s18  }
0x1c9: {  	s31 =	sadd.s32 $0x1, s20;
	s18 =	smov.u32 s19;
	p0 =	por !p0, !p0  }
0x1ca: {  	p4 =	por !p4, !p4;
	s20 =	smov.u32 s31;
	s19 =	smov.u32 s1  }
.LBB2_1:
0x1cb: {  	p2 =	sge.u32 s20, s12  }
0x1cc: {  	s0 =	smulhi.u32 @!p2 $0xAAAAAAAB, s20  }
0x1cd: {  	s1 =	smov.u32 s19;
	p3 =	sgt.s32 @!p2 s19, $0x26F50  }
0x1ce: {  	s2 =	sshra.s32 @!p2 s19, $0x1F;
	p3 =	por !p3, p2;
	s0 =	sshrl.u32 @!p2 s0, $0x1  }
0x1cf: {  	s2 =	sand.u32 @!p2 s2, s19;
	s1 =	simm.s32 @p3 $0x26F50;
	s0 =	smul.u32 @!p2 $0x3, s0  }
0x1d0: {  	s1 =	ssub.s32 @!p2 s1, s2  }
0x1d1: {  	s23 =	sadd.s32 $0xFFFFFFFF, s20;
	s1 =	sadd.s32 @!p2 $0xFFFD90B0, s1;
	s0 =	ssub.s32 @!p2 s20, s0  }
0x1d2: {  	s2 =	sshll.u32 @!p2 s1, $0x2;
	p3 =	sgt.s32 @!p2 s1, $0x1AF;
	s0 =	smul.u32 @!p2 $0x6C0, s0  }
0x1d3: {  	s5 =	sand.u32 @!p2 $0x7, s19;
	s1 =	ssub.s32 @!p2 $0x6C0, s2;
	p3 =	por !p3, p2  }
0x1d4: {  	s2 =	sshrl.u32 @!p2 s19, $0x3;
	s1 =	sshrl.u32 @!p2 s1, $0x2;
	s0 =	sshrl.u32 @!p2 s0, $0x2  }
0x1d5: {  	s2 =	sadd.s32 @!p2 s2, s14;
	s1 =	simm.s32 @!p3 $0x0;
	s0 =	sadd.s32 @!p2 $0x3888, s0  }
0x1d6: {  	[tilespmem:s0], [sflag:$0xA] =	stream.linear.gather @!p2 [hbm4b:s2+s5], s1, $0x38;
	[tilespmem:$0x1F0F8] =	vst v63  }
0x1d7: {  	p2 =	sge.u32 s23, s12  }
0x1d8: {  	p3 =	sgt.s32 @!p2 s18, $0x26F50  }
0x1d9: {  	s0 =	smov.u32 s18;
	s1 =	sshra.s32 @!p2 s18, $0x1F;
	p3 =	por !p3, p2  }
0x1da: {  	s1 =	sand.u32 @!p2 s1, s18;
	s0 =	simm.s32 @p3 $0x26F50  }
0x1db: {  	s0 =	ssub.s32 @!p2 s0, s1  }
0x1dc: {  	s0 =	sadd.s32 @!p2 $0xFFFD90B0, s0  }
0x1dd: {  	s1 =	sshll.u32 @!p2 s0, $0x2  }
0x1de: {  	p3 =	sgt.s32 @!p2 s0, $0x1AF;
	s0 =	ssub.s32 @!p2 $0x6C0, s1  }
0x1df: {  	s22 =	ssub.s32 @!p2 $0x27100, s18;
	p3 =	por !p3, p2;
	s0 =	sshrl.u32 @!p2 s0, $0x2  }
0x1e0: {  	s1 =	sand.u32 @!p2 $0x1, s23;
	s0 =	simm.s32 @!p3 $0x0;
	p3 =	slt.s32 @!p2 s22, $0x1  }
0x1e1: {  	s2 =	simm.s32 @!p2 $0xA;
	s1 =	smul.u32 @!p2 $0x6C0, s1;
	p3 =	por p2, p3  }
.Ltmp2:
0x1e2: {  	_ =	swait.ge @!p2 [sflag:s2], s0;
	(pc) =	sbr.rel @p3 .LBB2_7-.Ltmp2, $4  }
0x1e3: {  	s5 =	ssub.s32 @!p2 $0x0, s0;
	[sflag:s2] =	ssyncset.done @!p2 $0x0  }
0x1e4: {  	s1 =	sshrl.u32 @!p2 s1, $0x2;
	[sflag:s2] =	ssyncadd.s32 @!p2 s5;
	s2 =	sshrl.u32 @!p2 s18, $0x3  }
0x1e5: {  	s1 =	sadd.s32 @!p2 $0x3D98, s1;
	s5 =	sand.u32 @!p2 $0x7, s18;
	s2 =	sadd.s32 @!p2 s2, s15  }
0x1e6: {  	[tilespmem:s1], [sflag:$0xB] =	stream.linear.gather @!p2 [hbm4b:s2+s5], s0, $0x38;
	[tilespmem:$0x1F0F8] =	vst v63  }
0x1e7: {  	s0 =	smulhi.u32 $0xAAAAAAAB, s23;
	_ =	sdelay $0x1  }
0x1e8: {  	s0 =	sshrl.u32 s0, $0x1  }
0x1e9: {  	s0 =	smul.u32 $0x3, s0;
	_ =	sdelay $0x1  }
0x1ea: {  	s0 =	ssub.s32 s23, s0  }
0x1eb: {  	s1 =	simm.s32 $0x1;
	s0 =	smul.u32 $0x6C0, s0  }
.Ltmp3:
0x1ec: {  	s1 =	simm.s32 @!p0 $0x0;
	(pc) =	sbr.rel .LBB2_4-.Ltmp3, $4  }
0x1ed: {  	s1 =	smul.u32 $0x36000, s1  }
0x1ee: {  	p3 =	slt.s32 @!p2 s22, $0x1B0;
	s0 =	sshrl.u32 s0, $0x2  }
0x1ef: {  	p2 =	por !p3, p2;
	s1 =	sshrl.u32 s1, $0x2;
	s0 =	sadd.s32 $0x3888, s0  }
0x1f0: {  	s24 =	simm.s32 $0x0;
	s22 =	simm.s32 @p2 $0x1B0;
	s23 =	sadd.s32 $0x40F8, s1;
	v1 =	vmov s0  }
.LBB2_3:
0x1f1: {  	p2 =	sge.s32 s24, s22  }
.Ltmp4:
0x1f2: {  	_ = 	snop;
	(pc) =	sbr.rel @p2 .LBB2_7-.Ltmp4, $2  }
0x1f3: {  	_ =	sdelay $0x2  }
0x1f4: {  	s23 =	sadd.s32 $0x800, s23  }
.LBB2_4:
0x1f5: {  	p2 =	sle.s32 s22, s24  }
.Ltmp5:
0x1f6: {  	_ = 	snop;
	(pc) =	sbr.rel @p2 .LBB2_3-.Ltmp5, $2  }
0x1f7: {  	_ =	sdelay $0x2  }
0x1f8: {  	s0 =	smov.u32 s24;
	s24 =	sadd.s32 $0x10, s24  }
0x1f9: {  	s1 =	ssub.s32 s22, s0  }
0x1fa: {  	p2 =	slt.s32 s1, $0x10  }
0x1fb: {  	s1 =	simm.s32 @!p2 $0x10  }
0x1fc: {  	v2 =	vmov s1  }
0x1fd: {  	vm0 =	vgt.s32 v2, v0;
	_ =	sdelay $0x5  }
0x1fe: {  	v2 =	vld.idx.msk [tilespmem:v1+s0+$0x0 ss:$0x1], vm0;
	_ =	sdelay $0x2  }
0x1ff: {  	p2 =	slt.s32 s24, s22;
	s1 =	smov.u32 s22  }
0x200: {  	s2 =	smov.u32 s23;
	s25 =	simm.s32 $0x0;
	s1 =	smov.u32 @p2 s24  }
.LBB2_6:
0x201: {  	(v2sf) =	vpush v2, s25;
	_ =	sdelay $0xc  }
0x202: {  	s25 =	sadd.s32 $0x1, s25  }
0x203: {  	s31 =	sadd.s32 s25, s0  }
0x204: {  	p2 =	slt.s32 s31, s1;
	s5 =	spop (v2sf)  }
.Ltmp6:
0x205: {  	s5 =	sshll.u32 s5, $0x4;
	(pc) =	sbr.rel @p2 .LBB2_6-.Ltmp6, $4  }
0x206: {  	s5 =	sand.u32 $0x1FFFFFF0, s5  }
0x207: {  	s5 =	sadd.s32 s11, s5  }
0x208: {  	[tilespmem:s2], [sflag:$0x9] =	stream.linear.gather [hbm4b:s5+s16], $0x4, $0x38;
	[tilespmem:$0x1F0F8] =	vst v63  }
0x209: {  	s2 =	sadd.s32 $0x80, s2  }
.Ltmp7:
0x20a: {  	_ = 	snop;
	(pc) =	sbr.rel .LBB2_3-.Ltmp7, $1  }
0x20b: {  	_ =	sdelay $0x3  }
.LBB2_7:
0x20c: {  	p2 =	slt.u32 s20, $0x2  }
.Ltmp8:
0x20d: {  	_ = 	snop;
	(pc) =	sbr.rel @p2 .LBB2_20-.Ltmp8, $1  }
0x20e: {  	_ =	sdelay $0x3  }
0x20f: {  	p2 =	sgt.s32 s21, $0x26F50  }
0x210: {  	s0 =	smov.u32 s21;
	s1 =	sshra.s32 s21, $0x1F;
	s2 =	ssub.s32 $0x27100, s21  }
0x211: {  	s0 =	simm.s32 @!p2 $0x26F50;
	s1 =	sand.u32 s1, s21;
	p2 =	slt.s32 s2, $0x1B0  }
0x212: {  	s0 =	ssub.s32 s0, s1;
	s2 =	simm.s32 @!p2 $0x1B0  }
0x213: {  	s0 =	sadd.s32 $0xFFFD90B0, s0;
	s24 =	sshll.u32 s2, $0x2  }
0x214: {  	s28 =	simm.s32 $0x9;
	s25 =	sshll.u32 s0, $0x2;
	s1 =	sand.u32 $0x3FFFFFFC, s24  }
0x215: {  	p2 =	sgt.s32 s0, $0x1AF;
	s26 =	ssub.s32 $0x6C0, s25;
	_ =	swait.ge [sflag:s28], s1  }
0x216: {  	s1 =	ssub.s32 $0x0, s1;
	[sflag:s28] =	ssyncset.done $0x0;
	s0 =	sshrl.u32 s26, $0x2  }
0x217: {  	s30 =	simm.s32 $0xB;
	[sflag:s28] =	ssyncadd.s32 s1;
	s0 =	simm.s32 @p2 $0x0  }
0x218: {  	_ =	swait.ge [sflag:s30], s0  }
0x219: {  	s0 =	ssub.s32 $0x0, s0;
	[sflag:s30] =	ssyncset.done $0x0  }
0x21a: {  	[sflag:s30] =	ssyncadd.s32 s0  }
0x21b: {  	v1 =	vld [tilespmem:$0x3648];
	_ =	sdelay $0x4  }
0x21c: {  	(v2sf) =	vpush v1, $0x0  }
0x21d: {  	(v2sf) =	vpush v1, $0x1  }
0x21e: {  	(v2sf) =	vpush v1, $0x2;
	_ =	sdelay $0x3  }
0x21f: {  	s0 =	sadd.s32 $0x1B0, s21  }
0x220: {  	s1 =	ssub.s32 $0x4E200, s21;
	p2 =	slt.s32 s7, s0  }
0x221: {  	s0 =	smov.u32 @p2 s7;
	p2 =	sgt.s32 s1, $0x0  }
0x222: {  	s25 =	ssub.s32 s0, s21;
	s1 =	simm.s32 @!p2 $0x0  }
0x223: {  	p2 =	slt.s32 s1, s25  }
0x224: {  	s25 =	smov.u32 @p2 s1  }
0x225: {  	s24 =	simm.s32 $0x1;
	p2 =	slt.s32 s25, $0x1  }
.Ltmp9:
0x226: {  	s24 =	simm.s32 @!p4 $0x0;
	(pc) =	sbr.rel @p2 .LBB2_12-.Ltmp9, $4  }
0x227: {  	s31 =	smul.u32 $0x6C0, s24  }
0x228: {  	s26 =	spop (v2sf)  }
0x229: {  	s0 =	sshrl.u32 s31, $0x2;
	s29 =	spop (v2sf)  }
0x22a: {  	s22 =	sadd.s32 $0x3D98, s0;
	s21 =	spop (v2sf)  }
0x22b: {  	s0 =	smin.u32 s25, $0x10  }
0x22c: {  	v1 =	vmov s0  }
0x22d: {  	p3 =	sgt.s32 s25, $0x10;
	vm1 =	vgt.u32 v1, v0  }
.Ltmp10:
0x22e: {  	_ = 	snop;
	(pc) =	sbr.rel @!p3 .LBB2_11-.Ltmp10, $2  }
0x22f: {  	_ =	sdelay $0x2  }
0x230: {  	s23 =	simm.s32 $0x10;
	s28 =	sadd.s32 $0xFFFFFFF0, s25;
	s0 =	smov.u32 s22;
	vm0 =	vmmov vm1  }
.LBB2_10:
0x231: {  	s1 =	smin.u32 s28, $0x10;
	s23 =	sadd.s32 $0x10, s23;
	v1 =	vld.msk [tilespmem:s0+$0x0 ss:$0x1], vm1  }
0x232: {  	v2 =	vmov s1;
	p3 =	slt.s32 s23, s25  }
0x233: {  	vm1 =	vgt.u32 v2, v0  }
.Ltmp11:
0x234: {  	(pc) =	sbr.rel @p3 .LBB2_10-.Ltmp11, $3  }
0x235: {  	_ =	sdelay $0x1  }
0x236: {  	v1 =	vshll.u32 v1, $0x4  }
0x237: {  	s28 =	sadd.s32 $0xFFFFFFF0, s28;
	[tilespmem:s0+$0x0] =	vst.msk vm0, v1;
	s0 =	sadd.s32 $0x10, s0;
	vm0 =	vmmov vm1  }
.LBB2_11:
0x238: {  	_ =	sdelay $0x4  }
0x239: {  	v1 =	vld.msk [tilespmem:s0+$0x0 ss:$0x1], vm1;
	_ =	sdelay $0x4  }
0x23a: {  	v1 =	vshll.u32 v1, $0x4  }
0x23b: {  	[tilespmem:s0+$0x0] =	vst.msk vm0, v1  }
.LBB2_12:
0x23c: {  	s0 =	sand.u32 $0x1, s20  }
0x23d: {  	s0 =	smul.u32 $0x1B0, s0  }
0x23e: {  	p3 =	sne.s32 s29, $0xFFFFFFFF  }
0x23f: {  	v1 =	vld.msk @!p3 [tilespmem:s0+$0x3D98], $0x1;
	_ =	sdelay $0x4  }
0x240: {  	(v2sf) =	vpush @!p3 v1, $0x0;
	_ =	sdelay $0xc  }
.Ltmp12:
0x241: {  	_ = 	snop;
	(pc) =	sbr.rel @p2 .LBB2_18-.Ltmp12, $4  }
0x242: {  	_ = 	snop  }
0x243: {  	s28 =	spop @!p3 (v2sf)  }
0x244: {  	s21 =	simm.s32 @!p3 $0x0;
	s23 =	smov.u32 s28  }
0x245: {  	[sflag:s17] =	ssyncpa.u1 $0x0;
	s28 =	smov.u32 @p3 s26;
	s23 =	smov.u32 @p3 s29  }
0x246: {  	v1 =	vld.msk [tilespmem:s22+$0x0], $0x1;
	_ =	sdelay $0x4  }
0x247: {  	(v2sf) =	vpush v1, $0x0;
	_ =	sdelay $0xe  }
0x248: {  	s0 =	simm.s32 @!p4 $0x0;
	s26 =	smul.u32 $0x36000, s24;
	s31 =	spop (v2sf)  }
0x249: {  	s29 =	ssub.s32 $0x0, s25;
	s0 =	simm.s32 @p4 $0x1;
	p2 =	seq.s32 s28, s31  }
0x24a: {  	s1 =	smov.u32 s28;
	[smem:$0x7FD] =	sst s0;
	p3 =	sgt.s32 @!p2 s28, $0x0  }
0x24b: {  	s0 =	sshrl.u32 s26, $0x2;
	s26 =	sadd.s32 $0x1, s29;
	p3 =	por !p3, p2  }
0x24c: {  	s1 =	simm.s32 @p3 $0x0;
	p3 =	seq.s32 s26, $0x0  }
.Ltmp13:
0x24d: {  	_ = 	snop;
	(pc) =	sbr.rel @p3 .LBB2_15-.Ltmp13, $4  }
0x24e: {  	s6 =	smov.u32 s4;
	s25 =	simm.s32 $0x0  }
0x24f: {  	s24 =	sadd.s32 $0x40F8, s0;
	s0 =	simm.s32 @!p2 $0x1;
	s2 =	smin.u32 @!p2 s1, $0x270FF  }
0x250: {  	s30 =	sadd.s32 $0x1, s22;
	s0 =	smov.u32 @p2 s25;
	s5 =	sand.u32 @!p2 $0x3FFF8, s2  }
0x251: {  	s1 =	simm.s32 @!p2 $0x1B38;
	s2 =	sand.u32 @!p2 $0x7, s2;
	s5 =	sadd.s32 @!p2 s3, s5  }
.LBB2_14:
0x252: {  	s4 =	smov.u32 s0  }
0x253: {  	[tilespmem:s1], [sflag:$0x2] =	stream.linear.gather @!p2 [hbm4b:s5+s2], $0x4, $0x38;
	[tilespmem:$0x1F0F8] =	vst v63  }
0x254: {  	s26 =	sadd.s32 $0x1, s26;
	s2 =	smov.u32 s31;
	v1 =	vld.msk [tilespmem:s30+$0x0], $0x1  }
0x255: {  	p3 =	seq.s32 s26, $0x0;
	_ =	sdelay $0x3  }
0x256: {  	(v2sf) =	vpush v1, $0x0;
	_ =	sdelay $0xe  }
0x257: {  	s31 =	spop (v2sf)  }
0x258: {  	p2 =	seq.s32 s2, s31  }
0x259: {  	p4 =	sgt.s32 @!p2 s2, $0x0;
	s1 =	sshll.u32 @!p2 s0, $0x6;
	s0 =	sadd.s32 @!p2 $0x1, s0  }
.Ltmp14:
0x25a: {  	p4 =	por !p4, p2;
	s1 =	sshra.s32 @!p2 s1, $0x2;
	(pc) =	sbr.rel @!p3 .LBB2_14-.Ltmp14, $4  }
0x25b: {  	s0 =	smov.u32 @p2 s4;
	s2 =	simm.s32 @p4 $0x0;
	s1 =	sadd.s32 @!p2 $0x1B38, s1  }
0x25c: {  	s2 =	smin.u32 @!p2 s2, $0x270FF  }
0x25d: {  	s4 =	sand.u32 @!p2 $0x3FFF8, s2;
	s2 =	sand.u32 @!p2 $0x7, s2  }
0x25e: {  	s30 =	sadd.s32 $0x1, s30;
	s5 =	sadd.s32 @!p2 s3, s4  }
.LBB2_15:
0x25f: {  	[tilespmem:s1], [sflag:$0x2] =	stream.linear.gather @!p2 [hbm4b:s5+s2], $0x4, $0x38;
	[tilespmem:$0x1F0F8] =	vst v63  }
0x260: {  	s0 =	sshll.u32 s0, $0x2  }
0x261: {  	s31 =	simm.s32 $0x2;
	s0 =	sand.u32 $0x3FFFFFFC, s0  }
0x262: {  	_ =	swait.ge [sflag:s31], s0  }
0x263: {  	s0 =	ssub.s32 $0x0, s0;
	[sflag:s31] =	ssyncset.done $0x0  }
0x264: {  	[sflag:s31] =	ssyncadd.s32 s0  }
0x265: {  	v1 =	vld.msk [tilespmem:s22+$0x0], $0x1;
	_ =	sdelay $0x4  }
0x266: {  	(v2sf) =	vpush v1, $0x0;
	_ =	sdelay $0xe  }
0x267: {  	s26 =	spop (v2sf)  }
0x268: {  	p2 =	sne.s32 s28, s26  }
0x269: {  	p4 =	sne.s32 @p2 s28, s23  }
0x26a: {  	p3 =	por !p4, !p2  }
0x26b: {  	s0 =	simm.s32 @!p3 $0x0  }
0x26c: {  	v1 =	vld.msk @!p3 [tilespmem:s0+$0x1B38], $0xf  }
0x26d: {  	p5 =	sgt.u32 @!p3 s28, $0x270FF  }
0x26e: {  	s1 =	sshll.u32 @!p3 s21, $0x6;
	p6 =	por @p2 p5, !p4  }
0x26f: {  	s1 =	sshra.s32 @!p3 s1, $0x2;
	p1 =	por p6, !p2;
	p6 =	por p4, !p2  }
0x270: {  	s2 =	sadd.s32 @!p3 $0x28, s1;
	s4 =	sand.u32 @!p1 $0x3FFF8, s28;
	s5 =	sshll.u32 @!p6 s21, $0x6  }
0x271: {  	s28 =	sand.u32 @!p1 $0x7, s28;
	[tilespmem:s1+$0x28] =	vst.add.f32.msk @!p3 $0xf, v1;
	s1 =	sadd.s32 @!p1 s3, s4;
	s4 =	sshra.s32 @!p6 s5, $0x2  }
0x272: {  	[hbm4b:s1+s28] =	stream.linear.scatter @!p1 [tilespmem:s2], [sflag:$0xC], $0x4, $0x38;
	[tilespmem:$0x1F0F8] =	vst v63  }
0x273: {  	s0 =	rddreg [dreg:$0x4];
	s1 =	sadd.s32 @!p6 $0x28, s4;
	s2 =	simm.s32 @!p6 $0x1  }
0x274: {  	[spmem:s0] =	stream.linear.scatter @!p6 [tilespmem:s1], [sflag:$0x1], $0x4, $0x38;
	[tilespmem:$0x1F0F8] =	vst v63  }
0x275: {  	s0 =	sadd.s32 @p2 $0x1, s21;
	_ =	swait.ge @!p6 [sflag:s2], $0x4  }
0x276: {  	s1 =	sshrl.u32 @p2 s0, $0x4;
	[sflag:s2] =	ssyncset.done @!p6 $0x0  }
0x277: {  	s1 =	smulhi.u32 @p2 $0x97B425F, s1;
	[sflag:s2] =	ssyncadd.s32 @!p6 $0xFFFFFFFC  }
0x278: {  	s28 =	sadd.s32 $0x1, s29;
	v1 =	vld.msk @p2 [tilespmem:s24+$0x0], $0xf  }
0x279: {  	p1 =	por @p2 !p5, !p4;
	p4 =	seq.s32 s28, $0x0;
	s1 =	smul.u32 @p2 $0x1B0, s1  }
.Ltmp15:
0x27a: {  	p1 =	por !p1, !p2;
	s2 =	simm.s32 @!p3 $0x0;
	(pc) =	sbr.rel @p4 .LBB2_17-.Ltmp15, $4  }
0x27b: {  	s4 =	sshll.u32 @!p2 s21, $0x6;
	s2 =	simm.s32 @!p1 $0x10;
	s0 =	ssub.s32 @p2 s0, s1  }
0x27c: {  	s29 =	simm.s32 $0x0;
	s2 =	sadd.s32 @!p3 $0x0, s2;
	s5 =	sshll.u32 @p2 s0, $0x4  }
0x27d: {  	s30 =	sshra.s32 @!p2 s4, $0x2;
	s1 =	simm.s32 @p2 $0x1;
	s2 =	smov.u32 @p3 s25;
	[tilespmem:s5+$0x28] =	vst.msk @p2 $0xf, v1  }
0x27e: {  	s21 =	smov.u32 @p2 s0;
	s29 =	smov.u32 @p2 s2;
	s25 =	smov.u32 @p2 s1;
	v1 =	vld.msk @!p2 [tilespmem:s24+$0x0], $0xf  }
.LBB2_16:
0x27f: {  	_ =	sdelay $0x3  }
0x280: {  	s22 =	sadd.s32 $0x1, s22;
	[tilespmem:s30+$0x28] =	vst.add.f32.msk @!p2 $0xf, v1  }
0x281: {  	v1 =	vld.msk [tilespmem:s22+$0x0], $0x1;
	_ =	sdelay $0x4  }
0x282: {  	(v2sf) =	vpush v1, $0x0;
	_ =	sdelay $0xe  }
0x283: {  	s0 =	smov.u32 s26;
	s26 =	spop (v2sf)  }
0x284: {  	p2 =	sne.s32 s0, s26  }
0x285: {  	p5 =	sne.s32 @p2 s0, s23  }
0x286: {  	s4 =	sshll.u32 @!p2 s21, $0x6;
	p4 =	por !p5, !p2  }
0x287: {  	s30 =	sshra.s32 @!p2 s4, $0x2;
	s4 =	sshll.u32 @!p4 s25, $0x6  }
0x288: {  	s4 =	sshra.s32 @!p4 s4, $0x2  }
0x289: {  	p1 =	sgt.u32 @!p4 s0, $0x270FF;
	v1 =	vld.msk @!p4 [tilespmem:s4+$0x1B38], $0xf  }
0x28a: {  	s31 =	sshll.u32 @!p4 s21, $0x6;
	p6 =	por @p2 p1, !p5;
	p1 =	por @p2 !p1, !p5  }
0x28b: {  	s8 =	simm.s32 @!p4 $0x0;
	s31 =	sshra.s32 @!p4 s31, $0x2;
	p1 =	por !p1, !p2  }
0x28c: {  	p5 =	por p5, !p2;
	s8 =	simm.s32 @!p1 $0x10;
	p1 =	por p6, !p2  }
0x28d: {  	s4 =	sadd.s32 @!p4 $0x28, s31;
	s13 =	sshll.u32 @!p5 s21, $0x6;
	s10 =	sand.u32 @!p1 $0x3FFF8, s0  }
0x28e: {  	s13 =	sshra.s32 @!p5 s13, $0x2;
	s0 =	sand.u32 @!p1 $0x7, s0;
	s10 =	sadd.s32 @!p1 s3, s10;
	[tilespmem:s31+$0x28] =	vst.add.f32.msk @!p4 $0xf, v1  }
0x28f: {  	[hbm4b:s10+s0] =	stream.linear.scatter @!p1 [tilespmem:s4], [sflag:$0xC], $0x4, $0x38;
	[tilespmem:$0x1F0F8] =	vst v63  }
0x290: {  	s1 =	rddreg [dreg:$0x4];
	s0 =	sadd.s32 @!p5 $0x28, s13;
	s4 =	simm.s32 @!p5 $0x1  }
0x291: {  	[spmem:s1] =	stream.linear.scatter @!p5 [tilespmem:s0], [sflag:$0x1], $0x4, $0x38;
	[tilespmem:$0x1F0F8] =	vst v63  }
0x292: {  	s2 =	sadd.s32 @p2 $0x1, s21;
	_ =	swait.ge @!p5 [sflag:s4], $0x4  }
0x293: {  	s5 =	sshrl.u32 @p2 s2, $0x4;
	[sflag:s4] =	ssyncset.done @!p5 $0x0  }
0x294: {  	s24 =	sadd.s32 $0x80, s24;
	s5 =	smulhi.u32 @p2 $0x97B425F, s5;
	[sflag:s4] =	ssyncadd.s32 @!p5 $0xFFFFFFFC  }
0x295: {  	s28 =	sadd.s32 $0x1, s28;
	v1 =	vld.msk @p2 [tilespmem:s24+$0x0], $0xf  }
0x296: {  	p3 =	seq.s32 s28, $0x0;
	s5 =	smul.u32 @p2 $0x1B0, s5  }
.Ltmp16:
0x297: {  	_ = 	snop;
	(pc) =	sbr.rel @!p3 .LBB2_16-.Ltmp16, $4  }
0x298: {  	s2 =	ssub.s32 @p2 s2, s5  }
0x299: {  	s8 =	sadd.s32 @!p4 s8, s29;
	s5 =	sshll.u32 @p2 s2, $0x4  }
0x29a: {  	s9 =	sadd.s32 @p2 $0x1, s25;
	s8 =	smov.u32 @p4 s29;
	[tilespmem:s5+$0x28] =	vst.msk @p2 $0xf, v1  }
0x29b: {  	s25 =	smov.u32 @p2 s9;
	s21 =	smov.u32 @p2 s2;
	s29 =	smov.u32 @p2 s8;
	v1 =	vld.msk @!p2 [tilespmem:s24+$0x0], $0xf  }
.LBB2_17:
.Ltmp17:
0x29c: {  	_ = 	snop;
	(pc) =	sbr.rel .LBB2_19-.Ltmp17, $3  }
0x29d: {  	s1 =	sld [smem:$0x7FD];
	_ =	sdelay $0x1  }
0x29e: {  	s0 =	sshrl.u32 s29, $0x2;
	s28 =	smov.u32 s26  }
0x29f: {  	s4 =	smov.u32 s6;
	s6 =	rddreg [dreg:$0x6];
	p4 =	seq.s32 s1, $0x1;
	[tilespmem:s30+$0x28] =	vst.add.f32.msk @!p2 $0xf, v1  }
.LBB2_21:
0x2a0: {  	_ =	sfence.sel $0x180000  }
0x2a1: {  	s0 =	simm.s32 $0x9;
	[bflag:$0x0] =	sbarrier.arrive $0xFFFF  }
0x2a2: {  	s24 =	simm.s32 $0xA;
	[sflag:s0] =	ssyncpa.u1 $0x1  }
0x2a3: {  	s25 =	simm.s32 $0xB;
	[sflag:s24] =	ssyncpa.u1 $0x1  }
0x2a4: {  	s26 =	simm.s32 $0x2;
	[sflag:s25] =	ssyncpa.u1 $0x1  }
0x2a5: {  	[sflag:s26] =	ssyncpa.u1 $0x1  }
0x2a6: {  	v0 =	vld [tilespmem:$0x3648];
	_ =	sdelay $0x4  }
0x2a7: {  	(v2sf) =	vpush v0, $0x0  }
0x2a8: {  	(v2sf) =	vpush v0, $0x1;
	_ =	sdelay $0x1  }
0x2a9: {  	(v2sf) =	vpush v0, $0x2;
	_ =	sdelay $0xb  }
0x2aa: {  	s0 =	spop (v2sf)  }
0x2ab: {  	s1 =	spop (v2sf)  }
0x2ac: {  	s2 =	smov.u32 s0;
	p0 =	sne.s32 s0, s1  }
0x2ad: {  	s4 =	spop (v2sf);
	s2 =	simm.s32 @!p0 $0xFFFFFFFF  }
0x2ae: {  	v2 =	vimm.s32 $0x1;
	v3 =	vlaneseq.u32;
	p0 =	seq.s32 s4, $0xFFFFFFFF;
	v1 =	vmov s2  }
0x2af: {  	s16 =	stileid.u32;
	v0 =	vperm.xlane v0, v2;
	p1 =	sne.s32 @!p0 s0, s1;
	v1 =	vperm.xlane v1, v3  }
0x2b0: {  	vm0 =	vcmask $0x3F04;
	s6 =	simm.s32 $0x3648;
	s0 =	simm.s32 @!p0 $0x1;
	p1 =	por !p1, p0  }
0x2b1: {  	s2 =	sshll.u32 s16, $0x1;
	s1 =	sshll.u32 @!p0 s4, $0x6;
	s0 =	simm.s32 @p1 $0x0;
	v0 =	vsel vm0, v1, v0  }
0x2b2: {  	s5 =	sor.u32 $0x200, s2;
	s1 =	sshra.s32 @!p0 s1, $0x2;
	s0 =	sor.u32 @!p0 s0, s2;
	[tilespmem:$0x3648] =	vst v0  }
0x2b3: {  	[spmem:s5] =	stream.linear.scatter [tilespmem:s6], [sflag:$0x1], $0x2, $0x38;
	[tilespmem:$0x1F0F8] =	vst v63  }
0x2b4: {  	s1 =	sadd.s32 @!p0 $0x28, s1;
	s0 =	sshll.u32 @!p0 s0, $0x4  }
0x2b5: {  	[spmem:s0] =	stream.linear.scatter @!p0 [tilespmem:s1], [sflag:$0x1], $0x10, $0x38;
	[tilespmem:$0x1F0F8] =	vst v63  }
0x2b6: {  	s0 =	simm.s32 @!p0 $0x12  }
0x2b7: {  	s28 =	simm.s32 $0x1;
	s0 =	simm.s32 @p0 $0x2  }
0x2b8: {  	_ =	swait.ge [sflag:s28], s0  }
0x2b9: {  	s0 =	ssub.s32 $0x0, s0;
	[sflag:s28] =	ssyncset.done $0x0  }
0x2ba: {  	p0 =	sne.s32 s16, $0x0;
	[sflag:s28] =	ssyncadd.s32 s0  }
.Ltmp18:
0x2bb: {  	_ =	sfence.stream.spmem;
	(pc) =	sbr.rel @p0 .LBB2_38-.Ltmp18, $4  }
0x2bc: {  	s29 =	simm.s32 $0x3;
	[bflag:$0x0] =	sbarrier.arrive $0xFFFF  }
0x2bd: {  	s30 =	simm.s32 $0x4;
	[sflag:s29] =	ssyncpa.u1 $0x1  }
0x2be: {  	s31 =	simm.s32 $0x3C;
	[sflag:s30] =	ssyncpa.u1 $0x1  }
0x2bf: {  	s17 =	rddreg [dreg:$0x5];
	[sflag:s31] =	ssyncpa.u1 $0x1  }
0x2c0: {  	_ =	sfence.stream.spmem;
	s0 =	simm.s32 $0x5  }
0x2c1: {  	s1 =	simm.s32 $0x200;
	s2 =	simm.s32 $0x3658;
	[sflag:s0] =	ssyncpa.u1 $0x0  }
0x2c2: {  	[tilespmem:s2], [sflag:$0x5] =	stream.linear.gather [spmem:s1], $0x20, $0x38;
	[tilespmem:$0x1F0F8] =	vst v63  }
0x2c3: {  	s26 =	simm.s32 $0x0;
	s28 =	simm.s32 $0x3678  }
0x2c4: {  	[tilespmem:s28], [sflag:$0x5] =	stream.linear.gather [spmem:s26], $0x200, $0x38;
	[tilespmem:$0x1F0F8] =	vst v63  }
0x2c5: {  	_ =	swait.ge [sflag:s0], $0x220  }
0x2c6: {  	[sflag:s0] =	ssyncset.done $0x0  }
0x2c7: {  	s29 =	simm.s32 $0x0;
	[sflag:s0] =	ssyncadd.s32 $0xFFFFFDE0  }
0x2c8: {  	v0 =	vld.msk [tilespmem:s29+$0x3658], $0x1;
	_ =	sdelay $0x1  }
0x2c9: {  	s30 =	simm.s32 $0x1  }
0x2ca: {  	v1 =	vld.msk [tilespmem:s30+$0x3658], $0x1;
	_ =	sdelay $0x1  }
0x2cb: {  	(v2sf) =	vpush v0, $0x0;
	_ =	sdelay $0x2  }
0x2cc: {  	(v2sf) =	vpush v1, $0x0;
	_ =	sdelay $0x2  }
0x2cd: {  	s31 =	simm.s32 $0x2  }
0x2ce: {  	v0 =	vld.msk [tilespmem:s31+$0x3658], $0x1;
	_ =	sdelay $0x2  }
0x2cf: {  	s6 =	simm.s32 $0xFFFFFFFF;
	s1 =	simm.s32 $0xFFFFFFFF;
	s0 =	simm.s32 $0xC  }
.LBB2_23:
0x2d0: {  	s2 =	smov.u32 s6;
	s4 =	smov.u32 s1  }
0x2d1: {  	s1 =	sshra.s32 s0, $0x2;
	p1 =	sne.s32 s0, $0x7C;
	s0 =	sadd.s32 $0x4, s0;
	(v2sf) =	vpush v0, $0x0  }
0x2d2: {  	v0 =	vld.msk [tilespmem:s1+$0x3658], $0x1  }
.Ltmp19:
0x2d3: {  	(pc) =	sbr.rel @p1 .LBB2_23-.Ltmp19, $4  }
0x2d4: {  	s6 =	spop (v2sf)  }
0x2d5: {  	p2 =	sne.s32 s4, $0xFFFFFFFF;
	s1 =	smov.u32 s6  }
0x2d6: {  	p3 =	seq.s32 s6, $0xFFFFFFFF;
	s1 =	smov.u32 @p2 s4  }
0x2d7: {  	s6 =	smov.u32 @p3 s2;
	s1 =	smov.u32 @p3 s4  }
0x2d8: {  	(v2sf) =	vpush v0, $0x0;
	_ =	sdelay $0x8  }
0x2d9: {  	s0 =	spop (v2sf)  }
0x2da: {  	p1 =	sne.s32 s1, $0xFFFFFFFF;
	s2 =	smov.u32 s0  }
0x2db: {  	s9 =	simm.s32 $0x6;
	p2 =	seq.s32 s0, $0xFFFFFFFF;
	s2 =	smov.u32 @p1 s1  }
0x2dc: {  	s10 =	simm.s32 $0x3638;
	s2 =	smov.u32 @p2 s1;
	s1 =	spop (v2sf)  }
0x2dd: {  	s0 =	smov.u32 @p2 s6;
	p1 =	sne.s32 s2, $0xFFFFFFFF;
	s4 =	smov.u32 s1  }
.Ltmp20:
0x2de: {  	p2 =	seq.s32 s1, $0xFFFFFFFF;
	s4 =	smov.u32 @p1 s2;
	(pc) =	sbr.rel .LBB2_25-.Ltmp20, $4  }
0x2df: {  	s11 =	simm.s32 $0x0;
	s4 =	smov.u32 @p2 s2;
	s7 =	spop (v2sf)  }
0x2e0: {  	[sflag:s9] =	ssyncpa.u1 $0x0;
	p1 =	sne.s32 s4, $0xFFFFFFFF;
	s8 =	smov.u32 s7  }
0x2e1: {  	s1 =	smov.u32 @p2 s0;
	p2 =	seq.s32 s7, $0xFFFFFFFF;
	s8 =	smov.u32 @p1 s4  }
0x2e2: {  	s6 =	simm.s32 $0x0;
	s7 =	smov.u32 @p2 s1;
	s8 =	smov.u32 @p2 s4  }
.LBB2_30:
0x2e3: {  	p1 =	sgt.u32 s12, $0x270FF  }
0x2e4: {  	p2 =	seq.s32 @!p1 s12, s8  }
0x2e5: {  	p1 =	por p1, p2  }
0x2e6: {  	p2 =	sne.s32 @!p1 s12, s7  }
0x2e7: {  	p1 =	por p1, !p2  }
0x2e8: {  	s0 =	sshll.u32 @p1 s11, $0x6  }
0x2e9: {  	s0 =	sand.u32 @!p1 $0x3FFF8, s12  }
0x2ea: {  	s1 =	sand.u32 @!p1 $0x7, s12;
	s0 =	sadd.s32 @!p1 s3, s0  }
0x2eb: {  	[tilespmem:s10], [sflag:$0x6] =	stream.linear.gather @!p1 [hbm4b:s0+s1], $0x4, $0x38;
	[tilespmem:$0x1F0F8] =	vst v63  }
0x2ec: {  	_ =	swait.ge @!p1 [sflag:s9], $0x4  }
0x2ed: {  	[sflag:s9] =	ssyncset.done @!p1 $0x0  }
0x2ee: {  	[sflag:s9] =	ssyncadd.s32 @!p1 $0xFFFFFFFC  }
0x2ef: {  	v1 =	vld @!p1 [tilespmem:$0x3638];
	_ =	sdelay $0x2  }
0x2f0: {  	s0 =	sshll.u32 @!p1 s11, $0x6  }
0x2f1: {  	s1 =	sshrl.u32 @!p1 s0, $0x2  }
0x2f2: {  	[tilespmem:s1+$0x3678] =	vst.add.f32.msk @!p1 $0xffff, v1  }
0x2f3: {  	s0 =	sshrl.u32 s0, $0x2;
	[tilespmem:s6+$0x3658] =	vst.msk $0x1, v0  }
0x2f4: {  	v0 =	vld [tilespmem:s0+$0x3678];
	_ =	sdelay $0x2  }
0x2f5: {  	s31 =	sshll.u32 s6, $0x6  }
0x2f6: {  	s0 =	sshra.s32 s31, $0x2  }
0x2f7: {  	s6 =	sadd.s32 $0x1, s6;
	[tilespmem:s0+$0x3678] =	vst v0  }
.LBB2_32:
0x2f8: {  	s11 =	sadd.s32 $0x1, s11  }
0x2f9: {  	p1 =	sne.s32 s11, $0x20  }
.Ltmp21:
0x2fa: {  	_ = 	snop;
	(pc) =	sbr.rel @!p1 .LBB2_33-.Ltmp21, $1  }
0x2fb: {  	_ =	sdelay $0x3  }
.LBB2_25:
0x2fc: {  	v0 =	vld.msk [tilespmem:s11+$0x3658], $0x1;
	_ =	sdelay $0x4  }
0x2fd: {  	(v2sf) =	vpush v0, $0x0;
	_ =	sdelay $0xe  }
0x2fe: {  	s12 =	spop (v2sf)  }
0x2ff: {  	p1 =	seq.s32 s12, $0xFFFFFFFF  }
.Ltmp22:
0x300: {  	_ = 	snop;
	(pc) =	sbr.rel @p1 .LBB2_32-.Ltmp22, $1  }
0x301: {  	_ =	sdelay $0x3  }
0x302: {  	p1 =	slt.s32 s6, $0x1  }
.Ltmp23:
0x303: {  	_ = 	snop;
	(pc) =	sbr.rel @p1 .LBB2_30-.Ltmp23, $1  }
0x304: {  	_ =	sdelay $0x3  }
0x305: {  	s13 =	simm.s32 $0x3658;
	p1 =	por $0x0, $0x0  }
0x306: {  	v1 =	vld.msk @!p1 [tilespmem:s13+$0x0], $0x1;
	_ =	sdelay $0x4  }
0x307: {  	(v2sf) =	vpush @!p1 v1, $0x0;
	_ =	sdelay $0xd  }
0x308: {  	p3 =	sne.s32 s6, $0x1  }
.Ltmp24:
0x309: {  	s0 =	spop @!p1 (v2sf);
	(pc) =	sbr.rel @!p3 .LBB2_29-.Ltmp24, $4  }
0x30a: {  	p2 =	seq.s32 @!p1 s12, s0  }
0x30b: {  	s14 =	simm.s32 $0x0;
	p2 =	por !p2, p1  }
0x30c: {  	s0 =	simm.s32 $0xFFFFFFFF;
	s14 =	simm.s32 @p2 $0xFFFFFFFF  }
0x30d: {  	s15 =	simm.s32 $0x1;
	s14 =	smov.u32 @p1 s0  }
.LBB2_28:
0x30e: {  	s0 =	smov.u32 s14;
	p1 =	sne.s32 s14, $0xFFFFFFFF  }
0x30f: {  	s13 =	sadd.s32 $0x1, s13;
	s14 =	smov.u32 s15;
	s15 =	sadd.s32 $0x1, s15  }
0x310: {  	p2 =	sne.s32 s6, s15;
	v1 =	vld.msk @!p1 [tilespmem:s13+$0x0], $0x1;
	_ =	sdelay $0x4  }
0x311: {  	(v2sf) =	vpush @!p1 v1, $0x0;
	_ =	sdelay $0xe  }
.Ltmp25:
0x312: {  	s1 =	spop @!p1 (v2sf);
	(pc) =	sbr.rel @p2 .LBB2_28-.Ltmp25, $4  }
0x313: {  	p3 =	seq.s32 @!p1 s12, s1  }
0x314: {  	p3 =	por !p3, p1  }
0x315: {  	s14 =	simm.s32 @p3 $0xFFFFFFFF  }
0x316: {  	s14 =	smov.u32 @p1 s0  }
.LBB2_29:
0x317: {  	p1 =	sne.s32 s14, $0xFFFFFFFF  }
.Ltmp26:
0x318: {  	_ = 	snop;
	(pc) =	sbr.rel @!p1 .LBB2_30-.Ltmp26, $1  }
0x319: {  	_ =	sdelay $0x3  }
0x31a: {  	s0 =	sshll.u32 s11, $0x4  }
0x31b: {  	s0 =	sand.u32 $0x3FFFFFF0, s0  }
0x31c: {  	v0 =	vld [tilespmem:s0+$0x3678]  }
.Ltmp27:
0x31d: {  	_ = 	snop;
	(pc) =	sbr.rel .LBB2_32-.Ltmp27, $4  }
0x31e: {  	_ = 	snop  }
0x31f: {  	s31 =	sshll.u32 s14, $0x6  }
0x320: {  	s0 =	sshra.s32 s31, $0x2  }
0x321: {  	[tilespmem:s0+$0x3678] =	vst.add.f32.msk $0xffff, v0  }
.LBB2_33:
0x322: {  	s0 =	simm.s32 $0x6;
	p1 =	seq.s32 s6, $0x0  }
0x323: {  	[sflag:s0] =	ssyncpa.u1 $0x1;
	v0 =	vimm.s32 @p1 $0xFFFFFFFF  }
0x324: {  	s9 =	sadd.s32 $0xFFFFFFFF, s6;
	[tilespmem:$0x3878] =	vst @p1 v0  }
0x325: {  	v0 =	vld.msk @!p1 [tilespmem:s9+$0x3658], $0x1;
	_ =	sdelay $0x1  }
0x326: {  	v1 =	vld.msk @!p1 [tilespmem:$0x3658], $0x1;
	_ =	sdelay $0x2  }
0x327: {  	p2 =	seq.s32 @!p1 s9, $0x0;
	v0 =	vbroadcast @!p1 v0, $0x0  }
0x328: {  	vm0 =	vmmov @!p1 $0x1;
	p2 =	por !p2, p1  }
0x329: {  	v1 =	vnsel @!p1 vm0, $0xFFFFFFFF, v1;
	vm0 =	vcmask @!p1 $0x308;
	v0 =	vpsel !p2, $0xFFFFFFFF, v0  }
0x32a: {  	p2 =	sne.s32 @!p1 s8, s7;
	v0 =	vsel @!p1 vm0, v1, v0  }
0x32b: {  	s0 =	simm.s32 @!p1 $0x3678;
	s1 =	simm.s32 @!p1 $0x0;
	p3 =	por !p2, p1;
	[tilespmem:$0x3878] =	vst @!p1 v0  }
0x32c: {  	[spmem:s1] =	stream.linear.scatter @!p1 [tilespmem:s0], [sflag:$0x1], $0x10, $0x38;
	[tilespmem:$0x1F0F8] =	vst v63  }
0x32d: {  	s0 =	sshll.u32 @!p3 s9, $0x6  }
0x32e: {  	s0 =	sshra.s32 @!p3 s0, $0x2  }
0x32f: {  	s1 =	simm.s32 @!p3 $0x10;
	s0 =	sadd.s32 @!p3 $0x3678, s0  }
0x330: {  	[spmem:s1] =	stream.linear.scatter @!p3 [tilespmem:s0], [sflag:$0x1], $0x10, $0x38;
	[tilespmem:$0x1F0F8] =	vst v63  }
0x331: {  	s0 =	simm.s32 @!p3 $0x1  }
0x332: {  	_ =	swait.ge @!p3 [sflag:s0], $0x20  }
0x333: {  	p1 =	por p2, p1;
	[sflag:s0] =	ssyncset.done @!p3 $0x0  }
0x334: {  	[sflag:s0] =	ssyncadd.s32 @!p3 $0xFFFFFFE0;
	s0 =	simm.s32 @!p1 $0x1  }
0x335: {  	_ =	swait.ge @!p1 [sflag:s0], $0x10  }
0x336: {  	s29 =	simm.s32 $0x3878;
	[sflag:s0] =	ssyncset.done @!p1 $0x0  }
0x337: {  	s30 =	simm.s32 $0x200;
	s31 =	simm.s32 $0x1;
	[sflag:s0] =	ssyncadd.s32 @!p1 $0xFFFFFFF0  }
0x338: {  	[spmem:s30] =	stream.linear.scatter [tilespmem:s29], [sflag:$0x1], $0x10, $0x38;
	[tilespmem:$0x1F0F8] =	vst v63  }
0x339: {  	_ =	swait.ge [sflag:s31], $0x10  }
0x33a: {  	[sflag:s31] =	ssyncset.done $0x0  }
0x33b: {  	p1 =	seq.s32 s17, $0x0;
	s8 =	rddreg [dreg:$0x1];
	[sflag:s31] =	ssyncadd.s32 $0xFFFFFFF0  }
0x33c: {  	s1 =	sshll.u32 @p1 s8, $0xE;
	s7 =	rddreg [dreg:$0x2]  }
0x33d: {  	s0 =	sadd.s32 @p1 $0x15C3C, s1;
	s1 =	sshll.u32 @p1 s7, $0x11  }
0x33e: {  	_ =	sfence.stream.spmem;
	s0 =	sor.u32 @p1 s1, s0  }
0x33f: {  	[sflag:s0] =	ssyncadd.remote.s32 @p1 $0x1;
	s0 =	simm.s32 @p1 $0x4  }
0x340: {  	s2 =	simm.s32 @!p1 $0x3C;
	s1 =	sand.u32 $0xFFFFFFFE, s8;
	_ =	swait.ge @p1 [sflag:s0], $0x6  }
0x341: {  	s4 =	simm.s32 @!p1 $0x0;
	s1 =	sadd.s32 @!p1 $0x4, s1;
	[sflag:s0] =	ssyncset.done @p1 $0x0  }
0x342: {  	s5 =	simm.s32 @!p1 $0x20;
	[sflag:s0] =	ssyncadd.s32 @p1 $0xFFFFFFFA;
	s0 =	sshll.u32 @!p1 s1, $0x1A  }
0x343: {  	s1 =	sshll.u32 @!p1 s1, $0xD;
	s0 =	sor.u32 @!p1 s0, s7;
	_ =	swait.eq @!p1 [sflag:s2], $0x1  }
0x344: {  	s1 =	sor.u32 @!p1 $0x1C04, s1;
	s2 =	simm.s32 @!p1 $0x1C03;
	s0 =	sor.u32 @!p1 $0x80004000, s0  }
0x345: {  	[spmem:s5], [sflag:s1] =	dma.general @!p1 [spmem:s4], [sflag:s2], length:$0x4, [dreg:$0x0], stride_count:$0x0, ici_dest:s0, dma_misc:DstOpCode:WRITE  }
0x346: {  	p2 =	slt.s32 s9, $0x2;
	s4 =	simm.s32 @!p1 $0x40;
	s5 =	simm.s32 @!p1 $0x42  }
0x347: {  	[spmem:s5], [sflag:s1] =	dma.general @!p1 [spmem:s4], [sflag:s2], length:$0x2, [dreg:$0x0], stride_count:$0x0, ici_dest:s0, dma_misc:DstOpCode:WRITE  }
.Ltmp28:
0x348: {  	s0 =	simm.s32 @!p1 $0x3;
	(pc) =	sbr.rel @p2 .LBB2_37-.Ltmp28, $4  }
0x349: {  	s1 =	sshll.u32 @!p1 s8, $0xE;
	_ =	swait.ge @!p1 [sflag:s0], $0x6  }
0x34a: {  	s2 =	sshll.u32 @!p1 s7, $0x11;
	s1 =	sadd.s32 @!p1 $0x11C3C, s1;
	[sflag:s0] =	ssyncset.done @!p1 $0x0  }
0x34b: {  	[sflag:s0] =	ssyncadd.s32 @!p1 $0xFFFFFFFA;
	s0 =	sor.u32 @!p1 s2, s1  }
0x34c: {  	[sflag:s0] =	ssyncadd.remote.s32 @!p1 $0xFFFFFFFF;
	s0 =	simm.s32 $0x0  }
0x34d: {  	s0 =	simm.s32 $0x3659  }
0x34e: {  	v0 =	vld.msk [tilespmem:s0+$0x0], $0x1;
	_ =	sdelay $0x4  }
0x34f: {  	(v2sf) =	vpush v0, $0x0;
	_ =	sdelay $0xd  }
0x350: {  	s2 =	sadd.s32 $0xFFFFFFFE, s6  }
0x351: {  	s2 =	sadd.s32 $0xFFFFFFFF, s2;
	s0 =	spop (v2sf)  }
0x352: {  	p2 =	sne.s32 s2, $0x0;
	p1 =	sgt.u32 s0, $0x270FF  }
.Ltmp29:
0x353: {  	s4 =	sand.u32 @!p1 $0x3FFF8, s0;
	(pc) =	sbr.rel @!p2 .LBB2_36-.Ltmp29, $4  }
0x354: {  	s1 =	simm.s32 $0x3688;
	s0 =	sand.u32 @!p1 $0x7, s0;
	s4 =	sadd.s32 @!p1 s3, s4  }
0x355: {  	[hbm4b:s4+s0] =	stream.linear.scatter @!p1 [tilespmem:s1], [sflag:$0x5], $0x4, $0x38;
	[tilespmem:$0x1F0F8] =	vst v63  }
0x356: {  	s0 =	simm.s32 $0x0  }
0x357: {  	s6 =	simm.s32 $0x0;
	s7 =	simm.s32 $0x365A;
	s0 =	simm.s32 @!p1 $0x10  }
.LBB2_35:
0x358: {  	v0 =	vld.msk [tilespmem:s7+$0x0], $0x1;
	s2 =	sadd.s32 $0xFFFFFFFF, s2;
	s6 =	sadd.s32 s6, s0  }
0x359: {  	p1 =	sne.s32 s2, $0x0;
	_ =	sdelay $0x3  }
0x35a: {  	(v2sf) =	vpush v0, $0x0;
	_ =	sdelay $0xe  }
.Ltmp30:
0x35b: {  	s4 =	spop (v2sf);
	(pc) =	sbr.rel @p1 .LBB2_35-.Ltmp30, $4  }
0x35c: {  	s0 =	simm.s32 $0x0;
	p2 =	sgt.u32 s4, $0x270FF  }
0x35d: {  	s1 =	sadd.s32 $0x10, s1;
	s0 =	simm.s32 @!p2 $0x10;
	s5 =	sand.u32 @!p2 $0x3FFF8, s4  }
0x35e: {  	s7 =	sadd.s32 $0x1, s7;
	s4 =	sand.u32 @!p2 $0x7, s4;
	s5 =	sadd.s32 @!p2 s3, s5  }
0x35f: {  	[hbm4b:s5+s4] =	stream.linear.scatter @!p2 [tilespmem:s1], [sflag:$0x5], $0x4, $0x38;
	[tilespmem:$0x1F0F8] =	vst v63  }
.LBB2_36:
0x360: {  	s0 =	sadd.s32 s6, s0  }
0x361: {  	s0 =	sshrl.u32 s0, $0x2  }
.LBB2_37:
0x362: {  	s1 =	simm.s32 $0x5  }
0x363: {  	_ =	swait.ge [sflag:s1], s0  }
0x364: {  	s31 =	ssub.s32 $0x0, s0;
	[sflag:s1] =	ssyncset.done $0x0  }
0x365: {  	[sflag:s1] =	ssyncadd.s32 s31  }
0x366: {  	[sflag:s1] =	ssyncpa.u1 $0x1  }
.LBB2_38:
0x367: {  	s0 =	sor.u32 s17, s16  }
0x368: {  	p1 =	sne.s32 s0, $0x0  }
.Ltmp31:
0x369: {  	_ = 	snop;
	(pc) =	sbr.rel @p1 .LBB2_53-.Ltmp31, $3  }
0x36a: {  	_ =	sdelay $0x1  }
0x36b: {  	[bflag:$0x0] =	sbarrier.arrive $0xFFFF  }
0x36c: {  	_ =	sfence  }
0x36d: {  	s0 =	simm.s32 $0x7  }
0x36e: {  	s1 =	simm.s32 $0x200;
	s2 =	simm.s32 $0x3658;
	[sflag:s0] =	ssyncpa.u1 $0x0  }
0x36f: {  	[tilespmem:s2], [sflag:$0x7] =	stream.linear.gather [spmem:s1], $0x20, $0x38;
	[tilespmem:$0x1F0F8] =	vst v63  }
0x370: {  	s30 =	simm.s32 $0x3678;
	s1 =	simm.s32 $0x0  }
0x371: {  	[tilespmem:s30], [sflag:$0x7] =	stream.linear.gather [spmem:s1], $0x200, $0x38;
	[tilespmem:$0x1F0F8] =	vst v63  }
.Ltmp32:
0x372: {  	_ = 	snop;
	(pc) =	sbr.rel .LBB2_40-.Ltmp32, $4  }
0x373: {  	_ =	swait.ge [sflag:s0], $0x220  }
0x374: {  	[sflag:s0] =	ssyncset.done $0x0  }
0x375: {  	s31 =	simm.s32 $0x8;
	[sflag:s0] =	ssyncadd.s32 $0xFFFFFDE0  }
0x376: {  	s2 =	simm.s32 $0x0;
	[sflag:s31] =	ssyncpa.u1 $0x0  }
.LBB2_45:
0x377: {  	p1 =	slt.u32 s4, $0x27100  }
0x378: {  	s0 =	sand.u32 @p1 $0x3FFF8, s4  }
0x379: {  	s4 =	sand.u32 @p1 $0x7, s4;
	s5 =	simm.s32 @p1 $0x3638;
	s0 =	sadd.s32 @p1 s3, s0  }
0x37a: {  	[tilespmem:s5], [sflag:$0x8] =	stream.linear.gather @p1 [hbm4b:s0+s4], $0x4, $0x38;
	[tilespmem:$0x1F0F8] =	vst v63  }
0x37b: {  	s0 =	simm.s32 @p1 $0x8  }
0x37c: {  	_ =	swait.ge @p1 [sflag:s0], $0x4  }
0x37d: {  	[sflag:s0] =	ssyncset.done @p1 $0x0  }
0x37e: {  	[sflag:s0] =	ssyncadd.s32 @p1 $0xFFFFFFFC  }
0x37f: {  	v1 =	vld @p1 [tilespmem:$0x3638];
	_ =	sdelay $0x2  }
0x380: {  	s0 =	sshll.u32 @p1 s2, $0x6  }
0x381: {  	s5 =	sshll.u32 @!p1 s2, $0x6;
	s4 =	sshrl.u32 @p1 s0, $0x2  }
0x382: {  	s5 =	smov.u32 @p1 s0;
	[tilespmem:s4+$0x3678] =	vst.add.f32.msk @p1 $0xffff, v1  }
0x383: {  	s0 =	sshrl.u32 s5, $0x2;
	[tilespmem:s1+$0x3658] =	vst.msk $0x1, v0  }
0x384: {  	v0 =	vld [tilespmem:s0+$0x3678];
	_ =	sdelay $0x2  }
0x385: {  	s31 =	sshll.u32 s1, $0x6  }
0x386: {  	s0 =	sshra.s32 s31, $0x2  }
0x387: {  	s1 =	sadd.s32 $0x1, s1;
	[tilespmem:s0+$0x3678] =	vst v0  }
.LBB2_47:
0x388: {  	s2 =	sadd.s32 $0x1, s2  }
0x389: {  	p1 =	sne.s32 s2, $0x20  }
.Ltmp33:
0x38a: {  	_ = 	snop;
	(pc) =	sbr.rel @!p1 .LBB2_48-.Ltmp33, $1  }
0x38b: {  	_ =	sdelay $0x3  }
.LBB2_40:
0x38c: {  	v0 =	vld.msk [tilespmem:s2+$0x3658], $0x1;
	_ =	sdelay $0x4  }
0x38d: {  	(v2sf) =	vpush v0, $0x0;
	_ =	sdelay $0xe  }
0x38e: {  	s4 =	spop (v2sf)  }
0x38f: {  	p1 =	seq.s32 s4, $0xFFFFFFFF  }
.Ltmp34:
0x390: {  	_ = 	snop;
	(pc) =	sbr.rel @p1 .LBB2_47-.Ltmp34, $1  }
0x391: {  	_ =	sdelay $0x3  }
0x392: {  	p1 =	slt.s32 s1, $0x1  }
.Ltmp35:
0x393: {  	_ = 	snop;
	(pc) =	sbr.rel @p1 .LBB2_45-.Ltmp35, $1  }
0x394: {  	_ =	sdelay $0x3  }
0x395: {  	s5 =	simm.s32 $0x3658;
	p1 =	por $0x0, $0x0  }
0x396: {  	v1 =	vld.msk @!p1 [tilespmem:s5+$0x0], $0x1;
	_ =	sdelay $0x4  }
0x397: {  	(v2sf) =	vpush @!p1 v1, $0x0;
	_ =	sdelay $0xd  }
0x398: {  	p3 =	sne.s32 s1, $0x1  }
.Ltmp36:
0x399: {  	s0 =	spop @!p1 (v2sf);
	(pc) =	sbr.rel @!p3 .LBB2_44-.Ltmp36, $4  }
0x39a: {  	p2 =	seq.s32 @!p1 s4, s0  }
0x39b: {  	s6 =	simm.s32 $0x0;
	p2 =	por !p2, p1  }
0x39c: {  	s0 =	simm.s32 $0xFFFFFFFF;
	s6 =	simm.s32 @p2 $0xFFFFFFFF  }
0x39d: {  	s7 =	simm.s32 $0x1;
	s6 =	smov.u32 @p1 s0  }
.LBB2_43:
0x39e: {  	s0 =	smov.u32 s6;
	p1 =	sne.s32 s6, $0xFFFFFFFF  }
0x39f: {  	s5 =	sadd.s32 $0x1, s5;
	s6 =	smov.u32 s7;
	s7 =	sadd.s32 $0x1, s7  }
0x3a0: {  	p2 =	sne.s32 s1, s7;
	v1 =	vld.msk @!p1 [tilespmem:s5+$0x0], $0x1;
	_ =	sdelay $0x4  }
0x3a1: {  	(v2sf) =	vpush @!p1 v1, $0x0;
	_ =	sdelay $0xe  }
.Ltmp37:
0x3a2: {  	s8 =	spop @!p1 (v2sf);
	(pc) =	sbr.rel @p2 .LBB2_43-.Ltmp37, $4  }
0x3a3: {  	p3 =	seq.s32 @!p1 s4, s8  }
0x3a4: {  	p3 =	por !p3, p1  }
0x3a5: {  	s6 =	simm.s32 @p3 $0xFFFFFFFF  }
0x3a6: {  	s6 =	smov.u32 @p1 s0  }
.LBB2_44:
0x3a7: {  	p1 =	sne.s32 s6, $0xFFFFFFFF  }
.Ltmp38:
0x3a8: {  	_ = 	snop;
	(pc) =	sbr.rel @!p1 .LBB2_45-.Ltmp38, $1  }
0x3a9: {  	_ =	sdelay $0x3  }
0x3aa: {  	s0 =	sshll.u32 s2, $0x4  }
0x3ab: {  	s0 =	sand.u32 $0x3FFFFFF0, s0  }
0x3ac: {  	v0 =	vld [tilespmem:s0+$0x3678]  }
.Ltmp39:
0x3ad: {  	_ = 	snop;
	(pc) =	sbr.rel .LBB2_47-.Ltmp39, $4  }
0x3ae: {  	_ = 	snop  }
0x3af: {  	s31 =	sshll.u32 s6, $0x6  }
0x3b0: {  	s0 =	sshra.s32 s31, $0x2  }
0x3b1: {  	[tilespmem:s0+$0x3678] =	vst.add.f32.msk $0xffff, v0  }
.LBB2_48:
0x3b2: {  	p1 =	slt.s32 s1, $0x1  }
.Ltmp40:
0x3b3: {  	_ = 	snop;
	(pc) =	sbr.rel @p1 .LBB2_52-.Ltmp40, $3  }
0x3b4: {  	_ =	sdelay $0x1  }
0x3b5: {  	s0 =	simm.s32 $0x8  }
0x3b6: {  	s2 =	simm.s32 $0x0;
	[sflag:s0] =	ssyncpa.u1 $0x1  }
0x3b7: {  	s0 =	simm.s32 $0x3658  }
0x3b8: {  	v0 =	vld.msk [tilespmem:s0+$0x0], $0x1;
	_ =	sdelay $0x4  }
0x3b9: {  	(v2sf) =	vpush v0, $0x0;
	_ =	sdelay $0xe  }
0x3ba: {  	s1 =	sadd.s32 $0xFFFFFFFF, s1;
	s0 =	spop (v2sf)  }
0x3bb: {  	p2 =	sne.s32 s1, $0x0;
	p1 =	sgt.u32 s0, $0x270FF  }
.Ltmp41:
0x3bc: {  	s5 =	sand.u32 @!p1 $0x3FFF8, s0;
	(pc) =	sbr.rel @!p2 .LBB2_51-.Ltmp41, $4  }
0x3bd: {  	s4 =	simm.s32 $0x3678;
	s0 =	sand.u32 @!p1 $0x7, s0;
	s5 =	sadd.s32 @!p1 s3, s5  }
0x3be: {  	[hbm4b:s5+s0] =	stream.linear.scatter @!p1 [tilespmem:s4], [sflag:$0x7], $0x4, $0x38;
	[tilespmem:$0x1F0F8] =	vst v63  }
0x3bf: {  	s0 =	simm.s32 $0x0  }
0x3c0: {  	s5 =	simm.s32 $0x3659;
	s0 =	simm.s32 @!p1 $0x10  }
.LBB2_50:
0x3c1: {  	v0 =	vld.msk [tilespmem:s5+$0x0], $0x1;
	s1 =	sadd.s32 $0xFFFFFFFF, s1;
	s2 =	sadd.s32 s2, s0  }
0x3c2: {  	p1 =	sne.s32 s1, $0x0;
	_ =	sdelay $0x3  }
0x3c3: {  	(v2sf) =	vpush v0, $0x0;
	_ =	sdelay $0xe  }
.Ltmp42:
0x3c4: {  	s6 =	spop (v2sf);
	(pc) =	sbr.rel @p1 .LBB2_50-.Ltmp42, $4  }
0x3c5: {  	s0 =	simm.s32 $0x0;
	p2 =	sgt.u32 s6, $0x270FF  }
0x3c6: {  	s4 =	sadd.s32 $0x10, s4;
	s0 =	simm.s32 @!p2 $0x10;
	s7 =	sand.u32 @!p2 $0x3FFF8, s6  }
0x3c7: {  	s5 =	sadd.s32 $0x1, s5;
	s6 =	sand.u32 @!p2 $0x7, s6;
	s7 =	sadd.s32 @!p2 s3, s7  }
0x3c8: {  	[hbm4b:s7+s6] =	stream.linear.scatter @!p2 [tilespmem:s4], [sflag:$0x7], $0x4, $0x38;
	[tilespmem:$0x1F0F8] =	vst v63  }
.LBB2_51:
0x3c9: {  	s0 =	sadd.s32 s2, s0  }
0x3ca: {  	s2 =	sshrl.u32 s0, $0x2  }
.LBB2_52:
0x3cb: {  	s0 =	simm.s32 $0x7  }
0x3cc: {  	_ =	swait.ge [sflag:s0], s2  }
0x3cd: {  	s1 =	ssub.s32 $0x0, s2;
	[sflag:s0] =	ssyncset.done $0x0  }
0x3ce: {  	[sflag:s0] =	ssyncadd.s32 s1  }
0x3cf: {  	[sflag:s0] =	ssyncpa.u1 $0x1  }
.LBB2_53:
0x3d0: {  	_ =	sfence;
	s0 =	simm.s32 $0x1  }
0x3d1: {  	[sflag:s0] =	ssyncpa.u1 $0x1  }
0x3d2: {  	_ =	strace $0x9000004A  }
0x3d3: {  	[bflag:$0x2] =	sbarrier.arrive $0xFFFF  }
0x3d4: {  	s0 =	rddreg [dreg:$0x3]  }
0x3d5: {  	s0 =	sadd.s32 @!p0 $0x100000, s0  }
0x3d6: {  	[sflag:s0] =	ssyncadd.tile.s32 @!p0 $0x1;
	_ =	shalt  }
.Lfunc_end2:
_tile_overlayer_lowered:
.L_overlay_start_2:
0x3d7: {  	(tag) =	ssettag $0x2  }
0x3d8: {  	s0 =	rddreg [dreg:$0x0];
	s2 =	stileid.u32  }
0x3d9: {  	s1 =	rddreg [dreg:$0x1];
	p0 =	sne.s32 s2, $0x0  }
0x3da: {  	s3 =	rddreg [dreg:$0x2];
	[bflag:$0x3] =	sbarrier.arrive $0xFFFF;
	s2 =	simm.s32 @!p0 $0x1C01  }
0x3db: {  	[timem:s3], [sflag:s2] =	dma.local @!p0 [hbm:s0], s1  }
0x3dc: {  	s0 =	simm.s32 @!p0 $0x1  }
0x3dd: {  	_ =	swait.ge @!p0 [sflag:s0], s1  }
0x3de: {  	s1 =	ssub.s32 @!p0 $0x0, s1;
	[sflag:s0] =	ssyncset.done @!p0 $0x0  }
0x3df: {  	[sflag:s0] =	ssyncadd.s32 @!p0 s1  }
0x3e0: {  	[bflag:$0x3] =	sbarrier.arrive $0xFFFF  }
0x3e1: {  	_ =	shalt  }

// kernel: scatter_offload_async_start
scs
__scs_entry_jumppad:
0x0: {  	(pc) =	sbr.rel $0x88, $3  }
0x1: {  	(tag) =	ssettag $0x0;
	lr =	simm.s32 $0x1  }
0x2: {  	[smem:$0x3F90] =	sst lr;
	_ =	strace $0xD0000000  }
0x3: {  	_ = 	snop  }
0x4: {  	_ = 	snop  }
0x5: {  	_ = 	snop  }
0x6: {  	_ = 	snop  }
0x7: {  	_ = 	snop  }
__scs_overlays_trampoline_lowered:
0x8: {  	[smem:$0x3F9F] =	sst s0  }
0x9: {  	[smem:$0x3FA0] =	sst s1  }
0xa: {  	[smem:$0x3FA1] =	sst s2  }
0xb: {  	[smem:$0x3FA2] =	sst s3  }
0xc: {  	[smem:$0x3FA3] =	sst s4  }
0xd: {  	[smem:$0x3FA4] =	sst s5  }
0xe: {  	[smem:$0x3FA5] =	sst s6  }
0xf: {  	[smem:$0x3FA6] =	sst s7  }
0x10: {  	[smem:$0x3FA7] =	sst s8  }
0x11: {  	[smem:$0x3FA8] =	sst s9;
	s0 =	simm.s32 @!p0 $0x0  }
0x12: {  	s1 =	sld [smem:$0x3F8E];
	s0 =	simm.s32 @p0 $0x1  }
0x13: {  	[smem:$0x3FA9] =	sst s0;
	s0 =	simm.s32 @!p1 $0x0  }
0x14: {  	s2 =	sld [smem:$0x3F8D];
	s0 =	simm.s32 @p1 $0x1  }
0x15: {  	[smem:$0x3FAA] =	sst s0;
	s0 =	simm.s32 @!p2 $0x0  }
0x16: {  	s3 =	sld [smem:$0x3FDB];
	s0 =	simm.s32 @p2 $0x1  }
0x17: {  	s4 =	simm.s32 $0x1BF5;
	[smem:$0x3FAC] =	sst s0  }
0x18: {  	s0 =	sld [smem:$0x3F8F];
	_ =	swait.ge [sflag:s4], $0x0  }
0x19: {  	s7 =	sld [smem:$0x3F90]  }
0x1a: {  	s8 =	sadd.s32 $0xFFFFE003, lr  }
0x1b: {  	s9 =	sadd.s32 $0xFFFFFEF7, lr;
	s5 =	simm.s32 $0xFFFFFFFF;
	p2 =	slt.u32 s8, $0xFFFFF086  }
0x1c: {  	p1 =	slt.u32 s9, $0xF7A;
	s5 =	simm.s32 @!p2 $0x0  }
0x1d: {  	s5 =	simm.s32 @p1 $0x1;
	p0 =	seq.s32 s7, s2  }
0x1e: {  	s7 =	smul.u32 @!p0 $0xF7A, s2;
	p2 =	seq.s32 @!p0 s5, $0x0  }
0x1f: {  	s9 =	smul.u32 $0xF7A, s1;
	s8 =	simm.s32 @!p0 $0x1BF5;
	p2 =	por !p2, p0  }
0x20: {  	[sflag:s8] =	ssyncset.s32 @!p0 $0xFFFFF086;
	s6 =	sadd.s32 @!p0 s3, s7;
	s7 =	simm.s32 @!p0 $0x108  }
0x21: {  	s3 =	sadd.s32 s3, s9;
	s6 =	sadd.s32 @!p0 $0x88, s6;
	s7 =	simm.s32 @p2 $0x1082  }
0x22: {  	[simem:s7], [sflag:s8] =	dma.local @!p0 [hbm:s6], $0xF7A  }
0x23: {  	s9 =	sor.u32 $0xD0000000, s2;
	s6 =	simm.s32 $0x108;
	_ =	swait.ge @!p0 [sflag:s8], $0x0  }
0x24: {  	s3 =	sadd.s32 $0x88, s3;
	s6 =	simm.s32 @!p1 $0x1082;
	[sflag:s4] =	ssyncset.s32 $0xFFFFF086  }
0x25: {  	[simem:s6], [sflag:s4] =	dma.local [hbm:s3], $0xF7A  }
0x26: {  	[smem:$0x3F90] =	sst s1;
	(tag) =	ssettag s2;
	_ =	strace s9  }
0x27: {  	s1 =	sld [smem:$0x3FA0]  }
0x28: {  	s2 =	sld [smem:$0x3FA1]  }
0x29: {  	s4 =	sld [smem:$0x3FA3]  }
0x2a: {  	p0 =	seq.s32 s5, $0x0;
	s5 =	sld [smem:$0x3FA4]  }
0x2b: {  	s6 =	sld [smem:$0x3FA5]  }
0x2c: {  	s7 =	sld [smem:$0x3FA6]  }
0x2d: {  	s3 =	simm.s32 $0x108;
	s8 =	sld [smem:$0x3FA7]  }
0x2e: {  	s3 =	simm.s32 @!p0 $0x1082;
	s9 =	sld [smem:$0x3FA8]  }
0x2f: {  	lr =	sadd.s32 s0, s3;
	s0 =	sld [smem:$0x3F9F]  }
0x30: {  	s3 =	sld [smem:$0x3FA2]  }
0x31: {  	[smem:$0x3FAB] =	sst s10  }
0x32: {  	s10 =	sld [smem:$0x3FA9];
	_ =	sdelay $0x3  }
0x33: {  	p0 =	seq.s32 s10, $0x1;
	s10 =	sld [smem:$0x3FAB];
	_ =	sdelay $0x3  }
0x34: {  	[smem:$0x3FAB] =	sst s10  }
0x35: {  	s10 =	sld [smem:$0x3FAA];
	_ =	sdelay $0x3  }
0x36: {  	p1 =	seq.s32 s10, $0x1;
	s10 =	sld [smem:$0x3FAB];
	_ =	sdelay $0x3  }
0x37: {  	[smem:$0x3FAB] =	sst s10  }
0x38: {  	s10 =	sld [smem:$0x3FAC]  }
0x39: {  	_ = 	snop;
	(pc) =	sbr.ind lr, $3  }
0x3a: {  	_ = 	snop  }
0x3b: {  	_ = 	snop  }
0x3c: {  	p2 =	seq.s32 s10, $0x1;
	s10 =	sld [smem:$0x3FAB]  }
0x3d: {  	_ =	shalt  }
0x3e: {  	_ =	shalt  }
0x3f: {  	_ =	shalt  }
0x40: {  	_ =	shalt  }
0x41: {  	_ =	shalt  }
0x42: {  	_ =	shalt  }
0x43: {  	_ =	shalt  }
0x44: {  	_ =	shalt  }
0x45: {  	_ =	shalt  }
0x46: {  	_ =	shalt  }
0x47: {  	_ =	shalt  }
0x48: {  	_ =	shalt  }
0x49: {  	_ =	shalt  }
0x4a: {  	_ =	shalt  }
0x4b: {  	_ =	shalt  }
0x4c: {  	_ =	shalt  }
0x4d: {  	_ =	shalt  }
0x4e: {  	_ =	shalt  }
0x4f: {  	_ =	shalt  }
0x50: {  	_ =	shalt  }
0x51: {  	_ =	shalt  }
0x52: {  	_ =	shalt  }
0x53: {  	_ =	shalt  }
0x54: {  	_ =	shalt  }
0x55: {  	_ =	shalt  }
0x56: {  	_ =	shalt  }
0x57: {  	_ =	shalt  }
0x58: {  	_ =	shalt  }
0x59: {  	_ =	shalt  }
0x5a: {  	_ =	shalt  }
0x5b: {  	_ =	shalt  }
0x5c: {  	_ =	shalt  }
0x5d: {  	_ =	shalt  }
0x5e: {  	_ =	shalt  }
0x5f: {  	_ =	shalt  }
0x60: {  	_ =	shalt  }
0x61: {  	_ =	shalt  }
0x62: {  	_ =	shalt  }
0x63: {  	_ =	shalt  }
0x64: {  	_ =	shalt  }
0x65: {  	_ =	shalt  }
0x66: {  	_ =	shalt  }
0x67: {  	_ =	shalt  }
0x68: {  	_ =	shalt  }
0x69: {  	_ =	shalt  }
0x6a: {  	_ =	shalt  }
0x6b: {  	_ =	shalt  }
0x6c: {  	_ =	shalt  }
0x6d: {  	_ =	shalt  }
0x6e: {  	_ =	shalt  }
0x6f: {  	_ =	shalt  }
0x70: {  	_ =	shalt  }
0x71: {  	_ =	shalt  }
0x72: {  	_ =	shalt  }
0x73: {  	_ =	shalt  }
0x74: {  	_ =	shalt  }
0x75: {  	_ =	shalt  }
0x76: {  	_ =	shalt  }
0x77: {  	_ =	shalt  }
0x78: {  	_ =	shalt  }
0x79: {  	_ =	shalt  }
0x7a: {  	_ =	shalt  }
0x7b: {  	_ =	shalt  }
0x7c: {  	_ =	shalt  }
0x7d: {  	_ =	shalt  }
0x7e: {  	_ =	shalt  }
0x7f: {  	_ =	shalt  }
0x80: {  	_ =	shalt  }
0x81: {  	_ =	shalt  }
0x82: {  	_ =	shalt  }
0x83: {  	_ =	shalt  }
0x84: {  	_ =	shalt  }
0x85: {  	_ =	shalt  }
0x86: {  	_ =	shalt  }
0x87: {  	_ =	shalt  }
.Lfunc_end0:
.L_simem_size_0:
called_computation_lowered:
.L_overlay_start_0:
0x88: {  	s2 =	sld [smem:$0x3FD9]  }
0x89: {  	s3 =	sld [smem:$0x3FFE];
	_ =	sdelay $0x1  }
0x8a: {  	s1 =	srdreg.scid  }
0x8b: {  	s0 =	sand.u32 $0x1, s1  }
0x8c: {  	s17 =	sshll.u32 s0, $0xA;
	s2 =	sadd.s32 s3, s2  }
0x8d: {  	s2 =	sadd.s32 s2, s17  }
0x8e: {  	[smem:$0x3FB7] =	sst s2  }
0x8f: {  	_ = 	snop  }
0x90: {  	s18 =	sld [smem:$0x3FD0];
	(tm) =	ssettm $0x1  }
0x91: {  	s19 =	sld [smem:$0x3FFB];
	_ =	sdelay $0x3  }
0x92: {  	_ =	strace s19  }
0x93: {  	s2 =	sld [smem:$0x3FFC];
	_ =	sdelay $0x3  }
0x94: {  	_ =	strace s2  }
0x95: {  	s2 =	sld [smem:$0x3FFD];
	_ =	sdelay $0x3  }
0x96: {  	_ =	strace s2  }
0x97: {  	_ =	strace $0x8FFFFFFF  }
0x98: {  	s20 =	sld [smem:$0x3FDB];
	_ =	sdelay $0x1  }
0x99: {  	s4 =	simm.s32 $_scs_section_size  }
0x9a: {  	s5 =	simm.s32 $_size__tile_overlayer_lowered;
	s6 =	simm.s32 $_tile_overlayer_lowered  }
0x9b: {  	s7 =	simm.s32 $0x1BFF;
	s21 =	sshll.u32 s6, $0x1;
	s4 =	sadd.s32 s4, s20  }
0x9c: {  	s22 =	simm.s32 $0x0;
	s5 =	sshll.u32 s5, $0x1;
	s6 =	sadd.s32 s21, s4  }
0x9d: {  	[timem:s22], [sflag:s7] =	dma.local [hbm:s6], s5  }
0x9e: {  	_ =	swait.ge [sflag:s7], s5  }
0x9f: {  	s5 =	ssub.s32 $0x0, s5;
	[sflag:s7] =	ssyncset.done $0x0  }
0xa0: {  	[sflag:s7] =	ssyncadd.s32 s5;
	_ =	sdelay $0x1  }
0xa1: {  	s23 =	simm.s32 $0x1B8B  }
0xa2: {  	_ =	swait.ge [sflag:s23], $0x1  }
0xa3: {  	[sflag:s23] =	ssyncset.done $0x0  }
0xa4: {  	[sflag:s23] =	ssyncadd.s32 $0xFFFFFFFF  }
0xa5: {  	s5 =	sld [smem:$0x0]  }
0xa6: {  	s6 =	sand.u32 $0xFFFFFFFE, s1  }
0xa7: {  	p0 =	sne.s32 s1, s6  }
0xa8: {  	s6 =	sshll.u32 @p0 s6, $0xE  }
0xa9: {  	s6 =	sadd.s32 @p0 $0x11B8D, s6;
	s7 =	sshll.u32 @p0 s5, $0x11  }
0xaa: {  	s6 =	sor.u32 @p0 s7, s6  }
0xab: {  	[sflag:s6] =	ssyncadd.remote.s32 @p0 $0x1;
	_ =	sdelay $0x1  }
0xac: {  	s6 =	simm.s32 @p0 $0x1B8D  }
0xad: {  	_ =	swait.eq @p0 [sflag:s6], $0x1  }
0xae: {  	[sflag:s6] =	ssyncadd.s32 @p0 $0xFFFFFFFF  }
0xaf: {  	s7 =	sshll.u32 @!p0 s1, $0xE  }
0xb0: {  	s7 =	sor.u32 @!p0 $0x4000, s7;
	s6 =	simm.s32 @!p0 $0x1B8D  }
0xb1: {  	s8 =	sshll.u32 @!p0 s5, $0x11;
	s7 =	sadd.s32 @!p0 $0x11B8D, s7;
	_ =	swait.eq @!p0 [sflag:s6], $0x1  }
0xb2: {  	[sflag:s6] =	ssyncadd.s32 @!p0 $0xFFFFFFFF;
	s6 =	sor.u32 @!p0 s8, s7  }
0xb3: {  	s25 =	simm.s32 $0x1B8E;
	s24 =	sld [smem:$0x3FFE];
	[sflag:s6] =	ssyncadd.remote.s32 @!p0 $0x1  }
0xb4: {  	s26 =	simm.s32 $execute0_lowered;
	[smem:$0x3FD2] =	sst s25  }
0xb5: {  	s7 =	sshll.u32 s26, $0x1;
	_ =	strace $0x8000004C;
	[dreg:$0x1] =	wrdreg $0xFFFFFFFF  }
0xb6: {  	s28 =	simm.s32 $_size_execute0_lowered;
	s4 =	sadd.s32 s4, s7;
	[dreg:$0x0] =	wrdreg $0x0  }
0xb7: {  	s7 =	sshll.u32 s28, $0x1;
	[dreg:$0x2] =	wrdreg s4  }
0xb8: {  	[dreg:$0x3] =	wrdreg s7  }
0xb9: {  	[dreg:$0x4] =	wrdreg $0xC0  }
0xba: {  	_ =	task [dreg:s22], $0x5FFFF  }
0xbb: {  	[dreg:$0x1] =	wrdreg $0xFFFFFFFF  }
0xbc: {  	[dreg:$0x0] =	wrdreg $0x60  }
0xbd: {  	[dreg:$0x2] =	wrdreg s18  }
0xbe: {  	[dreg:$0x3] =	wrdreg s24  }
0xbf: {  	[dreg:$0x4] =	wrdreg s1  }
0xc0: {  	[dreg:$0x5] =	wrdreg s5  }
0xc1: {  	[dreg:$0x6] =	wrdreg $0x9  }
0xc2: {  	_ =	task.clear_ibuf [dreg:s22], $0x7FFFF;
	_ =	strace $0x9000004C  }
0xc3: {  	s29 =	simm.s32 $0x9;
	_ =	strace $0x8000004E  }
0xc4: {  	_ =	swait.ge [sflag:s29], $0x1  }
0xc5: {  	[sflag:s29] =	ssyncadd.s32 $0xFFFFFFFF  }
0xc6: {  	_ =	strace $0x9000004E  }
0xc7: {  	_ =	sfence  }
0xc8: {  	s30 =	sld [smem:$0x0];
	_ =	sdelay $0x2  }
0xc9: {  	s31 =	sshll.u32 s1, $0xD;
	s1 =	sshrl.u32 s1, $0x2  }
0xca: {  	s4 =	sand.u32 $0x4000, s31;
	s1 =	sadd.s32 s1, s30  }
0xcb: {  	s0 =	sor.u32 s4, s0;
	s1 =	sshll.u32 s1, $0x11  }
0xcc: {  	s0 =	sor.u32 s1, s0  }
0xcd: {  	s0 =	sadd.s32 $0x8F2B, s0  }
0xce: {  	[sflag:s0] =	ssyncadd.remote.s32 $0x1  }
0xcf: {  	_ =	sfence.sel $0xFFFF  }
0xd0: {  	[dreg:$0x0] =	wrdreg $0xFFFFFFFF;
	(pc) =	sbr.abs _section_cstart, $3  }
0xd1: {  	[dreg:$0x1] =	wrdreg $0xFFFFFFFF  }
0xd2: {  	_ =	task.clear_ibuf [dreg:s22], $0x2FFFF;
	_ =	strace $0x9FFFFFFF  }
0xd3: {  	(tm) =	ssettm $0x7FFFFFFF  }
tec
execute0_lowered:
.L_overlay_start_1:
0x0: {  	(tag) =	ssettag $0x1  }
0x1: {  	s1 =	rddreg [dreg:$0x0]  }
0x2: {  	s2 =	rddreg [dreg:$0x1]  }
0x3: {  	s3 =	rddreg [dreg:$0x2];
	_ =	strace $0x8000004D;
	s0 =	simm.s32 $0x1  }
0x4: {  	v0 =	vimm.s32 $0x0;
	[sflag:s0] =	ssyncpa.u1 $0x0;
	s0 =	simm.s32 $0x108  }
0x5: {  	[tilespmem:s0+$0x70] =	vst v0  }
0x6: {  	[tilespmem:s0+$0x60] =	vst v0  }
0x7: {  	[tilespmem:s0+$0x50] =	vst v0  }
0x8: {  	[tilespmem:s0+$0x40] =	vst v0  }
0x9: {  	[tilespmem:s0+$0x30] =	vst v0  }
0xa: {  	s15 =	sadd.s32 $0x139DA00, s2;
	s6 =	sadd.s32 $0x13B1600, s2;
	[tilespmem:s0+$0x20] =	vst v0  }
0xb: {  	s14 =	sadd.s32 $0x13A7800, s2;
	s5 =	sand.u32 $0x1, s3;
	s3 =	simm.s32 $0x40;
	[tilespmem:s0+$0x10] =	vst v0  }
.LBB2_1:
0xc: {  	s3 =	sadd.s32 $0x40, s3;
	[tilespmem:s0+$0x0] =	vst v0;
	s0 =	sadd.s32 $0x80, s0  }
0xd: {  	p0 =	slt.u32 s3, $0x3C40;
	[tilespmem:s0+$0x70] =	vst v0  }
0xe: {  	[tilespmem:s0+$0x60] =	vst v0  }
.Ltmp0:
0xf: {  	[tilespmem:s0+$0x50] =	vst v0;
	(pc) =	sbr.rel @p0 .LBB2_1-.Ltmp0, $4  }
0x10: {  	[tilespmem:s0+$0x40] =	vst v0  }
0x11: {  	[tilespmem:s0+$0x30] =	vst v0  }
0x12: {  	[tilespmem:s0+$0x20] =	vst v0  }
0x13: {  	[tilespmem:s0+$0x10] =	vst v0  }
0x14: {  	s9 =	stileid.u32  }
0x15: {  	s2 =	smul.u32 $0x29, s9  }
0x16: {  	s3 =	smin.u32 s9, $0xB  }
0x17: {  	s2 =	sadd.s32 s3, s2  }
0x18: {  	p0 =	slt.u32 s9, $0xB;
	s7 =	smul.u32 $0xF0, s2;
	s2 =	simm.s32 $0x2760  }
0x19: {  	s2 =	simm.s32 @!p0 $0x2670  }
0x1a: {  	s2 =	sadd.s32 s2, s7  }
0x1b: {  	s8 =	smin.u32 s2, $0x27100  }
0x1c: {  	s2 =	ssub.s32 s8, s7  }
0x1d: {  	p0 =	sgt.s32 s2, $0x0  }
0x1e: {  	s29 =	simm.s32 $0x2;
	s10 =	simm.s32 $0x9;
	s2 =	simm.s32 @!p0 $0x0  }
0x1f: {  	s4 =	simm.s32 $0xA;
	s11 =	simm.s32 $0xB;
	s28 =	smulhi.u32 $0x88888889, s2  }
0x20: {  	[dreg:$0x5] =	wrdreg s5;
	s31 =	smul.u32 $0x4E20, s5;
	s12 =	simm.s32 $0x1  }
0x21: {  	s22 =	simm.s32 $0x0;
	s18 =	simm.s32 $0xC;
	s30 =	sshrl.u32 s28, $0x7  }
0x22: {  	s20 =	simm.s32 $0x0;
	s21 =	simm.s32 $0x0;
	s3 =	smul.u32 $0xF0, s30  }
.Ltmp1:
0x23: {  	[tilespmem:s0+$0x0] =	vst v0;
	v0 =	vimm.s32 $0xFFFFFFFF;
	[sflag:s29] =	ssyncpa.u1 $0x0;
	s16 =	sshll.u32 s9, $0x8;
	(pc) =	sbr.rel .LBB2_3-.Ltmp1, $4  }
0x24: {  	[tilespmem:$0xF208] =	vst v0;
	[sflag:s10] =	ssyncpa.u1 $0x0;
	p0 =	sne.s32 s2, s3;
	s2 =	simm.s32 $0x1  }
0x25: {  	s14 =	sadd.s32 s31, s14;
	[sflag:s4] =	ssyncpa.u1 $0x0;
	s2 =	simm.s32 @!p0 $0x0  }
0x26: {  	s15 =	sadd.s32 s31, s15;
	[sflag:s11] =	ssyncpa.u1 $0x0;
	s13 =	sadd.s32 s2, s30  }
0x27: {  	v0 =	vlaneseq.u32;
	s19 =	smov.u32 s7;
	p0 =	por $0x0, $0x0;
	s17 =	sadd.s32 $0x1, s13  }
.LBB2_18:
0x28: {  	s0 =	sshrl.u32 s31, $0x2  }
.LBB2_20:
0x29: {  	_ =	swait.ge [sflag:s18], s0  }
0x2a: {  	s31 =	ssub.s32 $0x0, s0;
	v1 =	vmov s24;
	vm0 =	veq.s32 v0, $0x0;
	[sflag:s18] =	ssyncset.done $0x0  }
0x2b: {  	vm15 =	veq.s32 v0, $0x2;
	v1 =	vsel vm0, s30, v1;
	[sflag:s18] =	ssyncadd.s32 s31  }
0x2c: {  	v1 =	vsel vm15, s22, v1;
	[sflag:s18] =	ssyncpa.u1 $0x1  }
0x2d: {  	[tilespmem:$0xF208] =	vst v1  }
.LBB2_21:
0x2e: {  	s0 =	sadd.s32 $0xF0, s19  }
0x2f: {  	s2 =	smov.u32 s7;
	p1 =	slt.s32 s0, s8  }
0x30: {  	s2 =	smov.u32 @p1 s0;
	p1 =	sne.s32 s21, s17  }
.Ltmp2:
0x31: {  	_ = 	snop;
	(pc) =	sbr.rel @!p1 .LBB2_22-.Ltmp2, $3  }
0x32: {  	_ =	sdelay $0x1  }
0x33: {  	s22 =	smov.u32 s20;
	s31 =	sadd.s32 $0x1, s21;
	s20 =	smov.u32 s19  }
0x34: {  	p0 =	por !p0, !p0;
	s21 =	smov.u32 s31;
	s19 =	smov.u32 s2  }
.LBB2_3:
0x35: {  	p1 =	sge.u32 s21, s13  }
0x36: {  	s0 =	smulhi.u32 @!p1 $0xAAAAAAAB, s21  }
0x37: {  	s2 =	smov.u32 s19;
	p2 =	sgt.s32 @!p1 s19, $0x27010  }
0x38: {  	s3 =	sshra.s32 @!p1 s19, $0x1F;
	p2 =	por !p2, p1;
	s0 =	sshrl.u32 @!p1 s0, $0x1  }
0x39: {  	s3 =	sand.u32 @!p1 s3, s19;
	s2 =	simm.s32 @p2 $0x27010;
	s0 =	smul.u32 @!p1 $0x3, s0  }
0x3a: {  	s2 =	ssub.s32 @!p1 s2, s3  }
0x3b: {  	s2 =	sadd.s32 @!p1 $0xFFFD8FF0, s2;
	s0 =	ssub.s32 @!p1 s21, s0  }
0x3c: {  	s3 =	sshll.u32 @!p1 s2, $0x2;
	p2 =	sgt.s32 @!p1 s2, $0xEF;
	s0 =	smul.u32 @!p1 $0x3C0, s0  }
0x3d: {  	s4 =	sand.u32 @!p1 $0x7, s19;
	s2 =	ssub.s32 @!p1 $0x3C0, s3;
	p2 =	por !p2, p1  }
0x3e: {  	s3 =	sshrl.u32 @!p1 s19, $0x3;
	s2 =	sshrl.u32 @!p1 s2, $0x2;
	s0 =	sshrl.u32 @!p1 s0, $0x2  }
0x3f: {  	s3 =	sadd.s32 @!p1 s3, s14;
	s2 =	simm.s32 @!p2 $0x0;
	s0 =	sadd.s32 @!p1 $0x10248, s0  }
0x40: {  	[tilespmem:s0], [sflag:$0xA] =	stream.linear.gather @!p1 [hbm4b:s3+s4], s2, $0x38;
	[tilespmem:$0x1F6F8] =	vst v63  }
0x41: {  	s0 =	sadd.s32 $0xFFFFFFFF, s21  }
0x42: {  	p1 =	sge.u32 s0, s13  }
0x43: {  	p2 =	sgt.s32 @!p1 s20, $0x27010  }
0x44: {  	s2 =	smov.u32 s20;
	s3 =	sshra.s32 @!p1 s20, $0x1F;
	p2 =	por !p2, p1  }
0x45: {  	s3 =	sand.u32 @!p1 s3, s20;
	s2 =	simm.s32 @p2 $0x27010  }
0x46: {  	s2 =	ssub.s32 @!p1 s2, s3  }
0x47: {  	s2 =	sadd.s32 @!p1 $0xFFFD8FF0, s2  }
0x48: {  	s4 =	sand.u32 @!p1 $0x1, s0;
	s3 =	sshll.u32 @!p1 s2, $0x2  }
0x49: {  	p2 =	sgt.s32 @!p1 s2, $0xEF;
	s2 =	ssub.s32 @!p1 $0x3C0, s3;
	s3 =	smulhi.u32 @!p1 $0xAAAAAAAB, s0  }
0x4a: {  	s23 =	smul.u32 @!p1 $0x3C0, s4;
	p2 =	por !p2, p1;
	s2 =	sshrl.u32 @!p1 s2, $0x2  }
0x4b: {  	s5 =	simm.s32 @!p1 $0xA;
	s2 =	simm.s32 @!p2 $0x0;
	s3 =	sshrl.u32 @!p1 s3, $0x1  }
0x4c: {  	s23 =	sshrl.u32 @!p1 s23, $0x2;
	_ =	swait.ge @!p1 [sflag:s5], s2;
	s3 =	smul.u32 @!p1 $0x3, s3  }
0x4d: {  	s23 =	sadd.s32 @!p1 $0x10518, s23;
	s24 =	ssub.s32 @!p1 $0x0, s2;
	[sflag:s5] =	ssyncset.done @!p1 $0x0  }
0x4e: {  	[sflag:s5] =	ssyncadd.s32 @!p1 s24;
	s5 =	sshrl.u32 @!p1 s20, $0x3;
	s0 =	ssub.s32 @!p1 s0, s3  }
0x4f: {  	s24 =	sand.u32 @!p1 $0x7, s20;
	s5 =	sadd.s32 @!p1 s5, s15;
	s0 =	smul.u32 @!p1 $0x3C0, s0  }
0x50: {  	[tilespmem:s23], [sflag:$0xB] =	stream.linear.gather @!p1 [hbm4b:s5+s24], s2, $0x38;
	[tilespmem:$0x1F6F8] =	vst v63  }
0x51: {  	s3 =	ssub.s32 @!p1 $0x27100, s20;
	s2 =	smul.u32 @!p1 $0x1E000, s4  }
0x52: {  	p2 =	slt.s32 @!p1 s3, $0xF0  }
0x53: {  	p2 =	por !p2, p1;
	s0 =	sshrl.u32 @!p1 s0, $0x2;
	s2 =	sshrl.u32 @!p1 s2, $0x2  }
0x54: {  	s3 =	simm.s32 @p2 $0xF0;
	s0 =	sadd.s32 @!p1 $0x10248, s0;
	s2 =	sor.u32 @!p1 $0x106F8, s2  }
0x55: {  	[tilespmem:s2], [sflag:$0x9] =	stream.indirect.gather @!p1 [hbm4b:s6+s3], $0x80, s0, s3, $0xb8;
	[tilespmem:$0x1F6F8] =	vst v63  }
0x56: {  	p1 =	slt.u32 s21, $0x2  }
.Ltmp3:
0x57: {  	_ = 	snop;
	(pc) =	sbr.rel @p1 .LBB2_21-.Ltmp3, $1  }
0x58: {  	_ =	sdelay $0x3  }
0x59: {  	p1 =	sgt.s32 s22, $0x27010  }
0x5a: {  	s0 =	smov.u32 s22;
	s2 =	sshra.s32 s22, $0x1F;
	s3 =	ssub.s32 $0x27100, s22  }
0x5b: {  	s0 =	simm.s32 @!p1 $0x27010;
	s2 =	sand.u32 s2, s22;
	p1 =	slt.s32 s3, $0xF0  }
0x5c: {  	s0 =	ssub.s32 s0, s2;
	s3 =	simm.s32 @!p1 $0xF0  }
0x5d: {  	s0 =	sadd.s32 $0xFFFD8FF0, s0;
	s25 =	sshll.u32 s3, $0x7  }
0x5e: {  	s26 =	sshll.u32 s0, $0x2;
	s2 =	sand.u32 $0x3FFFFF80, s25  }
0x5f: {  	p1 =	sgt.s32 s0, $0xEF;
	s29 =	ssub.s32 $0x3C0, s26;
	_ =	swait.ge [sflag:s10], s2  }
0x60: {  	s2 =	ssub.s32 $0x0, s2;
	[sflag:s10] =	ssyncset.done $0x0;
	s0 =	sshrl.u32 s29, $0x2  }
0x61: {  	[sflag:s10] =	ssyncadd.s32 s2;
	s0 =	simm.s32 @p1 $0x0  }
0x62: {  	_ =	swait.ge [sflag:s11], s0  }
0x63: {  	s0 =	ssub.s32 $0x0, s0;
	[sflag:s11] =	ssyncset.done $0x0  }
0x64: {  	[sflag:s11] =	ssyncadd.s32 s0  }
0x65: {  	v1 =	vld [tilespmem:$0xF208];
	_ =	sdelay $0x4  }
0x66: {  	(v2sf) =	vpush v1, $0x0  }
0x67: {  	(v2sf) =	vpush v1, $0x1  }
0x68: {  	(v2sf) =	vpush v1, $0x2;
	_ =	sdelay $0x3  }
0x69: {  	s0 =	sadd.s32 $0xF0, s22  }
0x6a: {  	s2 =	ssub.s32 $0x4E200, s22;
	p1 =	slt.s32 s8, s0  }
0x6b: {  	s0 =	smov.u32 @p1 s8;
	p1 =	sgt.s32 s2, $0x0  }
0x6c: {  	s26 =	ssub.s32 s0, s22;
	s2 =	simm.s32 @!p1 $0x0  }
0x6d: {  	p1 =	slt.s32 s2, s26  }
0x6e: {  	s26 =	smov.u32 @p1 s2  }
0x6f: {  	s25 =	simm.s32 $0x1;
	p1 =	slt.s32 s26, $0x1  }
.Ltmp4:
0x70: {  	s25 =	simm.s32 @!p0 $0x0;
	(pc) =	sbr.rel @p1 .LBB2_8-.Ltmp4, $4  }
0x71: {  	s31 =	smul.u32 $0x3C0, s25  }
0x72: {  	s28 =	spop (v2sf)  }
0x73: {  	s0 =	sshrl.u32 s31, $0x2;
	s30 =	spop (v2sf)  }
0x74: {  	s23 =	sadd.s32 $0x10518, s0;
	s22 =	spop (v2sf)  }
0x75: {  	s0 =	smin.u32 s26, $0x10  }
0x76: {  	v1 =	vmov s0  }
0x77: {  	p2 =	sgt.s32 s26, $0x10;
	vm1 =	vgt.u32 v1, v0  }
.Ltmp5:
0x78: {  	_ = 	snop;
	(pc) =	sbr.rel @!p2 .LBB2_7-.Ltmp5, $2  }
0x79: {  	_ =	sdelay $0x2  }
0x7a: {  	s4 =	simm.s32 $0x10;
	s24 =	sadd.s32 $0xFFFFFFF0, s26;
	s0 =	smov.u32 s23;
	vm0 =	vmmov vm1  }
.LBB2_6:
0x7b: {  	s2 =	smin.u32 s24, $0x10;
	s4 =	sadd.s32 $0x10, s4;
	v1 =	vld.msk [tilespmem:s0+$0x0 ss:$0x1], vm1  }
0x7c: {  	v2 =	vmov s2;
	p2 =	slt.s32 s4, s26  }
0x7d: {  	vm1 =	vgt.u32 v2, v0  }
.Ltmp6:
0x7e: {  	(pc) =	sbr.rel @p2 .LBB2_6-.Ltmp6, $3  }
0x7f: {  	_ =	sdelay $0x1  }
0x80: {  	v1 =	vshll.u32 v1, $0x4  }
0x81: {  	s24 =	sadd.s32 $0xFFFFFFF0, s24;
	[tilespmem:s0+$0x0] =	vst.msk vm0, v1;
	s0 =	sadd.s32 $0x10, s0;
	vm0 =	vmmov vm1  }
.LBB2_7:
0x82: {  	_ =	sdelay $0x4  }
0x83: {  	v1 =	vld.msk [tilespmem:s0+$0x0 ss:$0x1], vm1;
	_ =	sdelay $0x4  }
0x84: {  	v1 =	vshll.u32 v1, $0x4  }
0x85: {  	[tilespmem:s0+$0x0] =	vst.msk vm0, v1  }
.LBB2_8:
0x86: {  	s0 =	sand.u32 $0x1, s21  }
0x87: {  	s0 =	smul.u32 $0xF0, s0  }
0x88: {  	p2 =	sne.s32 s30, $0xFFFFFFFF  }
0x89: {  	v1 =	vld.msk @!p2 [tilespmem:s0+$0x10518], $0x1;
	_ =	sdelay $0x4  }
0x8a: {  	(v2sf) =	vpush @!p2 v1, $0x0;
	_ =	sdelay $0xc  }
.Ltmp7:
0x8b: {  	_ = 	snop;
	(pc) =	sbr.rel @p1 .LBB2_19-.Ltmp7, $4  }
0x8c: {  	_ = 	snop  }
0x8d: {  	s29 =	spop @!p2 (v2sf)  }
0x8e: {  	s22 =	simm.s32 @!p2 $0x0;
	s24 =	smov.u32 s29  }
0x8f: {  	[sflag:s18] =	ssyncpa.u1 $0x0;
	s29 =	smov.u32 @p2 s28;
	s24 =	smov.u32 @p2 s30  }
0x90: {  	v1 =	vld.msk [tilespmem:s23+$0x0], $0x1;
	_ =	sdelay $0x4  }
0x91: {  	(v2sf) =	vpush v1, $0x0;
	_ =	sdelay $0xe  }
0x92: {  	s2 =	smul.u32 $0x1E000, s25;
	s0 =	spop (v2sf)  }
0x93: {  	s26 =	ssub.s32 $0x0, s26;
	p1 =	seq.s32 s29, s0  }
0x94: {  	s30 =	sadd.s32 $0x1, s26;
	s2 =	sshrl.u32 s2, $0x2;
	p2 =	sgt.s32 @!p1 s29, $0x0  }
0x95: {  	s25 =	sor.u32 $0x10738, s2;
	s2 =	smov.u32 s29;
	p2 =	por !p2, p1  }
0x96: {  	s2 =	simm.s32 @p2 $0x0;
	p2 =	seq.s32 s30, $0x0  }
.Ltmp8:
0x97: {  	_ = 	snop;
	(pc) =	sbr.rel @p2 .LBB2_11-.Ltmp8, $4  }
0x98: {  	_ = 	snop  }
0x99: {  	s28 =	simm.s32 $0x0;
	s31 =	sadd.s32 $0x1, s23;
	s2 =	smin.u32 @!p1 s2, $0x270F0  }
0x9a: {  	s4 =	simm.s32 @!p1 $0x1;
	s5 =	simm.s32 @!p1 $0x7988;
	s3 =	sand.u32 @!p1 $0x3FFF8, s2  }
0x9b: {  	s4 =	smov.u32 @p1 s28;
	s2 =	sand.u32 @!p1 $0x7, s2;
	s3 =	sadd.s32 @!p1 s1, s3  }
.LBB2_10:
0x9c: {  	s9 =	smov.u32 s4  }
0x9d: {  	[tilespmem:s5], [sflag:$0x2] =	stream.linear.gather @!p1 [hbm4b:s3+s2], $0x80, $0x38;
	[tilespmem:$0x1F6F8] =	vst v63  }
0x9e: {  	s30 =	sadd.s32 $0x1, s30;
	s2 =	smov.u32 s0;
	v1 =	vld.msk [tilespmem:s31+$0x0], $0x1  }
0x9f: {  	p2 =	seq.s32 s30, $0x0;
	_ =	sdelay $0x3  }
0xa0: {  	(v2sf) =	vpush v1, $0x0;
	_ =	sdelay $0xe  }
0xa1: {  	s0 =	spop (v2sf)  }
0xa2: {  	p1 =	seq.s32 s2, s0  }
0xa3: {  	p3 =	sgt.s32 @!p1 s2, $0x0;
	s3 =	sshll.u32 @!p1 s4, $0x9;
	s4 =	sadd.s32 @!p1 $0x1, s4  }
.Ltmp9:
0xa4: {  	p3 =	por !p3, p1;
	s3 =	sshra.s32 @!p1 s3, $0x2;
	(pc) =	sbr.rel @!p2 .LBB2_10-.Ltmp9, $4  }
0xa5: {  	s4 =	smov.u32 @p1 s9;
	s2 =	simm.s32 @p3 $0x0;
	s5 =	sadd.s32 @!p1 $0x7988, s3  }
0xa6: {  	s2 =	smin.u32 @!p1 s2, $0x270F0  }
0xa7: {  	s3 =	sand.u32 @!p1 $0x3FFF8, s2;
	s2 =	sand.u32 @!p1 $0x7, s2  }
0xa8: {  	s31 =	sadd.s32 $0x1, s31;
	s3 =	sadd.s32 @!p1 s1, s3  }
.LBB2_11:
0xa9: {  	[tilespmem:s5], [sflag:$0x2] =	stream.linear.gather @!p1 [hbm4b:s3+s2], $0x80, $0x38;
	[tilespmem:$0x1F6F8] =	vst v63  }
.Ltmp10:
0xaa: {  	s0 =	sshll.u32 s4, $0x7;
	(pc) =	sbr.rel .LBB2_12-.Ltmp10, $4  }
0xab: {  	s30 =	simm.s32 $0x2;
	s0 =	sand.u32 $0x3FFFFF80, s0  }
0xac: {  	_ =	swait.ge [sflag:s30], s0  }
0xad: {  	s0 =	ssub.s32 $0x0, s0;
	[sflag:s30] =	ssyncset.done $0x0  }
0xae: {  	s31 =	simm.s32 $0x0;
	[sflag:s30] =	ssyncadd.s32 s0  }
.LBB2_13:
0xaf: {  	v1 =	vld [tilespmem:s25+$0xFFFFFFC0];
	_ =	sdelay $0x3  }
0xb0: {  	s0 =	sshra.s32 s0, $0x2  }
0xb1: {  	[tilespmem:s0+$0x108] =	vst.add.f32.msk $0xffff, v1  }
0xb2: {  	v1 =	vld [tilespmem:s25+$0xFFFFFFD0];
	_ =	sdelay $0x4  }
0xb3: {  	[tilespmem:s0+$0x118] =	vst.add.f32.msk $0xffff, v1  }
0xb4: {  	v1 =	vld [tilespmem:s25+$0xFFFFFFE0];
	_ =	sdelay $0x4  }
0xb5: {  	[tilespmem:s0+$0x128] =	vst.add.f32.msk $0xffff, v1  }
0xb6: {  	v1 =	vld [tilespmem:s25+$0xFFFFFFF0];
	_ =	sdelay $0x4  }
0xb7: {  	[tilespmem:s0+$0x138] =	vst.add.f32.msk $0xffff, v1  }
0xb8: {  	v1 =	vld [tilespmem:s25+$0x0];
	_ =	sdelay $0x4  }
0xb9: {  	[tilespmem:s0+$0x148] =	vst.add.f32.msk $0xffff, v1  }
0xba: {  	v1 =	vld [tilespmem:s25+$0x10];
	_ =	sdelay $0x4  }
0xbb: {  	[tilespmem:s0+$0x158] =	vst.add.f32.msk $0xffff, v1  }
0xbc: {  	v1 =	vld [tilespmem:s25+$0x20];
	_ =	sdelay $0x4  }
0xbd: {  	[tilespmem:s0+$0x168] =	vst.add.f32.msk $0xffff, v1  }
0xbe: {  	v1 =	vld [tilespmem:s25+$0x30];
	_ =	sdelay $0x4  }
0xbf: {  	[tilespmem:s0+$0x178] =	vst.add.f32.msk $0xffff, v1  }
.LBB2_17:
0xc0: {  	s26 =	sadd.s32 $0x1, s26  }
0xc1: {  	p1 =	seq.s32 s26, $0x0  }
.Ltmp11:
0xc2: {  	_ = 	snop;
	(pc) =	sbr.rel @p1 .LBB2_18-.Ltmp11, $2  }
0xc3: {  	_ =	sdelay $0x2  }
0xc4: {  	s23 =	sadd.s32 $0x1, s23;
	s25 =	sadd.s32 $0x80, s25;
	s29 =	smov.u32 s30  }
.LBB2_12:
0xc5: {  	v1 =	vld.msk [tilespmem:s23+$0x0], $0x1;
	_ =	sdelay $0x4  }
0xc6: {  	(v2sf) =	vpush v1, $0x0;
	_ =	sdelay $0xe  }
0xc7: {  	s30 =	spop (v2sf)  }
0xc8: {  	p1 =	sne.s32 s29, s30  }
.Ltmp12:
0xc9: {  	_ = 	snop;
	(pc) =	sbr.rel @!p1 .LBB2_13-.Ltmp12, $2  }
0xca: {  	_ =	sdelay $0x2  }
0xcb: {  	s0 =	sshll.u32 s22, $0x9  }
0xcc: {  	p1 =	seq.s32 s29, s24  }
.Ltmp13:
0xcd: {  	_ = 	snop;
	(pc) =	sbr.rel @!p1 .LBB2_15-.Ltmp13, $1  }
0xce: {  	_ =	sdelay $0x3  }
0xcf: {  	s0 =	sshra.s32 s0, $0x2  }
.Ltmp14:
0xd0: {  	s0 =	sadd.s32 $0x108, s0;
	(pc) =	sbr.rel .LBB2_16-.Ltmp14, $4  }
0xd1: {  	[spmem:s16] =	stream.linear.scatter [tilespmem:s0], [sflag:$0x1], $0x80, $0x38;
	[tilespmem:$0x1F6F8] =	vst v63  }
0xd2: {  	_ =	swait.ge [sflag:s12], $0x80  }
0xd3: {  	[sflag:s12] =	ssyncset.done $0x0  }
0xd4: {  	[sflag:s12] =	ssyncadd.s32 $0xFFFFFF80  }
.LBB2_15:
0xd5: {  	s2 =	sshll.u32 s28, $0x9  }
0xd6: {  	s2 =	sshra.s32 s2, $0x2  }
0xd7: {  	v1 =	vld [tilespmem:s2+$0x7988];
	_ =	sdelay $0x3  }
0xd8: {  	s0 =	sshra.s32 s0, $0x2  }
0xd9: {  	[tilespmem:s0+$0x108] =	vst.add.f32.msk $0xffff, v1  }
0xda: {  	v1 =	vld [tilespmem:s2+$0x7998];
	_ =	sdelay $0x4  }
0xdb: {  	[tilespmem:s0+$0x118] =	vst.add.f32.msk $0xffff, v1  }
0xdc: {  	v1 =	vld [tilespmem:s2+$0x79A8];
	_ =	sdelay $0x4  }
0xdd: {  	[tilespmem:s0+$0x128] =	vst.add.f32.msk $0xffff, v1  }
0xde: {  	v1 =	vld [tilespmem:s2+$0x79B8];
	_ =	sdelay $0x4  }
0xdf: {  	[tilespmem:s0+$0x138] =	vst.add.f32.msk $0xffff, v1  }
0xe0: {  	v1 =	vld [tilespmem:s2+$0x79C8];
	_ =	sdelay $0x4  }
0xe1: {  	[tilespmem:s0+$0x148] =	vst.add.f32.msk $0xffff, v1  }
0xe2: {  	v1 =	vld [tilespmem:s2+$0x79D8];
	_ =	sdelay $0x4  }
0xe3: {  	[tilespmem:s0+$0x158] =	vst.add.f32.msk $0xffff, v1  }
0xe4: {  	v1 =	vld [tilespmem:s2+$0x79E8];
	_ =	sdelay $0x4  }
0xe5: {  	[tilespmem:s0+$0x168] =	vst.add.f32.msk $0xffff, v1  }
0xe6: {  	v1 =	vld [tilespmem:s2+$0x79F8];
	_ =	sdelay $0x2  }
0xe7: {  	p1 =	sgt.u32 s29, $0x270F0  }
0xe8: {  	s2 =	sand.u32 @!p1 $0x3FFF8, s29  }
0xe9: {  	s3 =	sadd.s32 $0x108, s0;
	[tilespmem:s0+$0x178] =	vst.add.f32.msk $0xffff, v1;
	s0 =	sadd.s32 @!p1 s1, s2;
	s2 =	sand.u32 @!p1 $0x7, s29  }
0xea: {  	[hbm4b:s0+s2] =	stream.linear.scatter @!p1 [tilespmem:s3], [sflag:$0xC], $0x80, $0x38;
	[tilespmem:$0x1F6F8] =	vst v63  }
0xeb: {  	s0 =	simm.s32 $0x0  }
0xec: {  	s0 =	simm.s32 @!p1 $0x200  }
0xed: {  	s31 =	sadd.s32 s0, s31  }
.LBB2_16:
0xee: {  	s0 =	sadd.s32 $0x1, s22  }
0xef: {  	s2 =	smulhi.u32 $0x88888889, s0;
	_ =	sdelay $0x1  }
0xf0: {  	v1 =	vld [tilespmem:s25+$0xFFFFFFC0];
	s2 =	sshrl.u32 s2, $0x7  }
0xf1: {  	s2 =	smul.u32 $0xF0, s2;
	_ =	sdelay $0x1  }
0xf2: {  	s22 =	ssub.s32 s0, s2  }
0xf3: {  	s0 =	sshll.u32 s22, $0x7  }
0xf4: {  	[tilespmem:s0+$0x108] =	vst v1  }
0xf5: {  	v1 =	vld [tilespmem:s25+$0xFFFFFFD0];
	_ =	sdelay $0x4  }
0xf6: {  	[tilespmem:s0+$0x118] =	vst v1  }
0xf7: {  	v1 =	vld [tilespmem:s25+$0xFFFFFFE0];
	_ =	sdelay $0x4  }
0xf8: {  	[tilespmem:s0+$0x128] =	vst v1  }
0xf9: {  	v1 =	vld [tilespmem:s25+$0xFFFFFFF0];
	_ =	sdelay $0x4  }
0xfa: {  	[tilespmem:s0+$0x138] =	vst v1  }
0xfb: {  	v1 =	vld [tilespmem:s25+$0x0];
	_ =	sdelay $0x4  }
0xfc: {  	[tilespmem:s0+$0x148] =	vst v1  }
0xfd: {  	v1 =	vld [tilespmem:s25+$0x10];
	_ =	sdelay $0x4  }
0xfe: {  	[tilespmem:s0+$0x158] =	vst v1  }
0xff: {  	v1 =	vld [tilespmem:s25+$0x20];
	_ =	sdelay $0x4  }
0x100: {  	[tilespmem:s0+$0x168] =	vst v1  }
0x101: {  	v1 =	vld [tilespmem:s25+$0x30]  }
.Ltmp15:
0x102: {  	_ = 	snop;
	(pc) =	sbr.rel .LBB2_17-.Ltmp15, $2  }
0x103: {  	_ =	sdelay $0x2  }
0x104: {  	s28 =	sadd.s32 $0x1, s28;
	[tilespmem:s0+$0x178] =	vst v1  }
.LBB2_19:
.Ltmp16:
0x105: {  	(pc) =	sbr.rel .LBB2_20-.Ltmp16, $4  }
0x106: {  	_ = 	snop  }
0x107: {  	s0 =	simm.s32 $0x2  }
0x108: {  	_ =	swait.ge [sflag:s0], $0x0  }
0x109: {  	s30 =	smov.u32 s29;
	[sflag:s0] =	ssyncset.done $0x0;
	s0 =	simm.s32 $0x0  }
.LBB2_22:
0x10a: {  	_ =	sfence.sel $0x180000  }
0x10b: {  	s0 =	simm.s32 $0x9;
	[bflag:$0x0] =	sbarrier.arrive $0xFFFF  }
0x10c: {  	s24 =	simm.s32 $0xA;
	[sflag:s0] =	ssyncpa.u1 $0x1  }
0x10d: {  	s25 =	simm.s32 $0xB;
	[sflag:s24] =	ssyncpa.u1 $0x1  }
0x10e: {  	s26 =	simm.s32 $0x2;
	[sflag:s25] =	ssyncpa.u1 $0x1  }
0x10f: {  	[sflag:s26] =	ssyncpa.u1 $0x1  }
0x110: {  	v0 =	vld [tilespmem:$0xF208];
	_ =	sdelay $0x4  }
0x111: {  	(v2sf) =	vpush v0, $0x0  }
0x112: {  	(v2sf) =	vpush v0, $0x1;
	_ =	sdelay $0x1  }
0x113: {  	(v2sf) =	vpush v0, $0x2;
	_ =	sdelay $0xb  }
0x114: {  	s0 =	spop (v2sf)  }
0x115: {  	s2 =	spop (v2sf)  }
0x116: {  	s3 =	smov.u32 s0;
	p0 =	sne.s32 s0, s2  }
0x117: {  	s4 =	spop (v2sf);
	s3 =	simm.s32 @!p0 $0xFFFFFFFF  }
0x118: {  	v2 =	vimm.s32 $0x1;
	v3 =	vlaneseq.u32;
	p0 =	seq.s32 s4, $0xFFFFFFFF;
	v1 =	vmov s3  }
0x119: {  	s16 =	stileid.u32;
	v0 =	vperm.xlane v0, v2;
	p1 =	sne.s32 @!p0 s0, s2;
	v1 =	vperm.xlane v1, v3  }
0x11a: {  	vm0 =	vcmask $0x3F04;
	s6 =	simm.s32 $0xF208;
	s0 =	simm.s32 @!p0 $0x1;
	p1 =	por !p1, p0  }
0x11b: {  	s3 =	sshll.u32 s16, $0x1;
	s2 =	sshll.u32 @!p0 s4, $0x9;
	s0 =	simm.s32 @p1 $0x0;
	v0 =	vsel vm0, v1, v0  }
0x11c: {  	s5 =	sor.u32 $0x1000, s3;
	s2 =	sshra.s32 @!p0 s2, $0x2;
	s0 =	sor.u32 @!p0 s0, s3;
	[tilespmem:$0xF208] =	vst v0  }
0x11d: {  	[spmem:s5] =	stream.linear.scatter [tilespmem:s6], [sflag:$0x1], $0x2, $0x38;
	[tilespmem:$0x1F6F8] =	vst v63  }
0x11e: {  	s2 =	sadd.s32 @!p0 $0x108, s2;
	s0 =	sshll.u32 @!p0 s0, $0x7  }
0x11f: {  	[spmem:s0] =	stream.linear.scatter @!p0 [tilespmem:s2], [sflag:$0x1], $0x80, $0x38;
	[tilespmem:$0x1F6F8] =	vst v63  }
0x120: {  	s0 =	simm.s32 @!p0 $0x82  }
0x121: {  	s28 =	simm.s32 $0x1;
	s0 =	simm.s32 @p0 $0x2  }
0x122: {  	_ =	swait.ge [sflag:s28], s0  }
0x123: {  	s0 =	ssub.s32 $0x0, s0;
	[sflag:s28] =	ssyncset.done $0x0  }
0x124: {  	p0 =	sne.s32 s16, $0x0;
	[sflag:s28] =	ssyncadd.s32 s0  }
.Ltmp17:
0x125: {  	_ =	sfence.stream.spmem;
	(pc) =	sbr.rel @p0 .LBB2_39-.Ltmp17, $4  }
0x126: {  	s29 =	simm.s32 $0x3;
	[bflag:$0x0] =	sbarrier.arrive $0xFFFF  }
0x127: {  	s30 =	simm.s32 $0x4;
	[sflag:s29] =	ssyncpa.u1 $0x1  }
0x128: {  	s31 =	simm.s32 $0x3C;
	[sflag:s30] =	ssyncpa.u1 $0x1  }
0x129: {  	s15 =	rddreg [dreg:$0x5];
	[sflag:s31] =	ssyncpa.u1 $0x1  }
0x12a: {  	_ =	sfence.stream.spmem;
	s0 =	simm.s32 $0x5  }
0x12b: {  	s2 =	simm.s32 $0x1000;
	s3 =	simm.s32 $0xF218;
	[sflag:s0] =	ssyncpa.u1 $0x0  }
0x12c: {  	[tilespmem:s3], [sflag:$0x5] =	stream.linear.gather [spmem:s2], $0x20, $0x38;
	[tilespmem:$0x1F6F8] =	vst v63  }
0x12d: {  	s26 =	simm.s32 $0x0;
	s28 =	simm.s32 $0xF238  }
0x12e: {  	[tilespmem:s28], [sflag:$0x5] =	stream.linear.gather [spmem:s26], $0x1000, $0x38;
	[tilespmem:$0x1F6F8] =	vst v63  }
0x12f: {  	_ =	swait.ge [sflag:s0], $0x1020  }
0x130: {  	[sflag:s0] =	ssyncset.done $0x0  }
0x131: {  	s29 =	simm.s32 $0x0;
	[sflag:s0] =	ssyncadd.s32 $0xFFFFEFE0  }
0x132: {  	v0 =	vld.msk [tilespmem:s29+$0xF218], $0x1;
	_ =	sdelay $0x1  }
0x133: {  	s30 =	simm.s32 $0x1  }
0x134: {  	v1 =	vld.msk [tilespmem:s30+$0xF218], $0x1;
	_ =	sdelay $0x1  }
0x135: {  	(v2sf) =	vpush v0, $0x0;
	_ =	sdelay $0x2  }
0x136: {  	(v2sf) =	vpush v1, $0x0;
	_ =	sdelay $0x2  }
0x137: {  	s31 =	simm.s32 $0x2  }
0x138: {  	v0 =	vld.msk [tilespmem:s31+$0xF218], $0x1;
	_ =	sdelay $0x2  }
0x139: {  	s4 =	simm.s32 $0xFFFFFFFF;
	s5 =	simm.s32 $0xFFFFFFFF;
	s0 =	simm.s32 $0xC  }
.LBB2_24:
0x13a: {  	s2 =	smov.u32 s5;
	s3 =	smov.u32 s4  }
0x13b: {  	s4 =	sshra.s32 s0, $0x2;
	p1 =	sne.s32 s0, $0x7C;
	s0 =	sadd.s32 $0x4, s0;
	(v2sf) =	vpush v0, $0x0  }
0x13c: {  	v0 =	vld.msk [tilespmem:s4+$0xF218], $0x1  }
.Ltmp18:
0x13d: {  	(pc) =	sbr.rel @p1 .LBB2_24-.Ltmp18, $4  }
0x13e: {  	s5 =	spop (v2sf)  }
0x13f: {  	p2 =	sne.s32 s3, $0xFFFFFFFF;
	s4 =	smov.u32 s5  }
0x140: {  	p3 =	seq.s32 s5, $0xFFFFFFFF;
	s4 =	smov.u32 @p2 s3  }
0x141: {  	s5 =	smov.u32 @p3 s2;
	s4 =	smov.u32 @p3 s3  }
0x142: {  	(v2sf) =	vpush v0, $0x0;
	_ =	sdelay $0x8  }
0x143: {  	s0 =	spop (v2sf)  }
0x144: {  	p1 =	sne.s32 s4, $0xFFFFFFFF;
	s2 =	smov.u32 s0  }
0x145: {  	s9 =	simm.s32 $0x6;
	p2 =	seq.s32 s0, $0xFFFFFFFF;
	s2 =	smov.u32 @p1 s4  }
0x146: {  	s6 =	simm.s32 $0x0;
	s2 =	smov.u32 @p2 s4;
	s3 =	spop (v2sf)  }
0x147: {  	s0 =	smov.u32 @p2 s5;
	p1 =	sne.s32 s2, $0xFFFFFFFF;
	s4 =	smov.u32 s3  }
.Ltmp19:
0x148: {  	p2 =	seq.s32 s3, $0xFFFFFFFF;
	s4 =	smov.u32 @p1 s2;
	(pc) =	sbr.rel .LBB2_26-.Ltmp19, $4  }
0x149: {  	s10 =	simm.s32 $0xF188;
	s4 =	smov.u32 @p2 s2;
	s7 =	spop (v2sf)  }
0x14a: {  	s11 =	simm.s32 $0x0;
	p1 =	sne.s32 s4, $0xFFFFFFFF;
	s8 =	smov.u32 s7  }
0x14b: {  	s3 =	smov.u32 @p2 s0;
	p2 =	seq.s32 s7, $0xFFFFFFFF;
	s8 =	smov.u32 @p1 s4  }
0x14c: {  	[sflag:s9] =	ssyncpa.u1 $0x0;
	s7 =	smov.u32 @p2 s3;
	s8 =	smov.u32 @p2 s4  }
.LBB2_32:
0x14d: {  	p1 =	sgt.u32 s12, $0x270F0  }
0x14e: {  	p2 =	seq.s32 @!p1 s12, s8  }
0x14f: {  	p1 =	por p1, p2  }
0x150: {  	p2 =	sne.s32 @!p1 s12, s7  }
0x151: {  	p1 =	por p1, !p2  }
0x152: {  	s0 =	sshll.u32 @p1 s11, $0x9  }
0x153: {  	s0 =	sand.u32 @!p1 $0x3FFF8, s12  }
0x154: {  	s2 =	sand.u32 @!p1 $0x7, s12;
	s0 =	sadd.s32 @!p1 s1, s0  }
0x155: {  	[tilespmem:s10], [sflag:$0x6] =	stream.linear.gather @!p1 [hbm4b:s0+s2], $0x80, $0x38;
	[tilespmem:$0x1F6F8] =	vst v63  }
0x156: {  	_ =	swait.ge @!p1 [sflag:s9], $0x80  }
0x157: {  	[sflag:s9] =	ssyncset.done @!p1 $0x0  }
0x158: {  	[sflag:s9] =	ssyncadd.s32 @!p1 $0xFFFFFF80  }
0x159: {  	v1 =	vld @!p1 [tilespmem:$0xF188];
	_ =	sdelay $0x2  }
0x15a: {  	s0 =	sshll.u32 @!p1 s11, $0x9  }
0x15b: {  	s2 =	sshrl.u32 @!p1 s0, $0x2  }
0x15c: {  	[tilespmem:s2+$0xF238] =	vst.add.f32.msk @!p1 $0xffff, v1  }
0x15d: {  	v1 =	vld @!p1 [tilespmem:$0xF198];
	_ =	sdelay $0x4  }
0x15e: {  	[tilespmem:s2+$0xF248] =	vst.add.f32.msk @!p1 $0xffff, v1  }
0x15f: {  	v1 =	vld @!p1 [tilespmem:$0xF1A8];
	_ =	sdelay $0x4  }
0x160: {  	[tilespmem:s2+$0xF258] =	vst.add.f32.msk @!p1 $0xffff, v1  }
0x161: {  	v1 =	vld @!p1 [tilespmem:$0xF1B8];
	_ =	sdelay $0x4  }
0x162: {  	[tilespmem:s2+$0xF268] =	vst.add.f32.msk @!p1 $0xffff, v1  }
0x163: {  	v1 =	vld @!p1 [tilespmem:$0xF1C8];
	_ =	sdelay $0x4  }
0x164: {  	[tilespmem:s2+$0xF278] =	vst.add.f32.msk @!p1 $0xffff, v1  }
0x165: {  	v1 =	vld @!p1 [tilespmem:$0xF1D8];
	_ =	sdelay $0x4  }
0x166: {  	[tilespmem:s2+$0xF288] =	vst.add.f32.msk @!p1 $0xffff, v1  }
0x167: {  	v1 =	vld @!p1 [tilespmem:$0xF1E8];
	_ =	sdelay $0x4  }
0x168: {  	[tilespmem:s2+$0xF298] =	vst.add.f32.msk @!p1 $0xffff, v1  }
0x169: {  	v1 =	vld @!p1 [tilespmem:$0xF1F8];
	_ =	sdelay $0x4  }
0x16a: {  	[tilespmem:s2+$0xF2A8] =	vst.add.f32.msk @!p1 $0xffff, v1  }
0x16b: {  	s0 =	sshrl.u32 s0, $0x2;
	[tilespmem:s6+$0xF218] =	vst.msk $0x1, v0  }
0x16c: {  	v0 =	vld [tilespmem:s0+$0xF238];
	_ =	sdelay $0x2  }
0x16d: {  	s31 =	sshll.u32 s6, $0x9  }
0x16e: {  	s2 =	sshra.s32 s31, $0x2  }
0x16f: {  	[tilespmem:s2+$0xF238] =	vst v0  }
0x170: {  	v0 =	vld [tilespmem:s0+$0xF248];
	_ =	sdelay $0x4  }
0x171: {  	[tilespmem:s2+$0xF248] =	vst v0  }
0x172: {  	v0 =	vld [tilespmem:s0+$0xF258];
	_ =	sdelay $0x4  }
0x173: {  	[tilespmem:s2+$0xF258] =	vst v0  }
0x174: {  	v0 =	vld [tilespmem:s0+$0xF268];
	_ =	sdelay $0x4  }
0x175: {  	[tilespmem:s2+$0xF268] =	vst v0  }
0x176: {  	v0 =	vld [tilespmem:s0+$0xF278];
	_ =	sdelay $0x4  }
0x177: {  	[tilespmem:s2+$0xF278] =	vst v0  }
0x178: {  	v0 =	vld [tilespmem:s0+$0xF288];
	_ =	sdelay $0x4  }
0x179: {  	[tilespmem:s2+$0xF288] =	vst v0  }
0x17a: {  	v0 =	vld [tilespmem:s0+$0xF298];
	_ =	sdelay $0x4  }
0x17b: {  	[tilespmem:s2+$0xF298] =	vst v0  }
0x17c: {  	v0 =	vld [tilespmem:s0+$0xF2A8];
	_ =	sdelay $0x4  }
0x17d: {  	s6 =	sadd.s32 $0x1, s6;
	[tilespmem:s2+$0xF2A8] =	vst v0  }
.LBB2_33:
0x17e: {  	s11 =	sadd.s32 $0x1, s11  }
0x17f: {  	p1 =	sne.s32 s11, $0x20  }
.Ltmp20:
0x180: {  	_ = 	snop;
	(pc) =	sbr.rel @!p1 .LBB2_34-.Ltmp20, $1  }
0x181: {  	_ =	sdelay $0x3  }
.LBB2_26:
0x182: {  	v0 =	vld.msk [tilespmem:s11+$0xF218], $0x1;
	_ =	sdelay $0x4  }
0x183: {  	(v2sf) =	vpush v0, $0x0;
	_ =	sdelay $0xe  }
0x184: {  	s12 =	spop (v2sf)  }
0x185: {  	p1 =	seq.s32 s12, $0xFFFFFFFF  }
.Ltmp21:
0x186: {  	_ = 	snop;
	(pc) =	sbr.rel @p1 .LBB2_33-.Ltmp21, $1  }
0x187: {  	_ =	sdelay $0x3  }
0x188: {  	p1 =	slt.s32 s6, $0x1  }
.Ltmp22:
0x189: {  	_ = 	snop;
	(pc) =	sbr.rel @p1 .LBB2_32-.Ltmp22, $1  }
0x18a: {  	_ =	sdelay $0x3  }
0x18b: {  	s13 =	simm.s32 $0xF218;
	p1 =	por $0x0, $0x0  }
0x18c: {  	v1 =	vld.msk @!p1 [tilespmem:s13+$0x0], $0x1;
	_ =	sdelay $0x4  }
0x18d: {  	(v2sf) =	vpush @!p1 v1, $0x0;
	_ =	sdelay $0xd  }
0x18e: {  	p3 =	sne.s32 s6, $0x1  }
.Ltmp23:
0x18f: {  	s0 =	spop @!p1 (v2sf);
	(pc) =	sbr.rel @!p3 .LBB2_30-.Ltmp23, $4  }
0x190: {  	p2 =	seq.s32 @!p1 s12, s0  }
0x191: {  	s14 =	simm.s32 $0x0;
	p2 =	por !p2, p1  }
0x192: {  	s2 =	simm.s32 $0xFFFFFFFF;
	s14 =	simm.s32 @p2 $0xFFFFFFFF  }
0x193: {  	s0 =	simm.s32 $0x1;
	s14 =	smov.u32 @p1 s2  }
.LBB2_29:
0x194: {  	s2 =	smov.u32 s14;
	p1 =	sne.s32 s14, $0xFFFFFFFF  }
0x195: {  	s13 =	sadd.s32 $0x1, s13;
	s14 =	smov.u32 s0;
	s0 =	sadd.s32 $0x1, s0  }
0x196: {  	p2 =	sne.s32 s6, s0;
	v1 =	vld.msk @!p1 [tilespmem:s13+$0x0], $0x1;
	_ =	sdelay $0x4  }
0x197: {  	(v2sf) =	vpush @!p1 v1, $0x0;
	_ =	sdelay $0xe  }
.Ltmp24:
0x198: {  	s3 =	spop @!p1 (v2sf);
	(pc) =	sbr.rel @p2 .LBB2_29-.Ltmp24, $4  }
0x199: {  	p3 =	seq.s32 @!p1 s12, s3  }
0x19a: {  	p3 =	por !p3, p1  }
0x19b: {  	s14 =	simm.s32 @p3 $0xFFFFFFFF  }
0x19c: {  	s14 =	smov.u32 @p1 s2  }
.LBB2_30:
0x19d: {  	p1 =	seq.s32 s14, $0xFFFFFFFF  }
.Ltmp25:
0x19e: {  	_ = 	snop;
	(pc) =	sbr.rel @p1 .LBB2_32-.Ltmp25, $1  }
0x19f: {  	_ =	sdelay $0x3  }
0x1a0: {  	s0 =	sshll.u32 s11, $0x7  }
0x1a1: {  	s0 =	sand.u32 $0x3FFFFF80, s0  }
0x1a2: {  	v0 =	vld [tilespmem:s0+$0xF238];
	_ =	sdelay $0x2  }
0x1a3: {  	s2 =	sshll.u32 s14, $0x9  }
0x1a4: {  	s2 =	sshra.s32 s2, $0x2  }
0x1a5: {  	[tilespmem:s2+$0xF238] =	vst.add.f32.msk $0xffff, v0  }
0x1a6: {  	v0 =	vld [tilespmem:s0+$0xF248];
	_ =	sdelay $0x4  }
0x1a7: {  	[tilespmem:s2+$0xF248] =	vst.add.f32.msk $0xffff, v0  }
0x1a8: {  	v0 =	vld [tilespmem:s0+$0xF258];
	_ =	sdelay $0x4  }
0x1a9: {  	[tilespmem:s2+$0xF258] =	vst.add.f32.msk $0xffff, v0  }
0x1aa: {  	v0 =	vld [tilespmem:s0+$0xF268];
	_ =	sdelay $0x4  }
0x1ab: {  	[tilespmem:s2+$0xF268] =	vst.add.f32.msk $0xffff, v0  }
0x1ac: {  	v0 =	vld [tilespmem:s0+$0xF278];
	_ =	sdelay $0x4  }
0x1ad: {  	[tilespmem:s2+$0xF278] =	vst.add.f32.msk $0xffff, v0  }
0x1ae: {  	v0 =	vld [tilespmem:s0+$0xF288];
	_ =	sdelay $0x4  }
0x1af: {  	[tilespmem:s2+$0xF288] =	vst.add.f32.msk $0xffff, v0  }
0x1b0: {  	v0 =	vld [tilespmem:s0+$0xF298];
	_ =	sdelay $0x4  }
0x1b1: {  	[tilespmem:s2+$0xF298] =	vst.add.f32.msk $0xffff, v0  }
0x1b2: {  	v0 =	vld [tilespmem:s0+$0xF2A8]  }
.Ltmp26:
0x1b3: {  	_ = 	snop;
	(pc) =	sbr.rel .LBB2_33-.Ltmp26, $2  }
0x1b4: {  	_ =	sdelay $0x2  }
0x1b5: {  	[tilespmem:s2+$0xF2A8] =	vst.add.f32.msk $0xffff, v0  }
.LBB2_34:
0x1b6: {  	s0 =	simm.s32 $0x6;
	p1 =	seq.s32 s6, $0x0  }
0x1b7: {  	[sflag:s0] =	ssyncpa.u1 $0x1;
	v0 =	vimm.s32 @p1 $0xFFFFFFFF  }
0x1b8: {  	s9 =	sadd.s32 $0xFFFFFFFF, s6;
	[tilespmem:$0x10238] =	vst @p1 v0  }
0x1b9: {  	v0 =	vld.msk @!p1 [tilespmem:s9+$0xF218], $0x1;
	_ =	sdelay $0x1  }
0x1ba: {  	v1 =	vld.msk @!p1 [tilespmem:$0xF218], $0x1;
	_ =	sdelay $0x2  }
0x1bb: {  	p2 =	seq.s32 @!p1 s9, $0x0;
	v0 =	vbroadcast @!p1 v0, $0x0  }
0x1bc: {  	vm0 =	vmmov @!p1 $0x1;
	p2 =	por !p2, p1  }
0x1bd: {  	v1 =	vnsel @!p1 vm0, $0xFFFFFFFF, v1;
	vm0 =	vcmask @!p1 $0x308;
	v0 =	vpsel !p2, $0xFFFFFFFF, v0  }
0x1be: {  	p2 =	sne.s32 @!p1 s8, s7;
	v0 =	vsel @!p1 vm0, v1, v0  }
0x1bf: {  	s0 =	simm.s32 @!p1 $0xF238;
	s2 =	simm.s32 @!p1 $0x0;
	p3 =	por !p2, p1;
	[tilespmem:$0x10238] =	vst @!p1 v0  }
0x1c0: {  	[spmem:s2] =	stream.linear.scatter @!p1 [tilespmem:s0], [sflag:$0x1], $0x80, $0x38;
	[tilespmem:$0x1F6F8] =	vst v63  }
0x1c1: {  	s0 =	sshll.u32 @!p3 s9, $0x9  }
0x1c2: {  	s0 =	sshra.s32 @!p3 s0, $0x2  }
0x1c3: {  	s2 =	simm.s32 @!p3 $0x80;
	s0 =	sadd.s32 @!p3 $0xF238, s0  }
0x1c4: {  	[spmem:s2] =	stream.linear.scatter @!p3 [tilespmem:s0], [sflag:$0x1], $0x80, $0x38;
	[tilespmem:$0x1F6F8] =	vst v63  }
0x1c5: {  	s0 =	simm.s32 @!p3 $0x1  }
0x1c6: {  	_ =	swait.ge @!p3 [sflag:s0], $0x100  }
0x1c7: {  	p1 =	por p2, p1;
	[sflag:s0] =	ssyncset.done @!p3 $0x0  }
0x1c8: {  	[sflag:s0] =	ssyncadd.s32 @!p3 $0xFFFFFF00;
	s0 =	simm.s32 @!p1 $0x1  }
0x1c9: {  	_ =	swait.ge @!p1 [sflag:s0], $0x80  }
0x1ca: {  	s29 =	simm.s32 $0x10238;
	[sflag:s0] =	ssyncset.done @!p1 $0x0  }
0x1cb: {  	s30 =	simm.s32 $0x1000;
	s31 =	simm.s32 $0x1;
	[sflag:s0] =	ssyncadd.s32 @!p1 $0xFFFFFF80  }
0x1cc: {  	[spmem:s30] =	stream.linear.scatter [tilespmem:s29], [sflag:$0x1], $0x10, $0x38;
	[tilespmem:$0x1F6F8] =	vst v63  }
0x1cd: {  	_ =	swait.ge [sflag:s31], $0x10  }
0x1ce: {  	[sflag:s31] =	ssyncset.done $0x0  }
0x1cf: {  	p1 =	seq.s32 s15, $0x0;
	s8 =	rddreg [dreg:$0x2];
	[sflag:s31] =	ssyncadd.s32 $0xFFFFFFF0  }
0x1d0: {  	s2 =	sshll.u32 @p1 s8, $0xE;
	s7 =	rddreg [dreg:$0x3]  }
0x1d1: {  	s0 =	sadd.s32 @p1 $0x15C3C, s2;
	s2 =	sshll.u32 @p1 s7, $0x11  }
0x1d2: {  	_ =	sfence.stream.spmem;
	s0 =	sor.u32 @p1 s2, s0  }
0x1d3: {  	[sflag:s0] =	ssyncadd.remote.s32 @p1 $0x1;
	s0 =	simm.s32 @p1 $0x4  }
0x1d4: {  	s3 =	simm.s32 @!p1 $0x3C;
	s2 =	sand.u32 $0xFFFFFFFE, s8;
	_ =	swait.ge @p1 [sflag:s0], $0x22  }
0x1d5: {  	s4 =	simm.s32 @!p1 $0x0;
	s2 =	sadd.s32 @!p1 $0x4, s2;
	[sflag:s0] =	ssyncset.done @p1 $0x0  }
0x1d6: {  	s5 =	simm.s32 @!p1 $0x100;
	[sflag:s0] =	ssyncadd.s32 @p1 $0xFFFFFFDE;
	s0 =	sshll.u32 @!p1 s2, $0x1A  }
0x1d7: {  	s2 =	sshll.u32 @!p1 s2, $0xD;
	s0 =	sor.u32 @!p1 s0, s7;
	_ =	swait.eq @!p1 [sflag:s3], $0x1  }
0x1d8: {  	s2 =	sor.u32 @!p1 $0x1C04, s2;
	s3 =	simm.s32 @!p1 $0x1C03;
	s0 =	sor.u32 @!p1 $0x80004000, s0  }
0x1d9: {  	[spmem:s5], [sflag:s2] =	dma.general @!p1 [spmem:s4], [sflag:s3], length:$0x20, [dreg:$0x0], stride_count:$0x0, ici_dest:s0, dma_misc:DstOpCode:WRITE  }
0x1da: {  	p2 =	slt.s32 s9, $0x2;
	s4 =	simm.s32 @!p1 $0x200;
	s5 =	simm.s32 @!p1 $0x202  }
0x1db: {  	[spmem:s5], [sflag:s2] =	dma.general @!p1 [spmem:s4], [sflag:s3], length:$0x2, [dreg:$0x0], stride_count:$0x0, ici_dest:s0, dma_misc:DstOpCode:WRITE  }
.Ltmp27:
0x1dc: {  	s0 =	simm.s32 @!p1 $0x3;
	(pc) =	sbr.rel @p2 .LBB2_38-.Ltmp27, $4  }
0x1dd: {  	s2 =	sshll.u32 @!p1 s8, $0xE;
	_ =	swait.ge @!p1 [sflag:s0], $0x22  }
0x1de: {  	s3 =	sshll.u32 @!p1 s7, $0x11;
	s2 =	sadd.s32 @!p1 $0x11C3C, s2;
	[sflag:s0] =	ssyncset.done @!p1 $0x0  }
0x1df: {  	[sflag:s0] =	ssyncadd.s32 @!p1 $0xFFFFFFDE;
	s0 =	sor.u32 @!p1 s3, s2  }
0x1e0: {  	[sflag:s0] =	ssyncadd.remote.s32 @!p1 $0xFFFFFFFF;
	s0 =	simm.s32 $0x0  }
0x1e1: {  	s0 =	simm.s32 $0xF219  }
0x1e2: {  	v0 =	vld.msk [tilespmem:s0+$0x0], $0x1;
	_ =	sdelay $0x4  }
0x1e3: {  	(v2sf) =	vpush v0, $0x0;
	_ =	sdelay $0xb  }
0x1e4: {  	s31 =	sadd.s32 $0xFFFFFFFE, s6  }
0x1e5: {  	s0 =	sadd.s32 $0xFFFFFFFF, s31  }
0x1e6: {  	p2 =	sne.s32 s0, $0x0  }
.Ltmp28:
0x1e7: {  	s2 =	spop (v2sf);
	(pc) =	sbr.rel @!p2 .LBB2_37-.Ltmp28, $4  }
0x1e8: {  	s4 =	simm.s32 $0xF2B8;
	s7 =	simm.s32 $0x0;
	p1 =	sgt.u32 s2, $0x270F0  }
0x1e9: {  	s5 =	simm.s32 $0x0;
	s6 =	simm.s32 $0xF21A;
	s3 =	sand.u32 @!p1 $0x3FFF8, s2  }
0x1ea: {  	s2 =	sand.u32 @!p1 $0x7, s2;
	s7 =	simm.s32 @!p1 $0x200;
	s3 =	sadd.s32 @!p1 s1, s3  }
0x1eb: {  	[hbm4b:s3+s2] =	stream.linear.scatter @!p1 [tilespmem:s4], [sflag:$0x5], $0x80, $0x38;
	[tilespmem:$0x1F6F8] =	vst v63  }
.LBB2_36:
0x1ec: {  	v0 =	vld.msk [tilespmem:s6+$0x0], $0x1;
	s0 =	sadd.s32 $0xFFFFFFFF, s0;
	s5 =	sadd.s32 s5, s7  }
0x1ed: {  	p1 =	sne.s32 s0, $0x0;
	_ =	sdelay $0x3  }
0x1ee: {  	(v2sf) =	vpush v0, $0x0;
	_ =	sdelay $0xe  }
.Ltmp29:
0x1ef: {  	s2 =	spop (v2sf);
	(pc) =	sbr.rel @p1 .LBB2_36-.Ltmp29, $4  }
0x1f0: {  	s7 =	simm.s32 $0x0;
	p2 =	sgt.u32 s2, $0x270F0  }
0x1f1: {  	s4 =	sadd.s32 $0x80, s4;
	s7 =	simm.s32 @!p2 $0x200;
	s3 =	sand.u32 @!p2 $0x3FFF8, s2  }
0x1f2: {  	s6 =	sadd.s32 $0x1, s6;
	s2 =	sand.u32 @!p2 $0x7, s2;
	s3 =	sadd.s32 @!p2 s1, s3  }
0x1f3: {  	[hbm4b:s3+s2] =	stream.linear.scatter @!p2 [tilespmem:s4], [sflag:$0x5], $0x80, $0x38;
	[tilespmem:$0x1F6F8] =	vst v63  }
.LBB2_37:
0x1f4: {  	s0 =	sadd.s32 s5, s7  }
0x1f5: {  	s0 =	sshrl.u32 s0, $0x2  }
.LBB2_38:
0x1f6: {  	s2 =	simm.s32 $0x5  }
0x1f7: {  	_ =	swait.ge [sflag:s2], s0  }
0x1f8: {  	s31 =	ssub.s32 $0x0, s0;
	[sflag:s2] =	ssyncset.done $0x0  }
0x1f9: {  	[sflag:s2] =	ssyncadd.s32 s31  }
0x1fa: {  	[sflag:s2] =	ssyncpa.u1 $0x1  }
.LBB2_39:
0x1fb: {  	s0 =	sor.u32 s15, s16  }
0x1fc: {  	p1 =	sne.s32 s0, $0x0  }
.Ltmp30:
0x1fd: {  	_ = 	snop;
	(pc) =	sbr.rel @p1 .LBB2_54-.Ltmp30, $3  }
0x1fe: {  	_ =	sdelay $0x1  }
0x1ff: {  	[bflag:$0x0] =	sbarrier.arrive $0xFFFF  }
0x200: {  	_ =	sfence  }
0x201: {  	s0 =	simm.s32 $0x7  }
0x202: {  	s2 =	simm.s32 $0x1000;
	s3 =	simm.s32 $0xF218;
	[sflag:s0] =	ssyncpa.u1 $0x0  }
0x203: {  	[tilespmem:s3], [sflag:$0x7] =	stream.linear.gather [spmem:s2], $0x20, $0x38;
	[tilespmem:$0x1F6F8] =	vst v63  }
0x204: {  	s30 =	simm.s32 $0xF238;
	s2 =	simm.s32 $0x0  }
0x205: {  	[tilespmem:s30], [sflag:$0x7] =	stream.linear.gather [spmem:s2], $0x1000, $0x38;
	[tilespmem:$0x1F6F8] =	vst v63  }
.Ltmp31:
0x206: {  	_ = 	snop;
	(pc) =	sbr.rel .LBB2_41-.Ltmp31, $4  }
0x207: {  	_ =	swait.ge [sflag:s0], $0x1020  }
0x208: {  	[sflag:s0] =	ssyncset.done $0x0  }
0x209: {  	s31 =	simm.s32 $0x8;
	[sflag:s0] =	ssyncadd.s32 $0xFFFFEFE0  }
0x20a: {  	s3 =	simm.s32 $0x0;
	[sflag:s31] =	ssyncpa.u1 $0x0  }
.LBB2_47:
0x20b: {  	p1 =	slt.u32 s4, $0x270F1  }
0x20c: {  	s0 =	sand.u32 @p1 $0x3FFF8, s4  }
0x20d: {  	s4 =	sand.u32 @p1 $0x7, s4;
	s5 =	simm.s32 @p1 $0xF188;
	s0 =	sadd.s32 @p1 s1, s0  }
0x20e: {  	[tilespmem:s5], [sflag:$0x8] =	stream.linear.gather @p1 [hbm4b:s0+s4], $0x80, $0x38;
	[tilespmem:$0x1F6F8] =	vst v63  }
0x20f: {  	s0 =	simm.s32 @p1 $0x8  }
0x210: {  	_ =	swait.ge @p1 [sflag:s0], $0x80  }
0x211: {  	[sflag:s0] =	ssyncset.done @p1 $0x0  }
0x212: {  	[sflag:s0] =	ssyncadd.s32 @p1 $0xFFFFFF80  }
0x213: {  	v1 =	vld @p1 [tilespmem:$0xF188];
	_ =	sdelay $0x2  }
0x214: {  	s0 =	sshll.u32 @p1 s3, $0x9  }
0x215: {  	s4 =	sshrl.u32 @p1 s0, $0x2  }
0x216: {  	[tilespmem:s4+$0xF238] =	vst.add.f32.msk @p1 $0xffff, v1  }
0x217: {  	v1 =	vld @p1 [tilespmem:$0xF198];
	_ =	sdelay $0x4  }
0x218: {  	[tilespmem:s4+$0xF248] =	vst.add.f32.msk @p1 $0xffff, v1  }
0x219: {  	v1 =	vld @p1 [tilespmem:$0xF1A8];
	_ =	sdelay $0x4  }
0x21a: {  	[tilespmem:s4+$0xF258] =	vst.add.f32.msk @p1 $0xffff, v1  }
0x21b: {  	v1 =	vld @p1 [tilespmem:$0xF1B8];
	_ =	sdelay $0x4  }
0x21c: {  	[tilespmem:s4+$0xF268] =	vst.add.f32.msk @p1 $0xffff, v1  }
0x21d: {  	v1 =	vld @p1 [tilespmem:$0xF1C8];
	_ =	sdelay $0x4  }
0x21e: {  	[tilespmem:s4+$0xF278] =	vst.add.f32.msk @p1 $0xffff, v1  }
0x21f: {  	v1 =	vld @p1 [tilespmem:$0xF1D8];
	_ =	sdelay $0x4  }
0x220: {  	[tilespmem:s4+$0xF288] =	vst.add.f32.msk @p1 $0xffff, v1  }
0x221: {  	v1 =	vld @p1 [tilespmem:$0xF1E8];
	_ =	sdelay $0x4  }
0x222: {  	[tilespmem:s4+$0xF298] =	vst.add.f32.msk @p1 $0xffff, v1  }
0x223: {  	v1 =	vld @p1 [tilespmem:$0xF1F8];
	_ =	sdelay $0x3  }
0x224: {  	s5 =	sshll.u32 @!p1 s3, $0x9  }
0x225: {  	s5 =	smov.u32 @p1 s0;
	[tilespmem:s4+$0xF2A8] =	vst.add.f32.msk @p1 $0xffff, v1  }
0x226: {  	s0 =	sshrl.u32 s5, $0x2;
	[tilespmem:s2+$0xF218] =	vst.msk $0x1, v0  }
0x227: {  	v0 =	vld [tilespmem:s0+$0xF238];
	_ =	sdelay $0x2  }
0x228: {  	s31 =	sshll.u32 s2, $0x9  }
0x229: {  	s4 =	sshra.s32 s31, $0x2  }
0x22a: {  	[tilespmem:s4+$0xF238] =	vst v0  }
0x22b: {  	v0 =	vld [tilespmem:s0+$0xF248];
	_ =	sdelay $0x4  }
0x22c: {  	[tilespmem:s4+$0xF248] =	vst v0  }
0x22d: {  	v0 =	vld [tilespmem:s0+$0xF258];
	_ =	sdelay $0x4  }
0x22e: {  	[tilespmem:s4+$0xF258] =	vst v0  }
0x22f: {  	v0 =	vld [tilespmem:s0+$0xF268];
	_ =	sdelay $0x4  }
0x230: {  	[tilespmem:s4+$0xF268] =	vst v0  }
0x231: {  	v0 =	vld [tilespmem:s0+$0xF278];
	_ =	sdelay $0x4  }
0x232: {  	[tilespmem:s4+$0xF278] =	vst v0  }
0x233: {  	v0 =	vld [tilespmem:s0+$0xF288];
	_ =	sdelay $0x4  }
0x234: {  	[tilespmem:s4+$0xF288] =	vst v0  }
0x235: {  	v0 =	vld [tilespmem:s0+$0xF298];
	_ =	sdelay $0x4  }
0x236: {  	[tilespmem:s4+$0xF298] =	vst v0  }
0x237: {  	v0 =	vld [tilespmem:s0+$0xF2A8];
	_ =	sdelay $0x4  }
0x238: {  	s2 =	sadd.s32 $0x1, s2;
	[tilespmem:s4+$0xF2A8] =	vst v0  }
.LBB2_48:
0x239: {  	s3 =	sadd.s32 $0x1, s3  }
0x23a: {  	p1 =	sne.s32 s3, $0x20  }
.Ltmp32:
0x23b: {  	_ = 	snop;
	(pc) =	sbr.rel @!p1 .LBB2_49-.Ltmp32, $1  }
0x23c: {  	_ =	sdelay $0x3  }
.LBB2_41:
0x23d: {  	v0 =	vld.msk [tilespmem:s3+$0xF218], $0x1;
	_ =	sdelay $0x4  }
0x23e: {  	(v2sf) =	vpush v0, $0x0;
	_ =	sdelay $0xe  }
0x23f: {  	s4 =	spop (v2sf)  }
0x240: {  	p1 =	seq.s32 s4, $0xFFFFFFFF  }
.Ltmp33:
0x241: {  	_ = 	snop;
	(pc) =	sbr.rel @p1 .LBB2_48-.Ltmp33, $1  }
0x242: {  	_ =	sdelay $0x3  }
0x243: {  	p1 =	slt.s32 s2, $0x1  }
.Ltmp34:
0x244: {  	_ = 	snop;
	(pc) =	sbr.rel @p1 .LBB2_47-.Ltmp34, $1  }
0x245: {  	_ =	sdelay $0x3  }
0x246: {  	s5 =	simm.s32 $0xF218;
	p1 =	por $0x0, $0x0  }
0x247: {  	v1 =	vld.msk @!p1 [tilespmem:s5+$0x0], $0x1;
	_ =	sdelay $0x4  }
0x248: {  	(v2sf) =	vpush @!p1 v1, $0x0;
	_ =	sdelay $0xd  }
0x249: {  	p3 =	sne.s32 s2, $0x1  }
.Ltmp35:
0x24a: {  	s0 =	spop @!p1 (v2sf);
	(pc) =	sbr.rel @!p3 .LBB2_45-.Ltmp35, $4  }
0x24b: {  	p2 =	seq.s32 @!p1 s4, s0  }
0x24c: {  	s6 =	simm.s32 $0x0;
	p2 =	por !p2, p1  }
0x24d: {  	s7 =	simm.s32 $0xFFFFFFFF;
	s6 =	simm.s32 @p2 $0xFFFFFFFF  }
0x24e: {  	s0 =	simm.s32 $0x1;
	s6 =	smov.u32 @p1 s7  }
.LBB2_44:
0x24f: {  	s7 =	smov.u32 s6;
	p1 =	sne.s32 s6, $0xFFFFFFFF  }
0x250: {  	s5 =	sadd.s32 $0x1, s5;
	s6 =	smov.u32 s0;
	s0 =	sadd.s32 $0x1, s0  }
0x251: {  	p2 =	sne.s32 s2, s0;
	v1 =	vld.msk @!p1 [tilespmem:s5+$0x0], $0x1;
	_ =	sdelay $0x4  }
0x252: {  	(v2sf) =	vpush @!p1 v1, $0x0;
	_ =	sdelay $0xe  }
.Ltmp36:
0x253: {  	s8 =	spop @!p1 (v2sf);
	(pc) =	sbr.rel @p2 .LBB2_44-.Ltmp36, $4  }
0x254: {  	p3 =	seq.s32 @!p1 s4, s8  }
0x255: {  	p3 =	por !p3, p1  }
0x256: {  	s6 =	simm.s32 @p3 $0xFFFFFFFF  }
0x257: {  	s6 =	smov.u32 @p1 s7  }
.LBB2_45:
0x258: {  	p1 =	seq.s32 s6, $0xFFFFFFFF  }
.Ltmp37:
0x259: {  	_ = 	snop;
	(pc) =	sbr.rel @p1 .LBB2_47-.Ltmp37, $1  }
0x25a: {  	_ =	sdelay $0x3  }
0x25b: {  	s0 =	sshll.u32 s3, $0x7  }
0x25c: {  	s0 =	sand.u32 $0x3FFFFF80, s0  }
0x25d: {  	v0 =	vld [tilespmem:s0+$0xF238];
	_ =	sdelay $0x2  }
0x25e: {  	s4 =	sshll.u32 s6, $0x9  }
0x25f: {  	s4 =	sshra.s32 s4, $0x2  }
0x260: {  	[tilespmem:s4+$0xF238] =	vst.add.f32.msk $0xffff, v0  }
0x261: {  	v0 =	vld [tilespmem:s0+$0xF248];
	_ =	sdelay $0x4  }
0x262: {  	[tilespmem:s4+$0xF248] =	vst.add.f32.msk $0xffff, v0  }
0x263: {  	v0 =	vld [tilespmem:s0+$0xF258];
	_ =	sdelay $0x4  }
0x264: {  	[tilespmem:s4+$0xF258] =	vst.add.f32.msk $0xffff, v0  }
0x265: {  	v0 =	vld [tilespmem:s0+$0xF268];
	_ =	sdelay $0x4  }
0x266: {  	[tilespmem:s4+$0xF268] =	vst.add.f32.msk $0xffff, v0  }
0x267: {  	v0 =	vld [tilespmem:s0+$0xF278];
	_ =	sdelay $0x4  }
0x268: {  	[tilespmem:s4+$0xF278] =	vst.add.f32.msk $0xffff, v0  }
0x269: {  	v0 =	vld [tilespmem:s0+$0xF288];
	_ =	sdelay $0x4  }
0x26a: {  	[tilespmem:s4+$0xF288] =	vst.add.f32.msk $0xffff, v0  }
0x26b: {  	v0 =	vld [tilespmem:s0+$0xF298];
	_ =	sdelay $0x4  }
0x26c: {  	[tilespmem:s4+$0xF298] =	vst.add.f32.msk $0xffff, v0  }
0x26d: {  	v0 =	vld [tilespmem:s0+$0xF2A8]  }
.Ltmp38:
0x26e: {  	_ = 	snop;
	(pc) =	sbr.rel .LBB2_48-.Ltmp38, $2  }
0x26f: {  	_ =	sdelay $0x2  }
0x270: {  	[tilespmem:s4+$0xF2A8] =	vst.add.f32.msk $0xffff, v0  }
.LBB2_49:
0x271: {  	p1 =	slt.s32 s2, $0x1  }
.Ltmp39:
0x272: {  	_ = 	snop;
	(pc) =	sbr.rel @p1 .LBB2_53-.Ltmp39, $3  }
0x273: {  	_ =	sdelay $0x1  }
0x274: {  	s0 =	simm.s32 $0x8  }
0x275: {  	s3 =	simm.s32 $0x0;
	[sflag:s0] =	ssyncpa.u1 $0x1  }
0x276: {  	s0 =	simm.s32 $0xF218  }
0x277: {  	v0 =	vld.msk [tilespmem:s0+$0x0], $0x1;
	_ =	sdelay $0x4  }
0x278: {  	(v2sf) =	vpush v0, $0x0;
	_ =	sdelay $0xe  }
0x279: {  	s0 =	sadd.s32 $0xFFFFFFFF, s2;
	s5 =	spop (v2sf)  }
0x27a: {  	p2 =	sne.s32 s0, $0x0;
	p1 =	sgt.u32 s5, $0x270F0  }
.Ltmp40:
0x27b: {  	s6 =	sand.u32 @!p1 $0x3FFF8, s5;
	(pc) =	sbr.rel @!p2 .LBB2_52-.Ltmp40, $4  }
0x27c: {  	s4 =	simm.s32 $0xF238;
	s5 =	sand.u32 @!p1 $0x7, s5;
	s2 =	sadd.s32 @!p1 s1, s6  }
0x27d: {  	[hbm4b:s2+s5] =	stream.linear.scatter @!p1 [tilespmem:s4], [sflag:$0x7], $0x80, $0x38;
	[tilespmem:$0x1F6F8] =	vst v63  }
0x27e: {  	s5 =	simm.s32 $0x0  }
0x27f: {  	s2 =	simm.s32 $0xF219;
	s5 =	simm.s32 @!p1 $0x200  }
.LBB2_51:
0x280: {  	v0 =	vld.msk [tilespmem:s2+$0x0], $0x1;
	s0 =	sadd.s32 $0xFFFFFFFF, s0;
	s3 =	sadd.s32 s3, s5  }
0x281: {  	p1 =	sne.s32 s0, $0x0;
	_ =	sdelay $0x3  }
0x282: {  	(v2sf) =	vpush v0, $0x0;
	_ =	sdelay $0xe  }
.Ltmp41:
0x283: {  	s6 =	spop (v2sf);
	(pc) =	sbr.rel @p1 .LBB2_51-.Ltmp41, $4  }
0x284: {  	s5 =	simm.s32 $0x0;
	p2 =	sgt.u32 s6, $0x270F0  }
0x285: {  	s4 =	sadd.s32 $0x80, s4;
	s5 =	simm.s32 @!p2 $0x200;
	s7 =	sand.u32 @!p2 $0x3FFF8, s6  }
0x286: {  	s2 =	sadd.s32 $0x1, s2;
	s6 =	sand.u32 @!p2 $0x7, s6;
	s7 =	sadd.s32 @!p2 s1, s7  }
0x287: {  	[hbm4b:s7+s6] =	stream.linear.scatter @!p2 [tilespmem:s4], [sflag:$0x7], $0x80, $0x38;
	[tilespmem:$0x1F6F8] =	vst v63  }
.LBB2_52:
0x288: {  	s0 =	sadd.s32 s3, s5  }
0x289: {  	s3 =	sshrl.u32 s0, $0x2  }
.LBB2_53:
0x28a: {  	s0 =	simm.s32 $0x7  }
0x28b: {  	_ =	swait.ge [sflag:s0], s3  }
0x28c: {  	s1 =	ssub.s32 $0x0, s3;
	[sflag:s0] =	ssyncset.done $0x0  }
0x28d: {  	[sflag:s0] =	ssyncadd.s32 s1  }
0x28e: {  	[sflag:s0] =	ssyncpa.u1 $0x1  }
.LBB2_54:
0x28f: {  	_ =	sfence;
	s0 =	simm.s32 $0x1  }
0x290: {  	[sflag:s0] =	ssyncpa.u1 $0x1  }
0x291: {  	_ =	strace $0x9000004D  }
0x292: {  	[bflag:$0x2] =	sbarrier.arrive $0xFFFF  }
0x293: {  	s0 =	rddreg [dreg:$0x4]  }
0x294: {  	s0 =	sadd.s32 @!p0 $0x100000, s0  }
0x295: {  	[sflag:s0] =	ssyncadd.tile.s32 @!p0 $0x1;
	_ =	shalt  }
.Lfunc_end2:
_tile_overlayer_lowered:
.L_overlay_start_2:
0x296: {  	(tag) =	ssettag $0x2  }
0x297: {  	s0 =	rddreg [dreg:$0x0];
	s2 =	stileid.u32  }
0x298: {  	s1 =	rddreg [dreg:$0x1];
	p0 =	sne.s32 s2, $0x0  }
0x299: {  	s3 =	rddreg [dreg:$0x2];
	[bflag:$0x3] =	sbarrier.arrive $0xFFFF;
	s2 =	simm.s32 @!p0 $0x1C01  }
0x29a: {  	[timem:s3], [sflag:s2] =	dma.local @!p0 [hbm:s0], s1  }
0x29b: {  	s0 =	simm.s32 @!p0 $0x1  }
0x29c: {  	_ =	swait.ge @!p0 [sflag:s0], s1  }
0x29d: {  	s1 =	ssub.s32 @!p0 $0x0, s1;
	[sflag:s0] =	ssyncset.done @!p0 $0x0  }
0x29e: {  	[sflag:s0] =	ssyncadd.s32 @!p0 s1  }
0x29f: {  	[bflag:$0x3] =	sbarrier.arrive $0xFFFF  }
0x2a0: {  	_ =	shalt  }

</sc_bundles>
